<compile_context>
chip_gen: v7x
topology: tpu7x:2x2x1
jax: 0.10.2.dev20260603
libtpu: 0.0.44.dev20260713+nightly
codegen_flags: <defaults>
</compile_context>

<pallas_src>
import functools

import jax
import jax.numpy as jnp
from jax import lax
from jax.experimental import pallas as pl
from jax.experimental.pallas import tpu as pltpu
from jax.experimental.pallas import tpu_sc as plsc

_CH = 128
_L = 16


def _dense_kernel(logits_ref, lse_ref, gath_ref, gidx_ref, *, n_chunks):
    x = logits_ref[0]
    W, V = x.shape
    neg = jnp.float32(-jnp.inf)
    nfull = V // _CH
    cm_main = jnp.max(x[:, : nfull * _CH].reshape(W, nfull, _CH), axis=-1)
    parts = [cm_main]
    if nfull * _CH < V:
        parts.append(jnp.max(x[:, nfull * _CH :], axis=-1, keepdims=True))
    if len(parts) == 1 or n_chunks > nfull + 1:
        parts.append(jnp.full((W, n_chunks - len(parts[1:]) - nfull), neg, jnp.float32))
    cmax = jnp.concatenate(parts, axis=1)
    m = jnp.max(cmax, axis=-1, keepdims=True)
    s = jnp.sum(jnp.exp(x - m), axis=-1, keepdims=True)
    lse_ref[0] = m + jnp.log(s)

    colc = lax.broadcasted_iota(jnp.int32, (W, n_chunks), 1)
    iota128 = lax.iota(jnp.int32, _CH)
    work = cmax
    for r in range(W):
        cm = jnp.max(work, axis=-1, keepdims=True)
        ci = jnp.min(jnp.where(work == cm, colc, n_chunks), axis=-1, keepdims=True)
        work = jnp.where(colc == ci, neg, work)
        for w in range(W):
            base = ci[w, 0] * _CH
            gath_ref[0, w, pl.ds(r * _CH, _CH)] = logits_ref[0, w, pl.ds(base, _CH)]
            gidx_ref[0, w, pl.ds(r * _CH, _CH)] = base + iota128


def _lane_iota():
    return lax.iota(jnp.int32, _L)


def _first_argmax_scan(ref, n_vecs, idx_base_fn):

    def body(i, carry):
        runv, runi = carry
        v = ref[pl.ds(i * _L, _L)]
        idx = idx_base_fn(i) + _lane_iota()
        better = (v > runv) | ((v == runv) & (idx < runi))
        return jnp.where(better, v, runv), jnp.where(better, idx, runi)

    init = (jnp.full((_L,), -jnp.inf, jnp.float32), jnp.full((_L,), jnp.int32(2**30)))
    runv, runi = lax.fori_loop(0, n_vecs, body, init)
    mx = jnp.max(runv)
    mi = jnp.min(jnp.where(runv == mx, runi, jnp.int32(2**30)))
    return mx, mi


def _mask_out(ref, pos):
    lane0 = _lane_iota() == 0
    plsc.store_scatter(
        ref,
        [jnp.full((_L,), pos, jnp.int32)],
        jnp.full((_L,), -jnp.inf, jnp.float32),
        mask=lane0,
    )


def _scatter1(ref, pos, val):
    lane0 = _lane_iota() == 0
    plsc.store_scatter(ref, [jnp.full((_L,), pos, jnp.int32)], jnp.full((_L,), val), mask=lane0)


def _vec_at(vec, w):
    return jnp.max(jnp.where(_lane_iota() == w, vec, -jnp.inf))


def _sc_stage(B, W):
    mesh = plsc.VectorSubcoreMesh(core_axis_name="c", subcore_axis_name="s")
    info = plsc.get_sparse_core_info()
    nc = info.num_cores
    nvals = W * _CH

    def body(
        gath_hbm,
        gidx_hbm,
        lse_hbm,
        scores_hbm,
        out_s,
        out_r,
        out_t,
        stage,
        vbuf,
        ibuf,
        candv,
        candi,
        outv,
        outr,
        outt,
    ):
        b = lax.axis_index("s") * nc + lax.axis_index("c")

        @pl.when(b < B)
        def _work():
            _sc_batch(
                b, gath_hbm, gidx_hbm, lse_hbm, scores_hbm, out_s, out_r, out_t,
                stage, vbuf, ibuf, candv, candi, outv, outr, outt,
            )

    def _sc_batch(
        b, gath_hbm, gidx_hbm, lse_hbm, scores_hbm, out_s, out_r, out_t,
        stage, vbuf, ibuf, candv, candi, outv, outr, outt,
    ):
        pltpu.sync_copy(lse_hbm.at[b], stage)
        lse_v = stage[...]
        pltpu.sync_copy(scores_hbm.at[b], stage)
        sc_v = stage[...]

        def beam_body(w, _):
            lse_w = _vec_at(lse_v, w)
            sc_w = _vec_at(sc_v, w)
            pltpu.sync_copy(gath_hbm.at[b, w], vbuf)
            pltpu.sync_copy(gidx_hbm.at[b, w], ibuf)

            def top_body(r, __):
                def scan_body(j, carry):
                    runv, rung, runl = carry
                    v = vbuf[pl.ds(j * _L, _L)]
                    g = ibuf[pl.ds(j * _L, _L)]
                    l = j * _L + _lane_iota()
                    better = (v > runv) | ((v == runv) & (g < rung))
                    return (
                        jnp.where(better, v, runv),
                        jnp.where(better, g, rung),
                        jnp.where(better, l, runl),
                    )

                init = (
                    jnp.full((_L,), -jnp.inf, jnp.float32),
                    jnp.full((_L,), jnp.int32(2**30)),
                    jnp.full((_L,), jnp.int32(2**30)),
                )
                runv, rung, runl = lax.fori_loop(0, nvals // _L, scan_body, init)
                mx = jnp.max(runv)
                big = jnp.int32(2**30)
                gsel = jnp.min(jnp.where(runv == mx, rung, big))
                lsel = jnp.min(jnp.where((runv == mx) & (rung == gsel), runl, big))
                _mask_out(vbuf, lsel)
                pos = w * W + r
                _scatter1(candv, pos, sc_w + mx - lse_w)
                _scatter1(candi, pos, gsel)
                return 0

            lax.fori_loop(0, W, top_body, 0)
            return 0

        lax.fori_loop(0, W, beam_body, 0)

        outv[...] = jnp.zeros((_L,), jnp.float32)
        outr[...] = jnp.zeros((_L,), jnp.int32)
        outt[...] = jnp.zeros((_L,), jnp.int32)

        def merge_body(r, __):
            mx, fi = _first_argmax_scan(candv, W * W // _L, lambda i: i * _L)
            tok16 = plsc.load_gather(candi, [jnp.full((_L,), fi, jnp.int32)])
            tok = jnp.max(tok16)
            _mask_out(candv, fi)
            _scatter1(outv, r, mx)
            _scatter1(outr, r, fi // W)
            _scatter1(outt, r, tok)
            return 0

        lax.fori_loop(0, W, merge_body, 0)
        pltpu.sync_copy(outv, out_s.at[b])
        pltpu.sync_copy(outr, out_r.at[b])
        pltpu.sync_copy(outt, out_t.at[b])

    return mesh, body


def kernel(scores, logits, beam_width):
    del beam_width
    B, W, V = logits.shape
    n_chunks = ((-(-V // _CH) + _L - 1) // _L) * _L
    lse3, gath, gidx = pl.pallas_call(
        functools.partial(_dense_kernel, n_chunks=n_chunks),
        grid=(B,),
        in_specs=[pl.BlockSpec((1, W, V), lambda b: (b, 0, 0))],
        out_specs=(
            pl.BlockSpec((1, W, 1), lambda b: (b, 0, 0)),
            pl.BlockSpec((1, W, W * _CH), lambda b: (b, 0, 0)),
            pl.BlockSpec((1, W, W * _CH), lambda b: (b, 0, 0)),
        ),
        out_shape=(
            jax.ShapeDtypeStruct((B, W, 1), jnp.float32),
            jax.ShapeDtypeStruct((B, W, W * _CH), jnp.float32),
            jax.ShapeDtypeStruct((B, W, W * _CH), jnp.int32),
        ),
    )(logits)

    lse_p = jnp.concatenate(
        [lse3.reshape(B, W), jnp.zeros((B, _L - W), jnp.float32)], axis=1
    )
    sc_p = jnp.concatenate([scores, jnp.zeros((B, _L - W), jnp.float32)], axis=1)

    mesh, body = _sc_stage(B, W)
    out_s, out_r, out_t = pl.kernel(
        body,
        mesh=mesh,
        compiler_params=pltpu.CompilerParams(
            needs_layout_passes=False, use_tc_tiling_on_sc=False
        ),
        out_type=(
            jax.ShapeDtypeStruct((B, _L), jnp.float32),
            jax.ShapeDtypeStruct((B, _L), jnp.int32),
            jax.ShapeDtypeStruct((B, _L), jnp.int32),
        ),
        scratch_types=[
            pltpu.VMEM((_L,), jnp.float32),
            pltpu.VMEM((W * _CH,), jnp.float32),
            pltpu.VMEM((W * _CH,), jnp.int32),
            pltpu.VMEM((W * W,), jnp.float32),
            pltpu.VMEM((W * W,), jnp.int32),
            pltpu.VMEM((_L,), jnp.float32),
            pltpu.VMEM((_L,), jnp.int32),
            pltpu.VMEM((_L,), jnp.int32),
        ],
    )(gath, gidx, lse_p, sc_p)
    return out_s[:, :W], out_r[:, :W], out_t[:, :W]

# --- scband reference (transcript-rebuilt; emitter-appended) ---
"""Pipeline reference for scband-beam-search-decoder-47545287967568 (READ-ONLY COPY).

The authoritative reference and input builder live on the scoring server;
editing this copy changes nothing except your own understanding.
"""

import jax, jax.numpy as jnp
import numpy as np

B, W, V = 32, 8, 100000

def setup_inputs(seed: int = 0) -> dict:
    key = jax.random.key(seed)
    k1, k2 = jax.random.split(key)
    scores = jax.random.normal(k1, (B, W), dtype=jnp.float32)
    logits = jax.random.normal(k2, (B, W, V), dtype=jnp.float32)
    return {"scores": scores, "logits": logits, "beam_width": W}


def reference(scores, logits, beam_width):
    # Faithful single-step beam pruning (extend_beams + prune_beams with all
    # beams active, which matches the module's steady-state hot loop).
    # extend_beams: lprobs = logits.reshape(B, W, V).log_softmax(-1)
    lprobs = jax.nn.log_softmax(logits, axis=-1)
    # prune_beams: extended_scores = scores.unsqueeze(-1) + lprobs
    extended = scores[:, :, None] + lprobs  # [B, W, V]
    w = scores.shape[1]
    # per-beam topk over vocab: candidate_scores, tokens = extended[b].topk(W)
    cand_scores, cand_tokens = jax.lax.top_k(extended, w)  # [B, W, W]
    # flatten and topk again across beam*W candidates
    flat = cand_scores.reshape(extended.shape[0], w * w)
    pruned_scores, token_ids = jax.lax.top_k(flat, w)  # [B, W]
    # pruned_token_row_id = floor(token_ids / beam_width)
    pruned_row = token_ids // beam_width
    # pruned_token_col_id = fmod(token_ids, num_active_beams) (num_active==W here)
    pruned_col = jnp.mod(token_ids, beam_width)
    batch_idx = jnp.arange(extended.shape[0])[:, None]
    pruned_tokens = cand_tokens[batch_idx, pruned_row, pruned_col]  # [B, W]
    return (pruned_scores, pruned_row, pruned_tokens)

if __name__ == "__main__":
    import jax
    _d = setup_inputs()
    print(jax.jit(kernel)(*tuple(_d.values())))

</pallas_src>

<mosaic_0001>
#map = affine_map<(d0, d1) -> (0, 0, 0)>
#map1 = affine_map<(d0, d1) -> (0, 0)>
module attributes {stable_mosaic.version = 14 : i64} {
  func.func @body(%arg0: i32, %arg1: i32, %arg2: memref<32x8x1024xf32, #tpu.memory_space<hbm>>, %arg3: memref<32x8x1024xi32, #tpu.memory_space<hbm>>, %arg4: memref<32x16xf32, #tpu.memory_space<hbm>>, %arg5: memref<32x16xf32, #tpu.memory_space<hbm>>, %arg6: memref<32x16xf32, #tpu.memory_space<hbm>>, %arg7: memref<32x16xi32, #tpu.memory_space<hbm>>, %arg8: memref<32x16xi32, #tpu.memory_space<hbm>>, %arg9: memref<16xf32, #tpu.memory_space<vmem>>, %arg10: memref<1024xf32, #tpu.memory_space<vmem>>, %arg11: memref<1024xi32, #tpu.memory_space<vmem>>, %arg12: memref<64xf32, #tpu.memory_space<vmem>>, %arg13: memref<64xi32, #tpu.memory_space<vmem>>, %arg14: memref<16xf32, #tpu.memory_space<vmem>>, %arg15: memref<16xi32, #tpu.memory_space<vmem>>, %arg16: memref<16xi32, #tpu.memory_space<vmem>>) attributes {dimension_semantics = [#tpu.dimension_semantics<core_parallel>, #tpu.dimension_semantics<subcore_parallel>], iteration_bounds = array<i64: 2, 16>, scalar_prefetch = 0 : i64, scratch_operands = 8 : i64, tpu.core_type = #tpu.core_type<sc_vector_subcore>, window_params = [{transform_indices = #map}, {transform_indices = #map}, {transform_indices = #map1}, {transform_indices = #map1}, {transform_indices = #map1}, {transform_indices = #map1}, {transform_indices = #map1}]} {
    %mul3A = arith.constant 2 : i32
    %mul3A_0 = arith.muli %arg1, %mul3A : i32
    %add3A = arith.addi %mul3A_0, %arg0 : i32
    %lt3A = arith.constant 32 : i32
    %lt3A_1 = arith.cmpi slt, %add3A, %lt3A : i32
    %convert_element_type3A = arith.extui %lt3A_1 : i1 to i32
    %cond3A = arith.constant 0 : i32
    %cond3A_2 = arith.cmpi ne, %convert_element_type3A, %cond3A : i32
    scf.if %cond3A_2 {
      "tpu.region"() ({
        %run_scoped3A = tpu.sem_alloc : memref<!tpu.dma_semaphore, #tpu.memory_space<semaphore_mem>>
        %dma_start3A = arith.constant 0 : i32
        %dma_start3A_29 = tpu.memref_slice %arg4[%add3A, %dma_start3A] : memref<32x16xf32, #tpu.memory_space<hbm>> -> memref<1x16xf32, #tpu.memory_space<hbm>>
        %dma_start3A_30 = tpu.memref_squeeze %dma_start3A_29 : memref<1x16xf32, #tpu.memory_space<hbm>> -> memref<16xf32, #tpu.memory_space<hbm>>
        %dma_start3A_31 = arith.constant 0 : i32
        %dma_start3A_32 = tpu.memref_slice %arg4[%add3A, %dma_start3A_31] : memref<32x16xf32, #tpu.memory_space<hbm>> -> memref<1x16xf32, #tpu.memory_space<hbm>>
        %dma_start3A_33 = tpu.memref_squeeze %dma_start3A_32 : memref<1x16xf32, #tpu.memory_space<hbm>> -> memref<16xf32, #tpu.memory_space<hbm>>
        tpu.enqueue_dma source(%dma_start3A_33 : memref<16xf32, #tpu.memory_space<hbm>>) target(%arg9 : memref<16xf32, #tpu.memory_space<vmem>>) target_semaphore(%run_scoped3A : memref<!tpu.dma_semaphore, #tpu.memory_space<semaphore_mem>>)
        %dma_wait3A = arith.constant 0 : i32
        %dma_wait3A_34 = tpu.memref_slice %arg4[%add3A, %dma_wait3A] : memref<32x16xf32, #tpu.memory_space<hbm>> -> memref<1x16xf32, #tpu.memory_space<hbm>>
        %dma_wait3A_35 = tpu.memref_squeeze %dma_wait3A_34 : memref<1x16xf32, #tpu.memory_space<hbm>> -> memref<16xf32, #tpu.memory_space<hbm>>
        %dma_wait3A_36 = arith.constant 0 : i32
        %dma_wait3A_37 = tpu.memref_slice %arg4[%add3A, %dma_wait3A_36] : memref<32x16xf32, #tpu.memory_space<hbm>> -> memref<1x16xf32, #tpu.memory_space<hbm>>
        %dma_wait3A_38 = tpu.memref_squeeze %dma_wait3A_37 : memref<1x16xf32, #tpu.memory_space<hbm>> -> memref<16xf32, #tpu.memory_space<hbm>>
        tpu.wait_dma2 semaphore(%run_scoped3A : memref<!tpu.dma_semaphore, #tpu.memory_space<semaphore_mem>>) src(%dma_wait3A_38 : memref<16xf32, #tpu.memory_space<hbm>>) dst(%arg9 : memref<16xf32, #tpu.memory_space<vmem>>)
        tpu.yield
      }) : () -> ()
      %get3A = arith.constant 0 : index
      %get3A_3 = tpu.vector_load %arg9[%get3A] {strides = array<i32>} : memref<16xf32, #tpu.memory_space<vmem>>, vector<16xf32>,
      "tpu.region"() ({
        %run_scoped3A = tpu.sem_alloc : memref<!tpu.dma_semaphore, #tpu.memory_space<semaphore_mem>>
        %dma_start3A = arith.constant 0 : i32
        %dma_start3A_29 = tpu.memref_slice %arg5[%add3A, %dma_start3A] : memref<32x16xf32, #tpu.memory_space<hbm>> -> memref<1x16xf32, #tpu.memory_space<hbm>>
        %dma_start3A_30 = tpu.memref_squeeze %dma_start3A_29 : memref<1x16xf32, #tpu.memory_space<hbm>> -> memref<16xf32, #tpu.memory_space<hbm>>
        %dma_start3A_31 = arith.constant 0 : i32
        %dma_start3A_32 = tpu.memref_slice %arg5[%add3A, %dma_start3A_31] : memref<32x16xf32, #tpu.memory_space<hbm>> -> memref<1x16xf32, #tpu.memory_space<hbm>>
        %dma_start3A_33 = tpu.memref_squeeze %dma_start3A_32 : memref<1x16xf32, #tpu.memory_space<hbm>> -> memref<16xf32, #tpu.memory_space<hbm>>
        tpu.enqueue_dma source(%dma_start3A_33 : memref<16xf32, #tpu.memory_space<hbm>>) target(%arg9 : memref<16xf32, #tpu.memory_space<vmem>>) target_semaphore(%run_scoped3A : memref<!tpu.dma_semaphore, #tpu.memory_space<semaphore_mem>>)
        %dma_wait3A = arith.constant 0 : i32
        %dma_wait3A_34 = tpu.memref_slice %arg5[%add3A, %dma_wait3A] : memref<32x16xf32, #tpu.memory_space<hbm>> -> memref<1x16xf32, #tpu.memory_space<hbm>>
        %dma_wait3A_35 = tpu.memref_squeeze %dma_wait3A_34 : memref<1x16xf32, #tpu.memory_space<hbm>> -> memref<16xf32, #tpu.memory_space<hbm>>
        %dma_wait3A_36 = arith.constant 0 : i32
        %dma_wait3A_37 = tpu.memref_slice %arg5[%add3A, %dma_wait3A_36] : memref<32x16xf32, #tpu.memory_space<hbm>> -> memref<1x16xf32, #tpu.memory_space<hbm>>
        %dma_wait3A_38 = tpu.memref_squeeze %dma_wait3A_37 : memref<1x16xf32, #tpu.memory_space<hbm>> -> memref<16xf32, #tpu.memory_space<hbm>>
        tpu.wait_dma2 semaphore(%run_scoped3A : memref<!tpu.dma_semaphore, #tpu.memory_space<semaphore_mem>>) src(%dma_wait3A_38 : memref<16xf32, #tpu.memory_space<hbm>>) dst(%arg9 : memref<16xf32, #tpu.memory_space<vmem>>)
        tpu.yield
      }) : () -> ()
      %get3A_4 = arith.constant 0 : index
      %get3A_5 = tpu.vector_load %arg9[%get3A_4] {strides = array<i32>} : memref<16xf32, #tpu.memory_space<vmem>>, vector<16xf32>,
      %scan3A = arith.constant 0 : i32
      %scan3A_6 = arith.constant 0 : i32
      %scan3A_7 = arith.constant 8 : i32
      %scan3A_8 = arith.addi %scan3A_6, %scan3A_7 : i32
      %scan3A_9 = arith.constant 1 : i32
      %scan3A_10 = scf.for %scan3A_29 = %scan3A_6 to %scan3A_8 step %scan3A_9 iter_args(%scan3A_30 = %scan3A) -> (i32)  : i32 {
        %iota3A = tpu.iota {dimensions = array<i32: 0>} : vector<16xi32>
        %eq3A = vector.broadcast %scan3A_29 : i32 to vector<16xi32>
        %eq3A_31 = arith.cmpi eq, %iota3A, %eq3A : vector<16xi32>
        %jit3A = arith.constant 0xFF800000 : f32
        %broadcast_in_dim3A_32 = vector.broadcast %jit3A : f32 to vector<16xf32>
        %select_n3A = arith.select %eq3A_31, %get3A_3, %broadcast_in_dim3A_32 : vector<16xi1>, vector<16xf32>
        %reduce_max3A = arith.constant true
        %reduce_max3A_33 = vector.broadcast %reduce_max3A : i1 to vector<16xi1>
        %reduce_max3A_34 = tpu.scan <max>, %select_n3A masked %reduce_max3A_33 : vector<16xf32>, vector<16xi1> -> vector<16xf32>
        %reduce_max3A_35 = vector.extract %reduce_max3A_34[15] : f32 from vector<16xf32>
        %iota3A_36 = tpu.iota {dimensions = array<i32: 0>} : vector<16xi32>
        %eq3A_37 = vector.broadcast %scan3A_29 : i32 to vector<16xi32>
        %eq3A_38 = arith.cmpi eq, %iota3A_36, %eq3A_37 : vector<16xi32>
        %jit3A_39 = arith.constant 0xFF800000 : f32
        %broadcast_in_dim3A_40 = vector.broadcast %jit3A_39 : f32 to vector<16xf32>
        %select_n3A_41 = arith.select %eq3A_38, %get3A_5, %broadcast_in_dim3A_40 : vector<16xi1>, vector<16xf32>
        %reduce_max3A_42 = arith.constant true
        %reduce_max3A_43 = vector.broadcast %reduce_max3A_42 : i1 to vector<16xi1>
        %reduce_max3A_44 = tpu.scan <max>, %select_n3A_41 masked %reduce_max3A_43 : vector<16xf32>, vector<16xi1> -> vector<16xf32>
        %reduce_max3A_45 = vector.extract %reduce_max3A_44[15] : f32 from vector<16xf32>
        "tpu.region"() ({
          %run_scoped3A = tpu.sem_alloc : memref<!tpu.dma_semaphore, #tpu.memory_space<semaphore_mem>>
          %dma_start3A = arith.constant 0 : i32
          %dma_start3A_54 = tpu.memref_slice %arg2[%add3A, %scan3A_29, %dma_start3A] : memref<32x8x1024xf32, #tpu.memory_space<hbm>> -> memref<1x1x1024xf32, #tpu.memory_space<hbm>>
          %dma_start3A_55 = tpu.memref_squeeze %dma_start3A_54 : memref<1x1x1024xf32, #tpu.memory_space<hbm>> -> memref<1024xf32, #tpu.memory_space<hbm>>
          %dma_start3A_56 = arith.constant 0 : i32
          %dma_start3A_57 = tpu.memref_slice %arg2[%add3A, %scan3A_29, %dma_start3A_56] : memref<32x8x1024xf32, #tpu.memory_space<hbm>> -> memref<1x1x1024xf32, #tpu.memory_space<hbm>>
          %dma_start3A_58 = tpu.memref_squeeze %dma_start3A_57 : memref<1x1x1024xf32, #tpu.memory_space<hbm>> -> memref<1024xf32, #tpu.memory_space<hbm>>
          tpu.enqueue_dma source(%dma_start3A_58 : memref<1024xf32, #tpu.memory_space<hbm>>) target(%arg10 : memref<1024xf32, #tpu.memory_space<vmem>>) target_semaphore(%run_scoped3A : memref<!tpu.dma_semaphore, #tpu.memory_space<semaphore_mem>>)
          %dma_wait3A = arith.constant 0 : i32
          %dma_wait3A_59 = tpu.memref_slice %arg2[%add3A, %scan3A_29, %dma_wait3A] : memref<32x8x1024xf32, #tpu.memory_space<hbm>> -> memref<1x1x1024xf32, #tpu.memory_space<hbm>>
          %dma_wait3A_60 = tpu.memref_squeeze %dma_wait3A_59 : memref<1x1x1024xf32, #tpu.memory_space<hbm>> -> memref<1024xf32, #tpu.memory_space<hbm>>
          %dma_wait3A_61 = arith.constant 0 : i32
          %dma_wait3A_62 = tpu.memref_slice %arg2[%add3A, %scan3A_29, %dma_wait3A_61] : memref<32x8x1024xf32, #tpu.memory_space<hbm>> -> memref<1x1x1024xf32, #tpu.memory_space<hbm>>
          %dma_wait3A_63 = tpu.memref_squeeze %dma_wait3A_62 : memref<1x1x1024xf32, #tpu.memory_space<hbm>> -> memref<1024xf32, #tpu.memory_space<hbm>>
          tpu.wait_dma2 semaphore(%run_scoped3A : memref<!tpu.dma_semaphore, #tpu.memory_space<semaphore_mem>>) src(%dma_wait3A_63 : memref<1024xf32, #tpu.memory_space<hbm>>) dst(%arg10 : memref<1024xf32, #tpu.memory_space<vmem>>)
          tpu.yield
        }) : () -> ()
        "tpu.region"() ({
          %run_scoped3A = tpu.sem_alloc : memref<!tpu.dma_semaphore, #tpu.memory_space<semaphore_mem>>
          %dma_start3A = arith.constant 0 : i32
          %dma_start3A_54 = tpu.memref_slice %arg3[%add3A, %scan3A_29, %dma_start3A] : memref<32x8x1024xi32, #tpu.memory_space<hbm>> -> memref<1x1x1024xi32, #tpu.memory_space<hbm>>
          %dma_start3A_55 = tpu.memref_squeeze %dma_start3A_54 : memref<1x1x1024xi32, #tpu.memory_space<hbm>> -> memref<1024xi32, #tpu.memory_space<hbm>>
          %dma_start3A_56 = arith.constant 0 : i32
          %dma_start3A_57 = tpu.memref_slice %arg3[%add3A, %scan3A_29, %dma_start3A_56] : memref<32x8x1024xi32, #tpu.memory_space<hbm>> -> memref<1x1x1024xi32, #tpu.memory_space<hbm>>
          %dma_start3A_58 = tpu.memref_squeeze %dma_start3A_57 : memref<1x1x1024xi32, #tpu.memory_space<hbm>> -> memref<1024xi32, #tpu.memory_space<hbm>>
          tpu.enqueue_dma source(%dma_start3A_58 : memref<1024xi32, #tpu.memory_space<hbm>>) target(%arg11 : memref<1024xi32, #tpu.memory_space<vmem>>) target_semaphore(%run_scoped3A : memref<!tpu.dma_semaphore, #tpu.memory_space<semaphore_mem>>)
          %dma_wait3A = arith.constant 0 : i32
          %dma_wait3A_59 = tpu.memref_slice %arg3[%add3A, %scan3A_29, %dma_wait3A] : memref<32x8x1024xi32, #tpu.memory_space<hbm>> -> memref<1x1x1024xi32, #tpu.memory_space<hbm>>
          %dma_wait3A_60 = tpu.memref_squeeze %dma_wait3A_59 : memref<1x1x1024xi32, #tpu.memory_space<hbm>> -> memref<1024xi32, #tpu.memory_space<hbm>>
          %dma_wait3A_61 = arith.constant 0 : i32
          %dma_wait3A_62 = tpu.memref_slice %arg3[%add3A, %scan3A_29, %dma_wait3A_61] : memref<32x8x1024xi32, #tpu.memory_space<hbm>> -> memref<1x1x1024xi32, #tpu.memory_space<hbm>>
          %dma_wait3A_63 = tpu.memref_squeeze %dma_wait3A_62 : memref<1x1x1024xi32, #tpu.memory_space<hbm>> -> memref<1024xi32, #tpu.memory_space<hbm>>
          tpu.wait_dma2 semaphore(%run_scoped3A : memref<!tpu.dma_semaphore, #tpu.memory_space<semaphore_mem>>) src(%dma_wait3A_63 : memref<1024xi32, #tpu.memory_space<hbm>>) dst(%arg11 : memref<1024xi32, #tpu.memory_space<vmem>>)
          tpu.yield
        }) : () -> ()
        %scan3A_46 = arith.constant 0 : i32
        %scan3A_47 = arith.constant 0 : i32
        %scan3A_48 = arith.constant 8 : i32
        %scan3A_49 = arith.addi %scan3A_47, %scan3A_48 : i32
        %scan3A_50 = arith.constant 1 : i32
        %scan3A_51 = scf.for %scan3A_54 = %scan3A_47 to %scan3A_49 step %scan3A_50 iter_args(%scan3A_55 = %scan3A_46) -> (i32)  : i32 {
          %broadcast_in_dim3A_56 = arith.constant 0xFF800000 : f32
          %broadcast_in_dim3A_57 = vector.broadcast %broadcast_in_dim3A_56 : f32 to vector<16xf32>
          %broadcast_in_dim3A_58 = arith.constant 1073741824 : i32
          %broadcast_in_dim3A_59 = vector.broadcast %broadcast_in_dim3A_58 : i32 to vector<16xi32>
          %broadcast_in_dim3A_60 = arith.constant 1073741824 : i32
          %broadcast_in_dim3A_61 = vector.broadcast %broadcast_in_dim3A_60 : i32 to vector<16xi32>
          %scan3A_62 = arith.constant 0 : i32
          %scan3A_63 = arith.constant 64 : i32
          %scan3A_64 = arith.addi %scan3A_62, %scan3A_63 : i32
          %scan3A_65 = arith.constant 1 : i32
          %scan3A_66:3 = scf.for %scan3A_123 = %scan3A_62 to %scan3A_64 step %scan3A_65 iter_args(%scan3A_124 = %broadcast_in_dim3A_57, %scan3A_125 = %broadcast_in_dim3A_59, %scan3A_126 = %broadcast_in_dim3A_61) -> (vector<16xf32>, vector<16xi32>, vector<16xi32>)  : i32 {
            %mul3A_127 = arith.constant 16 : i32
            %mul3A_128 = arith.muli %scan3A_123, %mul3A_127 : i32
            %get3A_129 = arith.index_cast %mul3A_128 : i32 to index
            %get3A_130 = tpu.vector_load %arg10[%get3A_129] {strides = array<i32>} : memref<1024xf32, #tpu.memory_space<vmem>>, vector<16xf32>,
            %mul3A_131 = arith.constant 16 : i32
            %mul3A_132 = arith.muli %scan3A_123, %mul3A_131 : i32
            %get3A_133 = arith.index_cast %mul3A_132 : i32 to index
            %get3A_134 = tpu.vector_load %arg11[%get3A_133] {strides = array<i32>} : memref<1024xi32, #tpu.memory_space<vmem>>, vector<16xi32>,
            %mul3A_135 = arith.constant 16 : i32
            %mul3A_136 = arith.muli %scan3A_123, %mul3A_135 : i32
            %iota3A_137 = tpu.iota {dimensions = array<i32: 0>} : vector<16xi32>
            %add3A_138 = vector.broadcast %mul3A_136 : i32 to vector<16xi32>
            %add3A_139 = arith.addi %add3A_138, %iota3A_137 : vector<16xi32>
            %gt3A = arith.cmpf ogt, %get3A_130, %scan3A_124 : vector<16xf32>
            %eq3A_140 = arith.cmpf oeq, %get3A_130, %scan3A_124 : vector<16xf32>
            %lt3A_141 = arith.cmpi slt, %get3A_134, %scan3A_125 : vector<16xi32>
            %and3A_142 = arith.andi %eq3A_140, %lt3A_141 : vector<16xi1>
            %or3A = arith.ori %gt3A, %and3A_142 : vector<16xi1>
            %select_n3A_143 = arith.select %or3A, %get3A_130, %scan3A_124 : vector<16xi1>, vector<16xf32>
            %select_n3A_144 = arith.select %or3A, %get3A_134, %scan3A_125 : vector<16xi1>, vector<16xi32>
            %select_n3A_145 = arith.select %or3A, %add3A_139, %scan3A_126 : vector<16xi1>, vector<16xi32>
            scf.yield %select_n3A_143, %select_n3A_144, %select_n3A_145 : vector<16xf32>, vector<16xi32>, vector<16xi32>
          }
          %scan3A_67 = arith.constant 64 : i32
          %reduce_max3A_68 = arith.constant true
          %reduce_max3A_69 = vector.broadcast %reduce_max3A_68 : i1 to vector<16xi1>
          %reduce_max3A_70 = tpu.scan <max>, %scan3A_66#0 masked %reduce_max3A_69 : vector<16xf32>, vector<16xi1> -> vector<16xf32>
          %reduce_max3A_71 = vector.extract %reduce_max3A_70[15] : f32 from vector<16xf32>
          %eq3A_72 = vector.broadcast %reduce_max3A_71 : f32 to vector<16xf32>
          %eq3A_73 = arith.cmpf oeq, %scan3A_66#0, %eq3A_72 : vector<16xf32>
          %jit3A_74 = arith.constant 1073741824 : i32
          %broadcast_in_dim3A_75 = vector.broadcast %jit3A_74 : i32 to vector<16xi32>
          %select_n3A_76 = arith.select %eq3A_73, %scan3A_66#1, %broadcast_in_dim3A_75 : vector<16xi1>, vector<16xi32>
          %reduce_min3A = arith.constant true
          %reduce_min3A_77 = vector.broadcast %reduce_min3A : i1 to vector<16xi1>
          %reduce_min3A_78 = arith.constant -2147483648 : i32
          %reduce_min3A_79 = vector.broadcast %reduce_min3A_78 : i32 to vector<16xi32>
          %reduce_min3A_80 = arith.xori %select_n3A_76, %reduce_min3A_79 : vector<16xi32>
          %reduce_min3A_81 = tpu.scan <min>, %reduce_min3A_80 masked %reduce_min3A_77 : vector<16xi32>, vector<16xi1> -> vector<16xi32>
          %reduce_min3A_82 = arith.xori %reduce_min3A_81, %reduce_min3A_79 : vector<16xi32>
          %reduce_min3A_83 = vector.extract %reduce_min3A_82[15] : i32 from vector<16xi32>
          %eq3A_84 = vector.broadcast %reduce_max3A_71 : f32 to vector<16xf32>
          %eq3A_85 = arith.cmpf oeq, %scan3A_66#0, %eq3A_84 : vector<16xf32>
          %eq3A_86 = vector.broadcast %reduce_min3A_83 : i32 to vector<16xi32>
          %eq3A_87 = arith.cmpi eq, %scan3A_66#1, %eq3A_86 : vector<16xi32>
          %and3A = arith.andi %eq3A_85, %eq3A_87 : vector<16xi1>
          %jit3A_88 = arith.constant 1073741824 : i32
          %broadcast_in_dim3A_89 = vector.broadcast %jit3A_88 : i32 to vector<16xi32>
          %select_n3A_90 = arith.select %and3A, %scan3A_66#2, %broadcast_in_dim3A_89 : vector<16xi1>, vector<16xi32>
          %reduce_min3A_91 = arith.constant true
          %reduce_min3A_92 = vector.broadcast %reduce_min3A_91 : i1 to vector<16xi1>
          %reduce_min3A_93 = arith.constant -2147483648 : i32
          %reduce_min3A_94 = vector.broadcast %reduce_min3A_93 : i32 to vector<16xi32>
          %reduce_min3A_95 = arith.xori %select_n3A_90, %reduce_min3A_94 : vector<16xi32>
          %reduce_min3A_96 = tpu.scan <min>, %reduce_min3A_95 masked %reduce_min3A_92 : vector<16xi32>, vector<16xi1> -> vector<16xi32>
          %reduce_min3A_97 = arith.xori %reduce_min3A_96, %reduce_min3A_94 : vector<16xi32>
          %reduce_min3A_98 = vector.extract %reduce_min3A_97[15] : i32 from vector<16xi32>
          %iota3A_99 = tpu.iota {dimensions = array<i32: 0>} : vector<16xi32>
          %eq3A_100 = arith.constant 0 : i32
          %eq3A_101 = vector.broadcast %eq3A_100 : i32 to vector<16xi32>
          %eq3A_102 = arith.cmpi eq, %iota3A_99, %eq3A_101 : vector<16xi32>
          %broadcast_in_dim3A_103 = vector.broadcast %reduce_min3A_98 : i32 to vector<16xi32>
          %broadcast_in_dim3A_104 = arith.constant 0xFF800000 : f32
          %broadcast_in_dim3A_105 = vector.broadcast %broadcast_in_dim3A_104 : f32 to vector<16xf32>
          tpu.vector_store_idx %arg10[%broadcast_in_dim3A_103], %broadcast_in_dim3A_105 masked %eq3A_102 : memref<1024xf32, #tpu.memory_space<vmem>>[vector<16xi32>], vector<16xf32>, vector<16xi1>
          %mul3A_106 = arith.constant 8 : i32
          %mul3A_107 = arith.muli %scan3A_29, %mul3A_106 : i32
          %add3A_108 = arith.addi %mul3A_107, %scan3A_54 : i32
          %add3A_109 = arith.addf %reduce_max3A_45, %reduce_max3A_71 : f32
          %sub3A = arith.subf %add3A_109, %reduce_max3A_35 : f32
          %iota3A_110 = tpu.iota {dimensions = array<i32: 0>} : vector<16xi32>
          %eq3A_111 = arith.constant 0 : i32
          %eq3A_112 = vector.broadcast %eq3A_111 : i32 to vector<16xi32>
          %eq3A_113 = arith.cmpi eq, %iota3A_110, %eq3A_112 : vector<16xi32>
          %broadcast_in_dim3A_114 = vector.broadcast %add3A_108 : i32 to vector<16xi32>
          %broadcast_in_dim3A_115 = vector.broadcast %sub3A : f32 to vector<16xf32>
          tpu.vector_store_idx %arg12[%broadcast_in_dim3A_114], %broadcast_in_dim3A_115 masked %eq3A_113 : memref<64xf32, #tpu.memory_space<vmem>>[vector<16xi32>], vector<16xf32>, vector<16xi1>
          %iota3A_116 = tpu.iota {dimensions = array<i32: 0>} : vector<16xi32>
          %eq3A_117 = arith.constant 0 : i32
          %eq3A_118 = vector.broadcast %eq3A_117 : i32 to vector<16xi32>
          %eq3A_119 = arith.cmpi eq, %iota3A_116, %eq3A_118 : vector<16xi32>
          %broadcast_in_dim3A_120 = vector.broadcast %add3A_108 : i32 to vector<16xi32>
          %broadcast_in_dim3A_121 = vector.broadcast %reduce_min3A_83 : i32 to vector<16xi32>
          tpu.vector_store_idx %arg13[%broadcast_in_dim3A_120], %broadcast_in_dim3A_121 masked %eq3A_119 : memref<64xi32, #tpu.memory_space<vmem>>[vector<16xi32>], vector<16xi32>, vector<16xi1>
          %scan3A_122 = arith.constant 0 : i32
          scf.yield %scan3A_122 : i32
        }
        %scan3A_52 = arith.constant 8 : i32
        %scan3A_53 = arith.constant 0 : i32
        scf.yield %scan3A_53 : i32
      }
      %scan3A_11 = arith.constant 8 : i32
      %broadcast_in_dim3A = arith.constant 0.000000e+00 : f32
      %broadcast_in_dim3A_12 = vector.broadcast %broadcast_in_dim3A : f32 to vector<16xf32>
      %swap3A = arith.constant 0 : index
      %swap3A_13 = tpu.vector_load %arg14[%swap3A] {strides = array<i32>} : memref<16xf32, #tpu.memory_space<vmem>>, vector<16xf32>,
      tpu.vector_store %arg14[%swap3A], %broadcast_in_dim3A_12 {strides = array<i32>} : memref<16xf32, #tpu.memory_space<vmem>>, vector<16xf32>,
      %broadcast_in_dim3A_14 = arith.constant 0 : i32
      %broadcast_in_dim3A_15 = vector.broadcast %broadcast_in_dim3A_14 : i32 to vector<16xi32>
      %swap3A_16 = arith.constant 0 : index
      %swap3A_17 = tpu.vector_load %arg15[%swap3A_16] {strides = array<i32>} : memref<16xi32, #tpu.memory_space<vmem>>, vector<16xi32>,
      tpu.vector_store %arg15[%swap3A_16], %broadcast_in_dim3A_15 {strides = array<i32>} : memref<16xi32, #tpu.memory_space<vmem>>, vector<16xi32>,
      %broadcast_in_dim3A_18 = arith.constant 0 : i32
      %broadcast_in_dim3A_19 = vector.broadcast %broadcast_in_dim3A_18 : i32 to vector<16xi32>
      %swap3A_20 = arith.constant 0 : index
      %swap3A_21 = tpu.vector_load %arg16[%swap3A_20] {strides = array<i32>} : memref<16xi32, #tpu.memory_space<vmem>>, vector<16xi32>,
      tpu.vector_store %arg16[%swap3A_20], %broadcast_in_dim3A_19 {strides = array<i32>} : memref<16xi32, #tpu.memory_space<vmem>>, vector<16xi32>,
      %scan3A_22 = arith.constant 0 : i32
      %scan3A_23 = arith.constant 0 : i32
      %scan3A_24 = arith.constant 8 : i32
      %scan3A_25 = arith.addi %scan3A_23, %scan3A_24 : i32
      %scan3A_26 = arith.constant 1 : i32
      %scan3A_27 = scf.for %scan3A_29 = %scan3A_23 to %scan3A_25 step %scan3A_26 iter_args(%scan3A_30 = %scan3A_22) -> (i32)  : i32 {
        %broadcast_in_dim3A_31 = arith.constant 0xFF800000 : f32
        %broadcast_in_dim3A_32 = vector.broadcast %broadcast_in_dim3A_31 : f32 to vector<16xf32>
        %broadcast_in_dim3A_33 = arith.constant 1073741824 : i32
        %broadcast_in_dim3A_34 = vector.broadcast %broadcast_in_dim3A_33 : i32 to vector<16xi32>
        %scan3A_35 = arith.constant 0 : i32
        %scan3A_36 = arith.constant 4 : i32
        %scan3A_37 = arith.addi %scan3A_35, %scan3A_36 : i32
        %scan3A_38 = arith.constant 1 : i32
        %scan3A_39:2 = scf.for %scan3A_105 = %scan3A_35 to %scan3A_37 step %scan3A_38 iter_args(%scan3A_106 = %broadcast_in_dim3A_32, %scan3A_107 = %broadcast_in_dim3A_34) -> (vector<16xf32>, vector<16xi32>)  : i32 {
          %mul3A_108 = arith.constant 16 : i32
          %mul3A_109 = arith.muli %scan3A_105, %mul3A_108 : i32
          %get3A_110 = arith.index_cast %mul3A_109 : i32 to index
          %get3A_111 = tpu.vector_load %arg12[%get3A_110] {strides = array<i32>} : memref<64xf32, #tpu.memory_space<vmem>>, vector<16xf32>,
          %mul3A_112 = arith.constant 16 : i32
          %mul3A_113 = arith.muli %scan3A_105, %mul3A_112 : i32
          %iota3A_114 = tpu.iota {dimensions = array<i32: 0>} : vector<16xi32>
          %add3A_115 = vector.broadcast %mul3A_113 : i32 to vector<16xi32>
          %add3A_116 = arith.addi %add3A_115, %iota3A_114 : vector<16xi32>
          %gt3A = arith.cmpf ogt, %get3A_111, %scan3A_106 : vector<16xf32>
          %eq3A_117 = arith.cmpf oeq, %get3A_111, %scan3A_106 : vector<16xf32>
          %lt3A_118 = arith.cmpi slt, %add3A_116, %scan3A_107 : vector<16xi32>
          %and3A_119 = arith.andi %eq3A_117, %lt3A_118 : vector<16xi1>
          %or3A = arith.ori %gt3A, %and3A_119 : vector<16xi1>
          %select_n3A_120 = arith.select %or3A, %get3A_111, %scan3A_106 : vector<16xi1>, vector<16xf32>
          %select_n3A_121 = arith.select %or3A, %add3A_116, %scan3A_107 : vector<16xi1>, vector<16xi32>
          scf.yield %select_n3A_120, %select_n3A_121 : vector<16xf32>, vector<16xi32>
        }
        %scan3A_40 = arith.constant 4 : i32
        %reduce_max3A = arith.constant true
        %reduce_max3A_41 = vector.broadcast %reduce_max3A : i1 to vector<16xi1>
        %reduce_max3A_42 = tpu.scan <max>, %scan3A_39#0 masked %reduce_max3A_41 : vector<16xf32>, vector<16xi1> -> vector<16xf32>
        %reduce_max3A_43 = vector.extract %reduce_max3A_42[15] : f32 from vector<16xf32>
        %eq3A = vector.broadcast %reduce_max3A_43 : f32 to vector<16xf32>
        %eq3A_44 = arith.cmpf oeq, %scan3A_39#0, %eq3A : vector<16xf32>
        %jit3A = arith.constant 1073741824 : i32
        %broadcast_in_dim3A_45 = vector.broadcast %jit3A : i32 to vector<16xi32>
        %select_n3A = arith.select %eq3A_44, %scan3A_39#1, %broadcast_in_dim3A_45 : vector<16xi1>, vector<16xi32>
        %reduce_min3A = arith.constant true
        %reduce_min3A_46 = vector.broadcast %reduce_min3A : i1 to vector<16xi1>
        %reduce_min3A_47 = arith.constant -2147483648 : i32
        %reduce_min3A_48 = vector.broadcast %reduce_min3A_47 : i32 to vector<16xi32>
        %reduce_min3A_49 = arith.xori %select_n3A, %reduce_min3A_48 : vector<16xi32>
        %reduce_min3A_50 = tpu.scan <min>, %reduce_min3A_49 masked %reduce_min3A_46 : vector<16xi32>, vector<16xi1> -> vector<16xi32>
        %reduce_min3A_51 = arith.xori %reduce_min3A_50, %reduce_min3A_48 : vector<16xi32>
        %reduce_min3A_52 = vector.extract %reduce_min3A_51[15] : i32 from vector<16xi32>
        %broadcast_in_dim3A_53 = vector.broadcast %reduce_min3A_52 : i32 to vector<16xi32>
        %gather3A = tpu.vector_load_idx %arg13[%broadcast_in_dim3A_53] : memref<64xi32, #tpu.memory_space<vmem>>[vector<16xi32>], vector<16xi32>,
        %reduce_max3A_54 = arith.constant true
        %reduce_max3A_55 = vector.broadcast %reduce_max3A_54 : i1 to vector<16xi1>
        %reduce_max3A_56 = arith.constant -2147483648 : i32
        %reduce_max3A_57 = vector.broadcast %reduce_max3A_56 : i32 to vector<16xi32>
        %reduce_max3A_58 = arith.xori %gather3A, %reduce_max3A_57 : vector<16xi32>
        %reduce_max3A_59 = tpu.scan <max>, %reduce_max3A_58 masked %reduce_max3A_55 : vector<16xi32>, vector<16xi1> -> vector<16xi32>
        %reduce_max3A_60 = arith.xori %reduce_max3A_59, %reduce_max3A_57 : vector<16xi32>
        %reduce_max3A_61 = vector.extract %reduce_max3A_60[15] : i32 from vector<16xi32>
        %iota3A = tpu.iota {dimensions = array<i32: 0>} : vector<16xi32>
        %eq3A_62 = arith.constant 0 : i32
        %eq3A_63 = vector.broadcast %eq3A_62 : i32 to vector<16xi32>
        %eq3A_64 = arith.cmpi eq, %iota3A, %eq3A_63 : vector<16xi32>
        %broadcast_in_dim3A_65 = vector.broadcast %reduce_min3A_52 : i32 to vector<16xi32>
        %broadcast_in_dim3A_66 = arith.constant 0xFF800000 : f32
        %broadcast_in_dim3A_67 = vector.broadcast %broadcast_in_dim3A_66 : f32 to vector<16xf32>
        tpu.vector_store_idx %arg12[%broadcast_in_dim3A_65], %broadcast_in_dim3A_67 masked %eq3A_64 : memref<64xf32, #tpu.memory_space<vmem>>[vector<16xi32>], vector<16xf32>, vector<16xi1>
        %iota3A_68 = tpu.iota {dimensions = array<i32: 0>} : vector<16xi32>
        %eq3A_69 = arith.constant 0 : i32
        %eq3A_70 = vector.broadcast %eq3A_69 : i32 to vector<16xi32>
        %eq3A_71 = arith.cmpi eq, %iota3A_68, %eq3A_70 : vector<16xi32>
        %broadcast_in_dim3A_72 = vector.broadcast %scan3A_29 : i32 to vector<16xi32>
        %broadcast_in_dim3A_73 = vector.broadcast %reduce_max3A_43 : f32 to vector<16xf32>
        tpu.vector_store_idx %arg14[%broadcast_in_dim3A_72], %broadcast_in_dim3A_73 masked %eq3A_71 : memref<16xf32, #tpu.memory_space<vmem>>[vector<16xi32>], vector<16xf32>, vector<16xi1>
        %jit3A_74 = arith.constant 8 : i32
        %div3A = arith.divsi %reduce_min3A_52, %jit3A_74 : i32
        %sign3A = arith.constant 0 : i32
        %sign3A_75 = arith.cmpi sgt, %reduce_min3A_52, %sign3A : i32
        %sign3A_76 = arith.extui %sign3A_75 : i1 to i32
        %sign3A_77 = arith.constant 0 : i32
        %sign3A_78 = arith.cmpi slt, %reduce_min3A_52, %sign3A_77 : i32
        %sign3A_79 = arith.extui %sign3A_78 : i1 to i32
        %sign3A_80 = arith.subi %sign3A_76, %sign3A_79 : i32
        %sign3A_81 = arith.constant 0 : i32
        %sign3A_82 = arith.cmpi sgt, %jit3A_74, %sign3A_81 : i32
        %sign3A_83 = arith.extui %sign3A_82 : i1 to i32
        %sign3A_84 = arith.constant 0 : i32
        %sign3A_85 = arith.cmpi slt, %jit3A_74, %sign3A_84 : i32
        %sign3A_86 = arith.extui %sign3A_85 : i1 to i32
        %sign3A_87 = arith.subi %sign3A_83, %sign3A_86 : i32
        %ne3A = arith.cmpi ne, %sign3A_80, %sign3A_87 : i32
        %rem3A = arith.remsi %reduce_min3A_52, %jit3A_74 : i32
        %ne3A_88 = arith.constant 0 : i32
        %ne3A_89 = arith.cmpi ne, %rem3A, %ne3A_88 : i32
        %and3A = arith.andi %ne3A, %ne3A_89 : i1
        %sub3A = arith.constant 1 : i32
        %sub3A_90 = arith.subi %div3A, %sub3A : i32
        %select_n3A_91 = arith.select %and3A, %sub3A_90, %div3A : i32
        %iota3A_92 = tpu.iota {dimensions = array<i32: 0>} : vector<16xi32>
        %eq3A_93 = arith.constant 0 : i32
        %eq3A_94 = vector.broadcast %eq3A_93 : i32 to vector<16xi32>
        %eq3A_95 = arith.cmpi eq, %iota3A_92, %eq3A_94 : vector<16xi32>
        %broadcast_in_dim3A_96 = vector.broadcast %scan3A_29 : i32 to vector<16xi32>
        %broadcast_in_dim3A_97 = vector.broadcast %select_n3A_91 : i32 to vector<16xi32>
        tpu.vector_store_idx %arg15[%broadcast_in_dim3A_96], %broadcast_in_dim3A_97 masked %eq3A_95 : memref<16xi32, #tpu.memory_space<vmem>>[vector<16xi32>], vector<16xi32>, vector<16xi1>
        %iota3A_98 = tpu.iota {dimensions = array<i32: 0>} : vector<16xi32>
        %eq3A_99 = arith.constant 0 : i32
        %eq3A_100 = vector.broadcast %eq3A_99 : i32 to vector<16xi32>
        %eq3A_101 = arith.cmpi eq, %iota3A_98, %eq3A_100 : vector<16xi32>
        %broadcast_in_dim3A_102 = vector.broadcast %scan3A_29 : i32 to vector<16xi32>
        %broadcast_in_dim3A_103 = vector.broadcast %reduce_max3A_61 : i32 to vector<16xi32>
        tpu.vector_store_idx %arg16[%broadcast_in_dim3A_102], %broadcast_in_dim3A_103 masked %eq3A_101 : memref<16xi32, #tpu.memory_space<vmem>>[vector<16xi32>], vector<16xi32>, vector<16xi1>
        %scan3A_104 = arith.constant 0 : i32
        scf.yield %scan3A_104 : i32
      }
      %scan3A_28 = arith.constant 8 : i32
      "tpu.region"() ({
        %run_scoped3A = tpu.sem_alloc : memref<!tpu.dma_semaphore, #tpu.memory_space<semaphore_mem>>
        %dma_start3A = arith.constant 0 : i32
        %dma_start3A_29 = tpu.memref_slice %arg6[%add3A, %dma_start3A] : memref<32x16xf32, #tpu.memory_space<hbm>> -> memref<1x16xf32, #tpu.memory_space<hbm>>
        %dma_start3A_30 = tpu.memref_squeeze %dma_start3A_29 : memref<1x16xf32, #tpu.memory_space<hbm>> -> memref<16xf32, #tpu.memory_space<hbm>>
        %dma_start3A_31 = arith.constant 0 : i32
        %dma_start3A_32 = tpu.memref_slice %arg6[%add3A, %dma_start3A_31] : memref<32x16xf32, #tpu.memory_space<hbm>> -> memref<1x16xf32, #tpu.memory_space<hbm>>
        %dma_start3A_33 = tpu.memref_squeeze %dma_start3A_32 : memref<1x16xf32, #tpu.memory_space<hbm>> -> memref<16xf32, #tpu.memory_space<hbm>>
        tpu.enqueue_dma source(%arg14 : memref<16xf32, #tpu.memory_space<vmem>>) target(%dma_start3A_33 : memref<16xf32, #tpu.memory_space<hbm>>) target_semaphore(%run_scoped3A : memref<!tpu.dma_semaphore, #tpu.memory_space<semaphore_mem>>)
        %dma_wait3A = arith.constant 0 : i32
        %dma_wait3A_34 = tpu.memref_slice %arg6[%add3A, %dma_wait3A] : memref<32x16xf32, #tpu.memory_space<hbm>> -> memref<1x16xf32, #tpu.memory_space<hbm>>
        %dma_wait3A_35 = tpu.memref_squeeze %dma_wait3A_34 : memref<1x16xf32, #tpu.memory_space<hbm>> -> memref<16xf32, #tpu.memory_space<hbm>>
        %dma_wait3A_36 = arith.constant 0 : i32
        %dma_wait3A_37 = tpu.memref_slice %arg6[%add3A, %dma_wait3A_36] : memref<32x16xf32, #tpu.memory_space<hbm>> -> memref<1x16xf32, #tpu.memory_space<hbm>>
        %dma_wait3A_38 = tpu.memref_squeeze %dma_wait3A_37 : memref<1x16xf32, #tpu.memory_space<hbm>> -> memref<16xf32, #tpu.memory_space<hbm>>
        tpu.wait_dma2 semaphore(%run_scoped3A : memref<!tpu.dma_semaphore, #tpu.memory_space<semaphore_mem>>) src(%arg14 : memref<16xf32, #tpu.memory_space<vmem>>) dst(%dma_wait3A_38 : memref<16xf32, #tpu.memory_space<hbm>>)
        tpu.yield
      }) : () -> ()
      "tpu.region"() ({
        %run_scoped3A = tpu.sem_alloc : memref<!tpu.dma_semaphore, #tpu.memory_space<semaphore_mem>>
        %dma_start3A = arith.constant 0 : i32
        %dma_start3A_29 = tpu.memref_slice %arg7[%add3A, %dma_start3A] : memref<32x16xi32, #tpu.memory_space<hbm>> -> memref<1x16xi32, #tpu.memory_space<hbm>>
        %dma_start3A_30 = tpu.memref_squeeze %dma_start3A_29 : memref<1x16xi32, #tpu.memory_space<hbm>> -> memref<16xi32, #tpu.memory_space<hbm>>
        %dma_start3A_31 = arith.constant 0 : i32
        %dma_start3A_32 = tpu.memref_slice %arg7[%add3A, %dma_start3A_31] : memref<32x16xi32, #tpu.memory_space<hbm>> -> memref<1x16xi32, #tpu.memory_space<hbm>>
        %dma_start3A_33 = tpu.memref_squeeze %dma_start3A_32 : memref<1x16xi32, #tpu.memory_space<hbm>> -> memref<16xi32, #tpu.memory_space<hbm>>
        tpu.enqueue_dma source(%arg15 : memref<16xi32, #tpu.memory_space<vmem>>) target(%dma_start3A_33 : memref<16xi32, #tpu.memory_space<hbm>>) target_semaphore(%run_scoped3A : memref<!tpu.dma_semaphore, #tpu.memory_space<semaphore_mem>>)
        %dma_wait3A = arith.constant 0 : i32
        %dma_wait3A_34 = tpu.memref_slice %arg7[%add3A, %dma_wait3A] : memref<32x16xi32, #tpu.memory_space<hbm>> -> memref<1x16xi32, #tpu.memory_space<hbm>>
        %dma_wait3A_35 = tpu.memref_squeeze %dma_wait3A_34 : memref<1x16xi32, #tpu.memory_space<hbm>> -> memref<16xi32, #tpu.memory_space<hbm>>
        %dma_wait3A_36 = arith.constant 0 : i32
        %dma_wait3A_37 = tpu.memref_slice %arg7[%add3A, %dma_wait3A_36] : memref<32x16xi32, #tpu.memory_space<hbm>> -> memref<1x16xi32, #tpu.memory_space<hbm>>
        %dma_wait3A_38 = tpu.memref_squeeze %dma_wait3A_37 : memref<1x16xi32, #tpu.memory_space<hbm>> -> memref<16xi32, #tpu.memory_space<hbm>>
        tpu.wait_dma2 semaphore(%run_scoped3A : memref<!tpu.dma_semaphore, #tpu.memory_space<semaphore_mem>>) src(%arg15 : memref<16xi32, #tpu.memory_space<vmem>>) dst(%dma_wait3A_38 : memref<16xi32, #tpu.memory_space<hbm>>)
        tpu.yield
      }) : () -> ()
      "tpu.region"() ({
        %run_scoped3A = tpu.sem_alloc : memref<!tpu.dma_semaphore, #tpu.memory_space<semaphore_mem>>
        %dma_start3A = arith.constant 0 : i32
        %dma_start3A_29 = tpu.memref_slice %arg8[%add3A, %dma_start3A] : memref<32x16xi32, #tpu.memory_space<hbm>> -> memref<1x16xi32, #tpu.memory_space<hbm>>
        %dma_start3A_30 = tpu.memref_squeeze %dma_start3A_29 : memref<1x16xi32, #tpu.memory_space<hbm>> -> memref<16xi32, #tpu.memory_space<hbm>>
        %dma_start3A_31 = arith.constant 0 : i32
        %dma_start3A_32 = tpu.memref_slice %arg8[%add3A, %dma_start3A_31] : memref<32x16xi32, #tpu.memory_space<hbm>> -> memref<1x16xi32, #tpu.memory_space<hbm>>
        %dma_start3A_33 = tpu.memref_squeeze %dma_start3A_32 : memref<1x16xi32, #tpu.memory_space<hbm>> -> memref<16xi32, #tpu.memory_space<hbm>>
        tpu.enqueue_dma source(%arg16 : memref<16xi32, #tpu.memory_space<vmem>>) target(%dma_start3A_33 : memref<16xi32, #tpu.memory_space<hbm>>) target_semaphore(%run_scoped3A : memref<!tpu.dma_semaphore, #tpu.memory_space<semaphore_mem>>)
        %dma_wait3A = arith.constant 0 : i32
        %dma_wait3A_34 = tpu.memref_slice %arg8[%add3A, %dma_wait3A] : memref<32x16xi32, #tpu.memory_space<hbm>> -> memref<1x16xi32, #tpu.memory_space<hbm>>
        %dma_wait3A_35 = tpu.memref_squeeze %dma_wait3A_34 : memref<1x16xi32, #tpu.memory_space<hbm>> -> memref<16xi32, #tpu.memory_space<hbm>>
        %dma_wait3A_36 = arith.constant 0 : i32
        %dma_wait3A_37 = tpu.memref_slice %arg8[%add3A, %dma_wait3A_36] : memref<32x16xi32, #tpu.memory_space<hbm>> -> memref<1x16xi32, #tpu.memory_space<hbm>>
        %dma_wait3A_38 = tpu.memref_squeeze %dma_wait3A_37 : memref<1x16xi32, #tpu.memory_space<hbm>> -> memref<16xi32, #tpu.memory_space<hbm>>
        tpu.wait_dma2 semaphore(%run_scoped3A : memref<!tpu.dma_semaphore, #tpu.memory_space<semaphore_mem>>) src(%arg16 : memref<16xi32, #tpu.memory_space<vmem>>) dst(%dma_wait3A_38 : memref<16xi32, #tpu.memory_space<hbm>>)
        tpu.yield
      }) : () -> ()
    } else {
    }
    return
  }
}

module attributes {stable_mosaic.version = 14 : i64} {
  func.func @_dense_kernel(%arg0: i32, %arg1: memref<1x8x100000xf32, #tpu.memory_space<vmem>>, %arg2: memref<1x8x1xf32, #tpu.memory_space<vmem>>, %arg3: memref<1x8x1024xf32, #tpu.memory_space<vmem>>, %arg4: memref<1x8x1024xi32, #tpu.memory_space<vmem>>) attributes {dimension_semantics = [#tpu.dimension_semantics<arbitrary>], iteration_bounds = array<i64: 32>, scalar_prefetch = 0 : i64, scratch_operands = 0 : i64, tpu.core_type = #tpu.core_type<tc>, window_params = [{transform_indices = @transform_0, window_bounds = array<i64: 1, 8, 100000>}, {transform_indices = @transform_1, window_bounds = array<i64: 1, 8, 1>}, {transform_indices = @transform_2, window_bounds = array<i64: 1, 8, 1024>}, {transform_indices = @transform_3, window_bounds = array<i64: 1, 8, 1024>}]} {
    %get3A = arith.constant 0 : index
    %get3A_0 = arith.constant 0 : index
    %get3A_1 = arith.constant 0 : index
    %get3A_2 = vector.load %arg1[%get3A, %get3A_0, %get3A_1] : memref<1x8x100000xf32, #tpu.memory_space<vmem>>, vector<1x8x100000xf32>
    %get3A_3 = vector.shape_cast %get3A_2 : vector<1x8x100000xf32> to vector<8x100000xf32>
    %slice3A = vector.extract_strided_slice %get3A_3 {offsets = [0, 0], sizes = [8, 99968], strides = [1, 1]} : vector<8x100000xf32> to vector<8x99968xf32>
    %reshape3A = vector.shape_cast %slice3A : vector<8x99968xf32> to vector<8x781x128xf32>
    %reduce_max3A = arith.constant dense<0xFF800000> : vector<8x781xf32>
    %reduce_max3A_4 = vector.multi_reduction <maximumf>, %reshape3A, %reduce_max3A [2] : vector<8x781x128xf32> to vector<8x781xf32>
    %slice3A_5 = vector.extract_strided_slice %get3A_3 {offsets = [0, 99968], sizes = [8, 32], strides = [1, 1]} : vector<8x100000xf32> to vector<8x32xf32>
    %reduce_max3A_6 = arith.constant dense<0xFF800000> : vector<8xf32>
    %reduce_max3A_7 = vector.multi_reduction <maximumf>, %slice3A_5, %reduce_max3A_6 [1] : vector<8x32xf32> to vector<8xf32>
    %broadcast_in_dim3A = vector.shape_cast %reduce_max3A_7 : vector<8xf32> to vector<8x1xf32>
    %broadcast_in_dim3A_8 = arith.constant 0xFF800000 : f32
    %broadcast_in_dim3A_9 = vector.broadcast %broadcast_in_dim3A_8 : f32 to vector<8x2xf32>
    %concatenate3A = tpu.concatenate %reduce_max3A_4, %broadcast_in_dim3A, %broadcast_in_dim3A_9 in 1 : vector<8x781xf32>, vector<8x1xf32>, vector<8x2xf32> -> vector<8x784xf32>
    %reduce_max3A_10 = arith.constant dense<0xFF800000> : vector<8xf32>
    %reduce_max3A_11 = vector.multi_reduction <maximumf>, %concatenate3A, %reduce_max3A_10 [1] : vector<8x784xf32> to vector<8xf32>
    %broadcast_in_dim3A_12 = vector.shape_cast %reduce_max3A_11 : vector<8xf32> to vector<8x1xf32>
    %sub3A = vector.broadcast %broadcast_in_dim3A_12 : vector<8x1xf32> to vector<8x100000xf32>
    %sub3A_13 = arith.subf %get3A_3, %sub3A : vector<8x100000xf32>
    %exp3A = math.exp %sub3A_13 : vector<8x100000xf32>
    %reduce_sum3A = arith.constant dense<0.000000e+00> : vector<8xf32>
    %reduce_sum3A_14 = vector.multi_reduction <add>, %exp3A, %reduce_sum3A [1] : vector<8x100000xf32> to vector<8xf32>
    %broadcast_in_dim3A_15 = vector.shape_cast %reduce_sum3A_14 : vector<8xf32> to vector<8x1xf32>
    %log3A = math.log %broadcast_in_dim3A_15 : vector<8x1xf32>
    %add3A = arith.addf %broadcast_in_dim3A_12, %log3A : vector<8x1xf32>
    %swap3A = arith.constant 0 : index
    %swap3A_16 = arith.constant 0 : index
    %swap3A_17 = arith.constant 0 : index
    %swap3A_18 = vector.load %arg2[%swap3A, %swap3A_16, %swap3A_17] : memref<1x8x1xf32, #tpu.memory_space<vmem>>, vector<1x8x1xf32>
    %swap3A_19 = vector.shape_cast %swap3A_18 : vector<1x8x1xf32> to vector<8x1xf32>
    %swap3A_20 = vector.shape_cast %add3A : vector<8x1xf32> to vector<1x8x1xf32>
    tpu.vector_store %arg2[%swap3A, %swap3A_16, %swap3A_17], %swap3A_20 {strides = array<i32>} : memref<1x8x1xf32, #tpu.memory_space<vmem>>, vector<1x8x1xf32>,
    %iota3A = tpu.iota {dimensions = array<i32: 1>} : vector<8x784xi32>
    %iota3A_21 = tpu.iota {dimensions = array<i32: 1>} : vector<1x128xi32>
    %iota3A_22 = vector.shape_cast %iota3A_21 : vector<1x128xi32> to vector<128xi32>
    %reduce_max3A_23 = arith.constant dense<0xFF800000> : vector<8xf32>
    %reduce_max3A_24 = vector.multi_reduction <maximumf>, %concatenate3A, %reduce_max3A_23 [1] : vector<8x784xf32> to vector<8xf32>
    %broadcast_in_dim3A_25 = vector.shape_cast %reduce_max3A_24 : vector<8xf32> to vector<8x1xf32>
    %eq3A = vector.broadcast %broadcast_in_dim3A_25 : vector<8x1xf32> to vector<8x784xf32>
    %eq3A_26 = arith.cmpf oeq, %concatenate3A, %eq3A : vector<8x784xf32>
    %jit3A = arith.constant 784 : i32
    %broadcast_in_dim3A_27 = vector.broadcast %jit3A : i32 to vector<8x784xi32>
    %select_n3A = arith.select %eq3A_26, %iota3A, %broadcast_in_dim3A_27 : vector<8x784xi1>, vector<8x784xi32>
    %reduce_min3A = arith.constant dense<2147483647> : vector<8xi32>
    %reduce_min3A_28 = vector.multi_reduction <minsi>, %select_n3A, %reduce_min3A [1] : vector<8x784xi32> to vector<8xi32>
    %broadcast_in_dim3A_29 = vector.shape_cast %reduce_min3A_28 : vector<8xi32> to vector<8x1xi32>
    %eq3A_30 = vector.broadcast %broadcast_in_dim3A_29 : vector<8x1xi32> to vector<8x784xi32>
    %eq3A_31 = arith.cmpi eq, %iota3A, %eq3A_30 : vector<8x784xi32>
    %jit3A_32 = arith.constant 0xFF800000 : f32
    %broadcast_in_dim3A_33 = vector.broadcast %jit3A_32 : f32 to vector<8x784xf32>
    %select_n3A_34 = arith.select %eq3A_31, %broadcast_in_dim3A_33, %concatenate3A : vector<8x784xi1>, vector<8x784xf32>
    %slice3A_35 = vector.extract_strided_slice %broadcast_in_dim3A_29 {offsets = [0, 0], sizes = [1, 1], strides = [1, 1]} : vector<8x1xi32> to vector<1x1xi32>
    %squeeze3A = vector.extract %slice3A_35[0, 0] : i32 from vector<1x1xi32>
    %mul3A = arith.constant 128 : i32
    %mul3A_36 = arith.muli %squeeze3A, %mul3A : i32
    %get3A_37 = arith.constant 0 : index
    %get3A_38 = arith.constant 0 : index
    %get3A_39 = arith.index_cast %mul3A_36 : i32 to index
    %get3A_40 = vector.load %arg1[%get3A_37, %get3A_38, %get3A_39] : memref<1x8x100000xf32, #tpu.memory_space<vmem>>, vector<1x1x128xf32>
    %get3A_41 = vector.shape_cast %get3A_40 : vector<1x1x128xf32> to vector<128xf32>
    %swap3A_42 = arith.constant 0 : index
    %swap3A_43 = arith.constant 0 : index
    %swap3A_44 = arith.constant 0 : index
    %swap3A_45 = vector.load %arg3[%swap3A_42, %swap3A_43, %swap3A_44] : memref<1x8x1024xf32, #tpu.memory_space<vmem>>, vector<1x1x128xf32>
    %swap3A_46 = vector.shape_cast %swap3A_45 : vector<1x1x128xf32> to vector<128xf32>
    %swap3A_47 = vector.shape_cast %get3A_41 : vector<128xf32> to vector<1x1x128xf32>
    tpu.vector_store %arg3[%swap3A_42, %swap3A_43, %swap3A_44], %swap3A_47 {strides = array<i32>} : memref<1x8x1024xf32, #tpu.memory_space<vmem>>, vector<1x1x128xf32>,
    %add3A_48 = vector.broadcast %mul3A_36 : i32 to vector<128xi32>
    %add3A_49 = arith.addi %add3A_48, %iota3A_22 : vector<128xi32>
    %swap3A_50 = arith.constant 0 : index
    %swap3A_51 = arith.constant 0 : index
    %swap3A_52 = arith.constant 0 : index
    %swap3A_53 = vector.load %arg4[%swap3A_50, %swap3A_51, %swap3A_52] : memref<1x8x1024xi32, #tpu.memory_space<vmem>>, vector<1x1x128xi32>
    %swap3A_54 = vector.shape_cast %swap3A_53 : vector<1x1x128xi32> to vector<128xi32>
    %swap3A_55 = vector.shape_cast %add3A_49 : vector<128xi32> to vector<1x1x128xi32>
    tpu.vector_store %arg4[%swap3A_50, %swap3A_51, %swap3A_52], %swap3A_55 {strides = array<i32>} : memref<1x8x1024xi32, #tpu.memory_space<vmem>>, vector<1x1x128xi32>,
    %slice3A_56 = vector.extract_strided_slice %broadcast_in_dim3A_29 {offsets = [1, 0], sizes = [1, 1], strides = [1, 1]} : vector<8x1xi32> to vector<1x1xi32>
    %squeeze3A_57 = vector.extract %slice3A_56[0, 0] : i32 from vector<1x1xi32>
    %mul3A_58 = arith.constant 128 : i32
    %mul3A_59 = arith.muli %squeeze3A_57, %mul3A_58 : i32
    %get3A_60 = arith.constant 0 : index
    %get3A_61 = arith.constant 1 : index
    %get3A_62 = arith.index_cast %mul3A_59 : i32 to index
    %get3A_63 = vector.load %arg1[%get3A_60, %get3A_61, %get3A_62] : memref<1x8x100000xf32, #tpu.memory_space<vmem>>, vector<1x1x128xf32>
    %get3A_64 = vector.shape_cast %get3A_63 : vector<1x1x128xf32> to vector<128xf32>
    %swap3A_65 = arith.constant 0 : index
    %swap3A_66 = arith.constant 1 : index
    %swap3A_67 = arith.constant 0 : index
    %swap3A_68 = vector.load %arg3[%swap3A_65, %swap3A_66, %swap3A_67] : memref<1x8x1024xf32, #tpu.memory_space<vmem>>, vector<1x1x128xf32>
    %swap3A_69 = vector.shape_cast %swap3A_68 : vector<1x1x128xf32> to vector<128xf32>
    %swap3A_70 = vector.shape_cast %get3A_64 : vector<128xf32> to vector<1x1x128xf32>
    tpu.vector_store %arg3[%swap3A_65, %swap3A_66, %swap3A_67], %swap3A_70 {strides = array<i32>} : memref<1x8x1024xf32, #tpu.memory_space<vmem>>, vector<1x1x128xf32>,
    %add3A_71 = vector.broadcast %mul3A_59 : i32 to vector<128xi32>
    %add3A_72 = arith.addi %add3A_71, %iota3A_22 : vector<128xi32>
    %swap3A_73 = arith.constant 0 : index
    %swap3A_74 = arith.constant 1 : index
    %swap3A_75 = arith.constant 0 : index
    %swap3A_76 = vector.load %arg4[%swap3A_73, %swap3A_74, %swap3A_75] : memref<1x8x1024xi32, #tpu.memory_space<vmem>>, vector<1x1x128xi32>
    %swap3A_77 = vector.shape_cast %swap3A_76 : vector<1x1x128xi32> to vector<128xi32>
    %swap3A_78 = vector.shape_cast %add3A_72 : vector<128xi32> to vector<1x1x128xi32>
    tpu.vector_store %arg4[%swap3A_73, %swap3A_74, %swap3A_75], %swap3A_78 {strides = array<i32>} : memref<1x8x1024xi32, #tpu.memory_space<vmem>>, vector<1x1x128xi32>,
    %slice3A_79 = vector.extract_strided_slice %broadcast_in_dim3A_29 {offsets = [2, 0], sizes = [1, 1], strides = [1, 1]} : vector<8x1xi32> to vector<1x1xi32>
    %squeeze3A_80 = vector.extract %slice3A_79[0, 0] : i32 from vector<1x1xi32>
    %mul3A_81 = arith.constant 128 : i32
    %mul3A_82 = arith.muli %squeeze3A_80, %mul3A_81 : i32
    %get3A_83 = arith.constant 0 : index
    %get3A_84 = arith.constant 2 : index
    %get3A_85 = arith.index_cast %mul3A_82 : i32 to index
    %get3A_86 = vector.load %arg1[%get3A_83, %get3A_84, %get3A_85] : memref<1x8x100000xf32, #tpu.memory_space<vmem>>, vector<1x1x128xf32>
    %get3A_87 = vector.shape_cast %get3A_86 : vector<1x1x128xf32> to vector<128xf32>
    %swap3A_88 = arith.constant 0 : index
    %swap3A_89 = arith.constant 2 : index
    %swap3A_90 = arith.constant 0 : index
    %swap3A_91 = vector.load %arg3[%swap3A_88, %swap3A_89, %swap3A_90] : memref<1x8x1024xf32, #tpu.memory_space<vmem>>, vector<1x1x128xf32>
    %swap3A_92 = vector.shape_cast %swap3A_91 : vector<1x1x128xf32> to vector<128xf32>
    %swap3A_93 = vector.shape_cast %get3A_87 : vector<128xf32> to vector<1x1x128xf32>
    tpu.vector_store %arg3[%swap3A_88, %swap3A_89, %swap3A_90], %swap3A_93 {strides = array<i32>} : memref<1x8x1024xf32, #tpu.memory_space<vmem>>, vector<1x1x128xf32>,
    %add3A_94 = vector.broadcast %mul3A_82 : i32 to vector<128xi32>
    %add3A_95 = arith.addi %add3A_94, %iota3A_22 : vector<128xi32>
    %swap3A_96 = arith.constant 0 : index
    %swap3A_97 = arith.constant 2 : index
    %swap3A_98 = arith.constant 0 : index
    %swap3A_99 = vector.load %arg4[%swap3A_96, %swap3A_97, %swap3A_98] : memref<1x8x1024xi32, #tpu.memory_space<vmem>>, vector<1x1x128xi32>
    %swap3A_100 = vector.shape_cast %swap3A_99 : vector<1x1x128xi32> to vector<128xi32>
    %swap3A_101 = vector.shape_cast %add3A_95 : vector<128xi32> to vector<1x1x128xi32>
    tpu.vector_store %arg4[%swap3A_96, %swap3A_97, %swap3A_98], %swap3A_101 {strides = array<i32>} : memref<1x8x1024xi32, #tpu.memory_space<vmem>>, vector<1x1x128xi32>,
    %slice3A_102 = vector.extract_strided_slice %broadcast_in_dim3A_29 {offsets = [3, 0], sizes = [1, 1], strides = [1, 1]} : vector<8x1xi32> to vector<1x1xi32>
    %squeeze3A_103 = vector.extract %slice3A_102[0, 0] : i32 from vector<1x1xi32>
    %mul3A_104 = arith.constant 128 : i32
    %mul3A_105 = arith.muli %squeeze3A_103, %mul3A_104 : i32
    %get3A_106 = arith.constant 0 : index
    %get3A_107 = arith.constant 3 : index
    %get3A_108 = arith.index_cast %mul3A_105 : i32 to index
    %get3A_109 = vector.load %arg1[%get3A_106, %get3A_107, %get3A_108] : memref<1x8x100000xf32, #tpu.memory_space<vmem>>, vector<1x1x128xf32>
    %get3A_110 = vector.shape_cast %get3A_109 : vector<1x1x128xf32> to vector<128xf32>
    %swap3A_111 = arith.constant 0 : index
    %swap3A_112 = arith.constant 3 : index
    %swap3A_113 = arith.constant 0 : index
    %swap3A_114 = vector.load %arg3[%swap3A_111, %swap3A_112, %swap3A_113] : memref<1x8x1024xf32, #tpu.memory_space<vmem>>, vector<1x1x128xf32>
    %swap3A_115 = vector.shape_cast %swap3A_114 : vector<1x1x128xf32> to vector<128xf32>
    %swap3A_116 = vector.shape_cast %get3A_110 : vector<128xf32> to vector<1x1x128xf32>
    tpu.vector_store %arg3[%swap3A_111, %swap3A_112, %swap3A_113], %swap3A_116 {strides = array<i32>} : memref<1x8x1024xf32, #tpu.memory_space<vmem>>, vector<1x1x128xf32>,
    %add3A_117 = vector.broadcast %mul3A_105 : i32 to vector<128xi32>
    %add3A_118 = arith.addi %add3A_117, %iota3A_22 : vector<128xi32>
    %swap3A_119 = arith.constant 0 : index
    %swap3A_120 = arith.constant 3 : index
    %swap3A_121 = arith.constant 0 : index
    %swap3A_122 = vector.load %arg4[%swap3A_119, %swap3A_120, %swap3A_121] : memref<1x8x1024xi32, #tpu.memory_space<vmem>>, vector<1x1x128xi32>
    %swap3A_123 = vector.shape_cast %swap3A_122 : vector<1x1x128xi32> to vector<128xi32>
    %swap3A_124 = vector.shape_cast %add3A_118 : vector<128xi32> to vector<1x1x128xi32>
    tpu.vector_store %arg4[%swap3A_119, %swap3A_120, %swap3A_121], %swap3A_124 {strides = array<i32>} : memref<1x8x1024xi32, #tpu.memory_space<vmem>>, vector<1x1x128xi32>,
    %slice3A_125 = vector.extract_strided_slice %broadcast_in_dim3A_29 {offsets = [4, 0], sizes = [1, 1], strides = [1, 1]} : vector<8x1xi32> to vector<1x1xi32>
    %squeeze3A_126 = vector.extract %slice3A_125[0, 0] : i32 from vector<1x1xi32>
    %mul3A_127 = arith.constant 128 : i32
    %mul3A_128 = arith.muli %squeeze3A_126, %mul3A_127 : i32
    %get3A_129 = arith.constant 0 : index
    %get3A_130 = arith.constant 4 : index
    %get3A_131 = arith.index_cast %mul3A_128 : i32 to index
    %get3A_132 = vector.load %arg1[%get3A_129, %get3A_130, %get3A_131] : memref<1x8x100000xf32, #tpu.memory_space<vmem>>, vector<1x1x128xf32>
    %get3A_133 = vector.shape_cast %get3A_132 : vector<1x1x128xf32> to vector<128xf32>
    %swap3A_134 = arith.constant 0 : index
    %swap3A_135 = arith.constant 4 : index
    %swap3A_136 = arith.constant 0 : index
    %swap3A_137 = vector.load %arg3[%swap3A_134, %swap3A_135, %swap3A_136] : memref<1x8x1024xf32, #tpu.memory_space<vmem>>, vector<1x1x128xf32>
    %swap3A_138 = vector.shape_cast %swap3A_137 : vector<1x1x128xf32> to vector<128xf32>
    %swap3A_139 = vector.shape_cast %get3A_133 : vector<128xf32> to vector<1x1x128xf32>
    tpu.vector_store %arg3[%swap3A_134, %swap3A_135, %swap3A_136], %swap3A_139 {strides = array<i32>} : memref<1x8x1024xf32, #tpu.memory_space<vmem>>, vector<1x1x128xf32>,
    %add3A_140 = vector.broadcast %mul3A_128 : i32 to vector<128xi32>
    %add3A_141 = arith.addi %add3A_140, %iota3A_22 : vector<128xi32>
    %swap3A_142 = arith.constant 0 : index
    %swap3A_143 = arith.constant 4 : index
    %swap3A_144 = arith.constant 0 : index
    %swap3A_145 = vector.load %arg4[%swap3A_142, %swap3A_143, %swap3A_144] : memref<1x8x1024xi32, #tpu.memory_space<vmem>>, vector<1x1x128xi32>
    %swap3A_146 = vector.shape_cast %swap3A_145 : vector<1x1x128xi32> to vector<128xi32>
    %swap3A_147 = vector.shape_cast %add3A_141 : vector<128xi32> to vector<1x1x128xi32>
    tpu.vector_store %arg4[%swap3A_142, %swap3A_143, %swap3A_144], %swap3A_147 {strides = array<i32>} : memref<1x8x1024xi32, #tpu.memory_space<vmem>>, vector<1x1x128xi32>,
    %slice3A_148 = vector.extract_strided_slice %broadcast_in_dim3A_29 {offsets = [5, 0], sizes = [1, 1], strides = [1, 1]} : vector<8x1xi32> to vector<1x1xi32>
    %squeeze3A_149 = vector.extract %slice3A_148[0, 0] : i32 from vector<1x1xi32>
    %mul3A_150 = arith.constant 128 : i32
    %mul3A_151 = arith.muli %squeeze3A_149, %mul3A_150 : i32
    %get3A_152 = arith.constant 0 : index
    %get3A_153 = arith.constant 5 : index
    %get3A_154 = arith.index_cast %mul3A_151 : i32 to index
    %get3A_155 = vector.load %arg1[%get3A_152, %get3A_153, %get3A_154] : memref<1x8x100000xf32, #tpu.memory_space<vmem>>, vector<1x1x128xf32>
    %get3A_156 = vector.shape_cast %get3A_155 : vector<1x1x128xf32> to vector<128xf32>
    %swap3A_157 = arith.constant 0 : index
    %swap3A_158 = arith.constant 5 : index
    %swap3A_159 = arith.constant 0 : index
    %swap3A_160 = vector.load %arg3[%swap3A_157, %swap3A_158, %swap3A_159] : memref<1x8x1024xf32, #tpu.memory_space<vmem>>, vector<1x1x128xf32>
    %swap3A_161 = vector.shape_cast %swap3A_160 : vector<1x1x128xf32> to vector<128xf32>
    %swap3A_162 = vector.shape_cast %get3A_156 : vector<128xf32> to vector<1x1x128xf32>
    tpu.vector_store %arg3[%swap3A_157, %swap3A_158, %swap3A_159], %swap3A_162 {strides = array<i32>} : memref<1x8x1024xf32, #tpu.memory_space<vmem>>, vector<1x1x128xf32>,
    %add3A_163 = vector.broadcast %mul3A_151 : i32 to vector<128xi32>
    %add3A_164 = arith.addi %add3A_163, %iota3A_22 : vector<128xi32>
    %swap3A_165 = arith.constant 0 : index
    %swap3A_166 = arith.constant 5 : index
    %swap3A_167 = arith.constant 0 : index
    %swap3A_168 = vector.load %arg4[%swap3A_165, %swap3A_166, %swap3A_167] : memref<1x8x1024xi32, #tpu.memory_space<vmem>>, vector<1x1x128xi32>
    %swap3A_169 = vector.shape_cast %swap3A_168 : vector<1x1x128xi32> to vector<128xi32>
    %swap3A_170 = vector.shape_cast %add3A_164 : vector<128xi32> to vector<1x1x128xi32>
    tpu.vector_store %arg4[%swap3A_165, %swap3A_166, %swap3A_167], %swap3A_170 {strides = array<i32>} : memref<1x8x1024xi32, #tpu.memory_space<vmem>>, vector<1x1x128xi32>,
    %slice3A_171 = vector.extract_strided_slice %broadcast_in_dim3A_29 {offsets = [6, 0], sizes = [1, 1], strides = [1, 1]} : vector<8x1xi32> to vector<1x1xi32>
    %squeeze3A_172 = vector.extract %slice3A_171[0, 0] : i32 from vector<1x1xi32>
    %mul3A_173 = arith.constant 128 : i32
    %mul3A_174 = arith.muli %squeeze3A_172, %mul3A_173 : i32
    %get3A_175 = arith.constant 0 : index
    %get3A_176 = arith.constant 6 : index
    %get3A_177 = arith.index_cast %mul3A_174 : i32 to index
    %get3A_178 = vector.load %arg1[%get3A_175, %get3A_176, %get3A_177] : memref<1x8x100000xf32, #tpu.memory_space<vmem>>, vector<1x1x128xf32>
    %get3A_179 = vector.shape_cast %get3A_178 : vector<1x1x128xf32> to vector<128xf32>
    %swap3A_180 = arith.constant 0 : index
    %swap3A_181 = arith.constant 6 : index
    %swap3A_182 = arith.constant 0 : index
    %swap3A_183 = vector.load %arg3[%swap3A_180, %swap3A_181, %swap3A_182] : memref<1x8x1024xf32, #tpu.memory_space<vmem>>, vector<1x1x128xf32>
    %swap3A_184 = vector.shape_cast %swap3A_183 : vector<1x1x128xf32> to vector<128xf32>
    %swap3A_185 = vector.shape_cast %get3A_179 : vector<128xf32> to vector<1x1x128xf32>
    tpu.vector_store %arg3[%swap3A_180, %swap3A_181, %swap3A_182], %swap3A_185 {strides = array<i32>} : memref<1x8x1024xf32, #tpu.memory_space<vmem>>, vector<1x1x128xf32>,
    %add3A_186 = vector.broadcast %mul3A_174 : i32 to vector<128xi32>
    %add3A_187 = arith.addi %add3A_186, %iota3A_22 : vector<128xi32>
    %swap3A_188 = arith.constant 0 : index
    %swap3A_189 = arith.constant 6 : index
    %swap3A_190 = arith.constant 0 : index
    %swap3A_191 = vector.load %arg4[%swap3A_188, %swap3A_189, %swap3A_190] : memref<1x8x1024xi32, #tpu.memory_space<vmem>>, vector<1x1x128xi32>
    %swap3A_192 = vector.shape_cast %swap3A_191 : vector<1x1x128xi32> to vector<128xi32>
    %swap3A_193 = vector.shape_cast %add3A_187 : vector<128xi32> to vector<1x1x128xi32>
    tpu.vector_store %arg4[%swap3A_188, %swap3A_189, %swap3A_190], %swap3A_193 {strides = array<i32>} : memref<1x8x1024xi32, #tpu.memory_space<vmem>>, vector<1x1x128xi32>,
    %slice3A_194 = vector.extract_strided_slice %broadcast_in_dim3A_29 {offsets = [7, 0], sizes = [1, 1], strides = [1, 1]} : vector<8x1xi32> to vector<1x1xi32>
    %squeeze3A_195 = vector.extract %slice3A_194[0, 0] : i32 from vector<1x1xi32>
    %mul3A_196 = arith.constant 128 : i32
    %mul3A_197 = arith.muli %squeeze3A_195, %mul3A_196 : i32
    %get3A_198 = arith.constant 0 : index
    %get3A_199 = arith.constant 7 : index
    %get3A_200 = arith.index_cast %mul3A_197 : i32 to index
    %get3A_201 = vector.load %arg1[%get3A_198, %get3A_199, %get3A_200] : memref<1x8x100000xf32, #tpu.memory_space<vmem>>, vector<1x1x128xf32>
    %get3A_202 = vector.shape_cast %get3A_201 : vector<1x1x128xf32> to vector<128xf32>
    %swap3A_203 = arith.constant 0 : index
    %swap3A_204 = arith.constant 7 : index
    %swap3A_205 = arith.constant 0 : index
    %swap3A_206 = vector.load %arg3[%swap3A_203, %swap3A_204, %swap3A_205] : memref<1x8x1024xf32, #tpu.memory_space<vmem>>, vector<1x1x128xf32>
    %swap3A_207 = vector.shape_cast %swap3A_206 : vector<1x1x128xf32> to vector<128xf32>
    %swap3A_208 = vector.shape_cast %get3A_202 : vector<128xf32> to vector<1x1x128xf32>
    tpu.vector_store %arg3[%swap3A_203, %swap3A_204, %swap3A_205], %swap3A_208 {strides = array<i32>} : memref<1x8x1024xf32, #tpu.memory_space<vmem>>, vector<1x1x128xf32>,
    %add3A_209 = vector.broadcast %mul3A_197 : i32 to vector<128xi32>
    %add3A_210 = arith.addi %add3A_209, %iota3A_22 : vector<128xi32>
    %swap3A_211 = arith.constant 0 : index
    %swap3A_212 = arith.constant 7 : index
    %swap3A_213 = arith.constant 0 : index
    %swap3A_214 = vector.load %arg4[%swap3A_211, %swap3A_212, %swap3A_213] : memref<1x8x1024xi32, #tpu.memory_space<vmem>>, vector<1x1x128xi32>
    %swap3A_215 = vector.shape_cast %swap3A_214 : vector<1x1x128xi32> to vector<128xi32>
    %swap3A_216 = vector.shape_cast %add3A_210 : vector<128xi32> to vector<1x1x128xi32>
    tpu.vector_store %arg4[%swap3A_211, %swap3A_212, %swap3A_213], %swap3A_216 {strides = array<i32>} : memref<1x8x1024xi32, #tpu.memory_space<vmem>>, vector<1x1x128xi32>,
    %reduce_max3A_217 = arith.constant dense<0xFF800000> : vector<8xf32>
    %reduce_max3A_218 = vector.multi_reduction <maximumf>, %select_n3A_34, %reduce_max3A_217 [1] : vector<8x784xf32> to vector<8xf32>
    %broadcast_in_dim3A_219 = vector.shape_cast %reduce_max3A_218 : vector<8xf32> to vector<8x1xf32>
    %eq3A_220 = vector.broadcast %broadcast_in_dim3A_219 : vector<8x1xf32> to vector<8x784xf32>
    %eq3A_221 = arith.cmpf oeq, %select_n3A_34, %eq3A_220 : vector<8x784xf32>
    %jit3A_222 = arith.constant 784 : i32
    %broadcast_in_dim3A_223 = vector.broadcast %jit3A_222 : i32 to vector<8x784xi32>
    %select_n3A_224 = arith.select %eq3A_221, %iota3A, %broadcast_in_dim3A_223 : vector<8x784xi1>, vector<8x784xi32>
    %reduce_min3A_225 = arith.constant dense<2147483647> : vector<8xi32>
    %reduce_min3A_226 = vector.multi_reduction <minsi>, %select_n3A_224, %reduce_min3A_225 [1] : vector<8x784xi32> to vector<8xi32>
    %broadcast_in_dim3A_227 = vector.shape_cast %reduce_min3A_226 : vector<8xi32> to vector<8x1xi32>
    %eq3A_228 = vector.broadcast %broadcast_in_dim3A_227 : vector<8x1xi32> to vector<8x784xi32>
    %eq3A_229 = arith.cmpi eq, %iota3A, %eq3A_228 : vector<8x784xi32>
    %jit3A_230 = arith.constant 0xFF800000 : f32
    %broadcast_in_dim3A_231 = vector.broadcast %jit3A_230 : f32 to vector<8x784xf32>
    %select_n3A_232 = arith.select %eq3A_229, %broadcast_in_dim3A_231, %select_n3A_34 : vector<8x784xi1>, vector<8x784xf32>
    %slice3A_233 = vector.extract_strided_slice %broadcast_in_dim3A_227 {offsets = [0, 0], sizes = [1, 1], strides = [1, 1]} : vector<8x1xi32> to vector<1x1xi32>
    %squeeze3A_234 = vector.extract %slice3A_233[0, 0] : i32 from vector<1x1xi32>
    %mul3A_235 = arith.constant 128 : i32
    %mul3A_236 = arith.muli %squeeze3A_234, %mul3A_235 : i32
    %get3A_237 = arith.constant 0 : index
    %get3A_238 = arith.constant 0 : index
    %get3A_239 = arith.index_cast %mul3A_236 : i32 to index
    %get3A_240 = vector.load %arg1[%get3A_237, %get3A_238, %get3A_239] : memref<1x8x100000xf32, #tpu.memory_space<vmem>>, vector<1x1x128xf32>
    %get3A_241 = vector.shape_cast %get3A_240 : vector<1x1x128xf32> to vector<128xf32>
    %swap3A_242 = arith.constant 0 : index
    %swap3A_243 = arith.constant 0 : index
    %swap3A_244 = arith.constant 128 : index
    %swap3A_245 = vector.load %arg3[%swap3A_242, %swap3A_243, %swap3A_244] : memref<1x8x1024xf32, #tpu.memory_space<vmem>>, vector<1x1x128xf32>
    %swap3A_246 = vector.shape_cast %swap3A_245 : vector<1x1x128xf32> to vector<128xf32>
    %swap3A_247 = vector.shape_cast %get3A_241 : vector<128xf32> to vector<1x1x128xf32>
    tpu.vector_store %arg3[%swap3A_242, %swap3A_243, %swap3A_244], %swap3A_247 {strides = array<i32>} : memref<1x8x1024xf32, #tpu.memory_space<vmem>>, vector<1x1x128xf32>,
    %add3A_248 = vector.broadcast %mul3A_236 : i32 to vector<128xi32>
    %add3A_249 = arith.addi %add3A_248, %iota3A_22 : vector<128xi32>
    %swap3A_250 = arith.constant 0 : index
    %swap3A_251 = arith.constant 0 : index
    %swap3A_252 = arith.constant 128 : index
    %swap3A_253 = vector.load %arg4[%swap3A_250, %swap3A_251, %swap3A_252] : memref<1x8x1024xi32, #tpu.memory_space<vmem>>, vector<1x1x128xi32>
    %swap3A_254 = vector.shape_cast %swap3A_253 : vector<1x1x128xi32> to vector<128xi32>
    %swap3A_255 = vector.shape_cast %add3A_249 : vector<128xi32> to vector<1x1x128xi32>
    tpu.vector_store %arg4[%swap3A_250, %swap3A_251, %swap3A_252], %swap3A_255 {strides = array<i32>} : memref<1x8x1024xi32, #tpu.memory_space<vmem>>, vector<1x1x128xi32>,
    %slice3A_256 = vector.extract_strided_slice %broadcast_in_dim3A_227 {offsets = [1, 0], sizes = [1, 1], strides = [1, 1]} : vector<8x1xi32> to vector<1x1xi32>
    %squeeze3A_257 = vector.extract %slice3A_256[0, 0] : i32 from vector<1x1xi32>
    %mul3A_258 = arith.constant 128 : i32
    %mul3A_259 = arith.muli %squeeze3A_257, %mul3A_258 : i32
    %get3A_260 = arith.constant 0 : index
    %get3A_261 = arith.constant 1 : index
    %get3A_262 = arith.index_cast %mul3A_259 : i32 to index
    %get3A_263 = vector.load %arg1[%get3A_260, %get3A_261, %get3A_262] : memref<1x8x100000xf32, #tpu.memory_space<vmem>>, vector<1x1x128xf32>
    %get3A_264 = vector.shape_cast %get3A_263 : vector<1x1x128xf32> to vector<128xf32>
    %swap3A_265 = arith.constant 0 : index
    %swap3A_266 = arith.constant 1 : index
    %swap3A_267 = arith.constant 128 : index
    %swap3A_268 = vector.load %arg3[%swap3A_265, %swap3A_266, %swap3A_267] : memref<1x8x1024xf32, #tpu.memory_space<vmem>>, vector<1x1x128xf32>
    %swap3A_269 = vector.shape_cast %swap3A_268 : vector<1x1x128xf32> to vector<128xf32>
    %swap3A_270 = vector.shape_cast %get3A_264 : vector<128xf32> to vector<1x1x128xf32>
    tpu.vector_store %arg3[%swap3A_265, %swap3A_266, %swap3A_267], %swap3A_270 {strides = array<i32>} : memref<1x8x1024xf32, #tpu.memory_space<vmem>>, vector<1x1x128xf32>,
    %add3A_271 = vector.broadcast %mul3A_259 : i32 to vector<128xi32>
    %add3A_272 = arith.addi %add3A_271, %iota3A_22 : vector<128xi32>
    %swap3A_273 = arith.constant 0 : index
    %swap3A_274 = arith.constant 1 : index
    %swap3A_275 = arith.constant 128 : index
    %swap3A_276 = vector.load %arg4[%swap3A_273, %swap3A_274, %swap3A_275] : memref<1x8x1024xi32, #tpu.memory_space<vmem>>, vector<1x1x128xi32>
    %swap3A_277 = vector.shape_cast %swap3A_276 : vector<1x1x128xi32> to vector<128xi32>
    %swap3A_278 = vector.shape_cast %add3A_272 : vector<128xi32> to vector<1x1x128xi32>
    tpu.vector_store %arg4[%swap3A_273, %swap3A_274, %swap3A_275], %swap3A_278 {strides = array<i32>} : memref<1x8x1024xi32, #tpu.memory_space<vmem>>, vector<1x1x128xi32>,
    %slice3A_279 = vector.extract_strided_slice %broadcast_in_dim3A_227 {offsets = [2, 0], sizes = [1, 1], strides = [1, 1]} : vector<8x1xi32> to vector<1x1xi32>
    %squeeze3A_280 = vector.extract %slice3A_279[0, 0] : i32 from vector<1x1xi32>
    %mul3A_281 = arith.constant 128 : i32
    %mul3A_282 = arith.muli %squeeze3A_280, %mul3A_281 : i32
    %get3A_283 = arith.constant 0 : index
    %get3A_284 = arith.constant 2 : index
    %get3A_285 = arith.index_cast %mul3A_282 : i32 to index
    %get3A_286 = vector.load %arg1[%get3A_283, %get3A_284, %get3A_285] : memref<1x8x100000xf32, #tpu.memory_space<vmem>>, vector<1x1x128xf32>
    %get3A_287 = vector.shape_cast %get3A_286 : vector<1x1x128xf32> to vector<128xf32>
    %swap3A_288 = arith.constant 0 : index
    %swap3A_289 = arith.constant 2 : index
    %swap3A_290 = arith.constant 128 : index
    %swap3A_291 = vector.load %arg3[%swap3A_288, %swap3A_289, %swap3A_290] : memref<1x8x1024xf32, #tpu.memory_space<vmem>>, vector<1x1x128xf32>
    %swap3A_292 = vector.shape_cast %swap3A_291 : vector<1x1x128xf32> to vector<128xf32>
    %swap3A_293 = vector.shape_cast %get3A_287 : vector<128xf32> to vector<1x1x128xf32>
    tpu.vector_store %arg3[%swap3A_288, %swap3A_289, %swap3A_290], %swap3A_293 {strides = array<i32>} : memref<1x8x1024xf32, #tpu.memory_space<vmem>>, vector<1x1x128xf32>,
    %add3A_294 = vector.broadcast %mul3A_282 : i32 to vector<128xi32>
    %add3A_295 = arith.addi %add3A_294, %iota3A_22 : vector<128xi32>
    %swap3A_296 = arith.constant 0 : index
    %swap3A_297 = arith.constant 2 : index
    %swap3A_298 = arith.constant 128 : index
    %swap3A_299 = vector.load %arg4[%swap3A_296, %swap3A_297, %swap3A_298] : memref<1x8x1024xi32, #tpu.memory_space<vmem>>, vector<1x1x128xi32>
    %swap3A_300 = vector.shape_cast %swap3A_299 : vector<1x1x128xi32> to vector<128xi32>
    %swap3A_301 = vector.shape_cast %add3A_295 : vector<128xi32> to vector<1x1x128xi32>
    tpu.vector_store %arg4[%swap3A_296, %swap3A_297, %swap3A_298], %swap3A_301 {strides = array<i32>} : memref<1x8x1024xi32, #tpu.memory_space<vmem>>, vector<1x1x128xi32>,
    %slice3A_302 = vector.extract_strided_slice %broadcast_in_dim3A_227 {offsets = [3, 0], sizes = [1, 1], strides = [1, 1]} : vector<8x1xi32> to vector<1x1xi32>
    %squeeze3A_303 = vector.extract %slice3A_302[0, 0] : i32 from vector<1x1xi32>
    %mul3A_304 = arith.constant 128 : i32
    %mul3A_305 = arith.muli %squeeze3A_303, %mul3A_304 : i32
    %get3A_306 = arith.constant 0 : index
    %get3A_307 = arith.constant 3 : index
    %get3A_308 = arith.index_cast %mul3A_305 : i32 to index
    %get3A_309 = vector.load %arg1[%get3A_306, %get3A_307, %get3A_308] : memref<1x8x100000xf32, #tpu.memory_space<vmem>>, vector<1x1x128xf32>
    %get3A_310 = vector.shape_cast %get3A_309 : vector<1x1x128xf32> to vector<128xf32>
    %swap3A_311 = arith.constant 0 : index
    %swap3A_312 = arith.constant 3 : index
    %swap3A_313 = arith.constant 128 : index
    %swap3A_314 = vector.load %arg3[%swap3A_311, %swap3A_312, %swap3A_313] : memref<1x8x1024xf32, #tpu.memory_space<vmem>>, vector<1x1x128xf32>
    %swap3A_315 = vector.shape_cast %swap3A_314 : vector<1x1x128xf32> to vector<128xf32>
    %swap3A_316 = vector.shape_cast %get3A_310 : vector<128xf32> to vector<1x1x128xf32>
    tpu.vector_store %arg3[%swap3A_311, %swap3A_312, %swap3A_313], %swap3A_316 {strides = array<i32>} : memref<1x8x1024xf32, #tpu.memory_space<vmem>>, vector<1x1x128xf32>,
    %add3A_317 = vector.broadcast %mul3A_305 : i32 to vector<128xi32>
    %add3A_318 = arith.addi %add3A_317, %iota3A_22 : vector<128xi32>
    %swap3A_319 = arith.constant 0 : index
    %swap3A_320 = arith.constant 3 : index
    %swap3A_321 = arith.constant 128 : index
    %swap3A_322 = vector.load %arg4[%swap3A_319, %swap3A_320, %swap3A_321] : memref<1x8x1024xi32, #tpu.memory_space<vmem>>, vector<1x1x128xi32>
    %swap3A_323 = vector.shape_cast %swap3A_322 : vector<1x1x128xi32> to vector<128xi32>
    %swap3A_324 = vector.shape_cast %add3A_318 : vector<128xi32> to vector<1x1x128xi32>
    tpu.vector_store %arg4[%swap3A_319, %swap3A_320, %swap3A_321], %swap3A_324 {strides = array<i32>} : memref<1x8x1024xi32, #tpu.memory_space<vmem>>, vector<1x1x128xi32>,
    %slice3A_325 = vector.extract_strided_slice %broadcast_in_dim3A_227 {offsets = [4, 0], sizes = [1, 1], strides = [1, 1]} : vector<8x1xi32> to vector<1x1xi32>
    %squeeze3A_326 = vector.extract %slice3A_325[0, 0] : i32 from vector<1x1xi32>
    %mul3A_327 = arith.constant 128 : i32
    %mul3A_328 = arith.muli %squeeze3A_326, %mul3A_327 : i32
    %get3A_329 = arith.constant 0 : index
    %get3A_330 = arith.constant 4 : index
    %get3A_331 = arith.index_cast %mul3A_328 : i32 to index
    %get3A_332 = vector.load %arg1[%get3A_329, %get3A_330, %get3A_331] : memref<1x8x100000xf32, #tpu.memory_space<vmem>>, vector<1x1x128xf32>
    %get3A_333 = vector.shape_cast %get3A_332 : vector<1x1x128xf32> to vector<128xf32>
    %swap3A_334 = arith.constant 0 : index
    %swap3A_335 = arith.constant 4 : index
    %swap3A_336 = arith.constant 128 : index
    %swap3A_337 = vector.load %arg3[%swap3A_334, %swap3A_335, %swap3A_336] : memref<1x8x1024xf32, #tpu.memory_space<vmem>>, vector<1x1x128xf32>
    %swap3A_338 = vector.shape_cast %swap3A_337 : vector<1x1x128xf32> to vector<128xf32>
    %swap3A_339 = vector.shape_cast %get3A_333 : vector<128xf32> to vector<1x1x128xf32>
    tpu.vector_store %arg3[%swap3A_334, %swap3A_335, %swap3A_336], %swap3A_339 {strides = array<i32>} : memref<1x8x1024xf32, #tpu.memory_space<vmem>>, vector<1x1x128xf32>,
    %add3A_340 = vector.broadcast %mul3A_328 : i32 to vector<128xi32>
    %add3A_341 = arith.addi %add3A_340, %iota3A_22 : vector<128xi32>
    %swap3A_342 = arith.constant 0 : index
    %swap3A_343 = arith.constant 4 : index
    %swap3A_344 = arith.constant 128 : index
    %swap3A_345 = vector.load %arg4[%swap3A_342, %swap3A_343, %swap3A_344] : memref<1x8x1024xi32, #tpu.memory_space<vmem>>, vector<1x1x128xi32>
    %swap3A_346 = vector.shape_cast %swap3A_345 : vector<1x1x128xi32> to vector<128xi32>
    %swap3A_347 = vector.shape_cast %add3A_341 : vector<128xi32> to vector<1x1x128xi32>
    tpu.vector_store %arg4[%swap3A_342, %swap3A_343, %swap3A_344], %swap3A_347 {strides = array<i32>} : memref<1x8x1024xi32, #tpu.memory_space<vmem>>, vector<1x1x128xi32>,
    %slice3A_348 = vector.extract_strided_slice %broadcast_in_dim3A_227 {offsets = [5, 0], sizes = [1, 1], strides = [1, 1]} : vector<8x1xi32> to vector<1x1xi32>
    %squeeze3A_349 = vector.extract %slice3A_348[0, 0] : i32 from vector<1x1xi32>
    %mul3A_350 = arith.constant 128 : i32
    %mul3A_351 = arith.muli %squeeze3A_349, %mul3A_350 : i32
    %get3A_352 = arith.constant 0 : index
    %get3A_353 = arith.constant 5 : index
    %get3A_354 = arith.index_cast %mul3A_351 : i32 to index
    %get3A_355 = vector.load %arg1[%get3A_352, %get3A_353, %get3A_354] : memref<1x8x100000xf32, #tpu.memory_space<vmem>>, vector<1x1x128xf32>
    %get3A_356 = vector.shape_cast %get3A_355 : vector<1x1x128xf32> to vector<128xf32>
    %swap3A_357 = arith.constant 0 : index
    %swap3A_358 = arith.constant 5 : index
    %swap3A_359 = arith.constant 128 : index
    %swap3A_360 = vector.load %arg3[%swap3A_357, %swap3A_358, %swap3A_359] : memref<1x8x1024xf32, #tpu.memory_space<vmem>>, vector<1x1x128xf32>
    %swap3A_361 = vector.shape_cast %swap3A_360 : vector<1x1x128xf32> to vector<128xf32>
    %swap3A_362 = vector.shape_cast %get3A_356 : vector<128xf32> to vector<1x1x128xf32>
    tpu.vector_store %arg3[%swap3A_357, %swap3A_358, %swap3A_359], %swap3A_362 {strides = array<i32>} : memref<1x8x1024xf32, #tpu.memory_space<vmem>>, vector<1x1x128xf32>,
    %add3A_363 = vector.broadcast %mul3A_351 : i32 to vector<128xi32>
    %add3A_364 = arith.addi %add3A_363, %iota3A_22 : vector<128xi32>
    %swap3A_365 = arith.constant 0 : index
    %swap3A_366 = arith.constant 5 : index
    %swap3A_367 = arith.constant 128 : index
    %swap3A_368 = vector.load %arg4[%swap3A_365, %swap3A_366, %swap3A_367] : memref<1x8x1024xi32, #tpu.memory_space<vmem>>, vector<1x1x128xi32>
    %swap3A_369 = vector.shape_cast %swap3A_368 : vector<1x1x128xi32> to vector<128xi32>
    %swap3A_370 = vector.shape_cast %add3A_364 : vector<128xi32> to vector<1x1x128xi32>
    tpu.vector_store %arg4[%swap3A_365, %swap3A_366, %swap3A_367], %swap3A_370 {strides = array<i32>} : memref<1x8x1024xi32, #tpu.memory_space<vmem>>, vector<1x1x128xi32>,
    %slice3A_371 = vector.extract_strided_slice %broadcast_in_dim3A_227 {offsets = [6, 0], sizes = [1, 1], strides = [1, 1]} : vector<8x1xi32> to vector<1x1xi32>
    %squeeze3A_372 = vector.extract %slice3A_371[0, 0] : i32 from vector<1x1xi32>
    %mul3A_373 = arith.constant 128 : i32
    %mul3A_374 = arith.muli %squeeze3A_372, %mul3A_373 : i32
    %get3A_375 = arith.constant 0 : index
    %get3A_376 = arith.constant 6 : index
    %get3A_377 = arith.index_cast %mul3A_374 : i32 to index
    %get3A_378 = vector.load %arg1[%get3A_375, %get3A_376, %get3A_377] : memref<1x8x100000xf32, #tpu.memory_space<vmem>>, vector<1x1x128xf32>
    %get3A_379 = vector.shape_cast %get3A_378 : vector<1x1x128xf32> to vector<128xf32>
    %swap3A_380 = arith.constant 0 : index
    %swap3A_381 = arith.constant 6 : index
    %swap3A_382 = arith.constant 128 : index
    %swap3A_383 = vector.load %arg3[%swap3A_380, %swap3A_381, %swap3A_382] : memref<1x8x1024xf32, #tpu.memory_space<vmem>>, vector<1x1x128xf32>
    %swap3A_384 = vector.shape_cast %swap3A_383 : vector<1x1x128xf32> to vector<128xf32>
    %swap3A_385 = vector.shape_cast %get3A_379 : vector<128xf32> to vector<1x1x128xf32>
    tpu.vector_store %arg3[%swap3A_380, %swap3A_381, %swap3A_382], %swap3A_385 {strides = array<i32>} : memref<1x8x1024xf32, #tpu.memory_space<vmem>>, vector<1x1x128xf32>,
    %add3A_386 = vector.broadcast %mul3A_374 : i32 to vector<128xi32>
    %add3A_387 = arith.addi %add3A_386, %iota3A_22 : vector<128xi32>
    %swap3A_388 = arith.constant 0 : index
    %swap3A_389 = arith.constant 6 : index
    %swap3A_390 = arith.constant 128 : index
    %swap3A_391 = vector.load %arg4[%swap3A_388, %swap3A_389, %swap3A_390] : memref<1x8x1024xi32, #tpu.memory_space<vmem>>, vector<1x1x128xi32>
    %swap3A_392 = vector.shape_cast %swap3A_391 : vector<1x1x128xi32> to vector<128xi32>
    %swap3A_393 = vector.shape_cast %add3A_387 : vector<128xi32> to vector<1x1x128xi32>
    tpu.vector_store %arg4[%swap3A_388, %swap3A_389, %swap3A_390], %swap3A_393 {strides = array<i32>} : memref<1x8x1024xi32, #tpu.memory_space<vmem>>, vector<1x1x128xi32>,
    %slice3A_394 = vector.extract_strided_slice %broadcast_in_dim3A_227 {offsets = [7, 0], sizes = [1, 1], strides = [1, 1]} : vector<8x1xi32> to vector<1x1xi32>
    %squeeze3A_395 = vector.extract %slice3A_394[0, 0] : i32 from vector<1x1xi32>
    %mul3A_396 = arith.constant 128 : i32
    %mul3A_397 = arith.muli %squeeze3A_395, %mul3A_396 : i32
    %get3A_398 = arith.constant 0 : index
    %get3A_399 = arith.constant 7 : index
    %get3A_400 = arith.index_cast %mul3A_397 : i32 to index
    %get3A_401 = vector.load %arg1[%get3A_398, %get3A_399, %get3A_400] : memref<1x8x100000xf32, #tpu.memory_space<vmem>>, vector<1x1x128xf32>
    %get3A_402 = vector.shape_cast %get3A_401 : vector<1x1x128xf32> to vector<128xf32>
    %swap3A_403 = arith.constant 0 : index
    %swap3A_404 = arith.constant 7 : index
    %swap3A_405 = arith.constant 128 : index
    %swap3A_406 = vector.load %arg3[%swap3A_403, %swap3A_404, %swap3A_405] : memref<1x8x1024xf32, #tpu.memory_space<vmem>>, vector<1x1x128xf32>
    %swap3A_407 = vector.shape_cast %swap3A_406 : vector<1x1x128xf32> to vector<128xf32>
    %swap3A_408 = vector.shape_cast %get3A_402 : vector<128xf32> to vector<1x1x128xf32>
    tpu.vector_store %arg3[%swap3A_403, %swap3A_404, %swap3A_405], %swap3A_408 {strides = array<i32>} : memref<1x8x1024xf32, #tpu.memory_space<vmem>>, vector<1x1x128xf32>,
    %add3A_409 = vector.broadcast %mul3A_397 : i32 to vector<128xi32>
    %add3A_410 = arith.addi %add3A_409, %iota3A_22 : vector<128xi32>
    %swap3A_411 = arith.constant 0 : index
    %swap3A_412 = arith.constant 7 : index
    %swap3A_413 = arith.constant 128 : index
    %swap3A_414 = vector.load %arg4[%swap3A_411, %swap3A_412, %swap3A_413] : memref<1x8x1024xi32, #tpu.memory_space<vmem>>, vector<1x1x128xi32>
    %swap3A_415 = vector.shape_cast %swap3A_414 : vector<1x1x128xi32> to vector<128xi32>
    %swap3A_416 = vector.shape_cast %add3A_410 : vector<128xi32> to vector<1x1x128xi32>
    tpu.vector_store %arg4[%swap3A_411, %swap3A_412, %swap3A_413], %swap3A_416 {strides = array<i32>} : memref<1x8x1024xi32, #tpu.memory_space<vmem>>, vector<1x1x128xi32>,
    %reduce_max3A_417 = arith.constant dense<0xFF800000> : vector<8xf32>
    %reduce_max3A_418 = vector.multi_reduction <maximumf>, %select_n3A_232, %reduce_max3A_417 [1] : vector<8x784xf32> to vector<8xf32>
    %broadcast_in_dim3A_419 = vector.shape_cast %reduce_max3A_418 : vector<8xf32> to vector<8x1xf32>
    %eq3A_420 = vector.broadcast %broadcast_in_dim3A_419 : vector<8x1xf32> to vector<8x784xf32>
    %eq3A_421 = arith.cmpf oeq, %select_n3A_232, %eq3A_420 : vector<8x784xf32>
    %jit3A_422 = arith.constant 784 : i32
    %broadcast_in_dim3A_423 = vector.broadcast %jit3A_422 : i32 to vector<8x784xi32>
    %select_n3A_424 = arith.select %eq3A_421, %iota3A, %broadcast_in_dim3A_423 : vector<8x784xi1>, vector<8x784xi32>
    %reduce_min3A_425 = arith.constant dense<2147483647> : vector<8xi32>
    %reduce_min3A_426 = vector.multi_reduction <minsi>, %select_n3A_424, %reduce_min3A_425 [1] : vector<8x784xi32> to vector<8xi32>
    %broadcast_in_dim3A_427 = vector.shape_cast %reduce_min3A_426 : vector<8xi32> to vector<8x1xi32>
    %eq3A_428 = vector.broadcast %broadcast_in_dim3A_427 : vector<8x1xi32> to vector<8x784xi32>
    %eq3A_429 = arith.cmpi eq, %iota3A, %eq3A_428 : vector<8x784xi32>
    %jit3A_430 = arith.constant 0xFF800000 : f32
    %broadcast_in_dim3A_431 = vector.broadcast %jit3A_430 : f32 to vector<8x784xf32>
    %select_n3A_432 = arith.select %eq3A_429, %broadcast_in_dim3A_431, %select_n3A_232 : vector<8x784xi1>, vector<8x784xf32>
    %slice3A_433 = vector.extract_strided_slice %broadcast_in_dim3A_427 {offsets = [0, 0], sizes = [1, 1], strides = [1, 1]} : vector<8x1xi32> to vector<1x1xi32>
    %squeeze3A_434 = vector.extract %slice3A_433[0, 0] : i32 from vector<1x1xi32>
    %mul3A_435 = arith.constant 128 : i32
    %mul3A_436 = arith.muli %squeeze3A_434, %mul3A_435 : i32
    %get3A_437 = arith.constant 0 : index
    %get3A_438 = arith.constant 0 : index
    %get3A_439 = arith.index_cast %mul3A_436 : i32 to index
    %get3A_440 = vector.load %arg1[%get3A_437, %get3A_438, %get3A_439] : memref<1x8x100000xf32, #tpu.memory_space<vmem>>, vector<1x1x128xf32>
    %get3A_441 = vector.shape_cast %get3A_440 : vector<1x1x128xf32> to vector<128xf32>
    %swap3A_442 = arith.constant 0 : index
    %swap3A_443 = arith.constant 0 : index
    %swap3A_444 = arith.constant 256 : index
    %swap3A_445 = vector.load %arg3[%swap3A_442, %swap3A_443, %swap3A_444] : memref<1x8x1024xf32, #tpu.memory_space<vmem>>, vector<1x1x128xf32>
    %swap3A_446 = vector.shape_cast %swap3A_445 : vector<1x1x128xf32> to vector<128xf32>
    %swap3A_447 = vector.shape_cast %get3A_441 : vector<128xf32> to vector<1x1x128xf32>
    tpu.vector_store %arg3[%swap3A_442, %swap3A_443, %swap3A_444], %swap3A_447 {strides = array<i32>} : memref<1x8x1024xf32, #tpu.memory_space<vmem>>, vector<1x1x128xf32>,
    %add3A_448 = vector.broadcast %mul3A_436 : i32 to vector<128xi32>
    %add3A_449 = arith.addi %add3A_448, %iota3A_22 : vector<128xi32>
    %swap3A_450 = arith.constant 0 : index
    %swap3A_451 = arith.constant 0 : index
    %swap3A_452 = arith.constant 256 : index
    %swap3A_453 = vector.load %arg4[%swap3A_450, %swap3A_451, %swap3A_452] : memref<1x8x1024xi32, #tpu.memory_space<vmem>>, vector<1x1x128xi32>
    %swap3A_454 = vector.shape_cast %swap3A_453 : vector<1x1x128xi32> to vector<128xi32>
    %swap3A_455 = vector.shape_cast %add3A_449 : vector<128xi32> to vector<1x1x128xi32>
    tpu.vector_store %arg4[%swap3A_450, %swap3A_451, %swap3A_452], %swap3A_455 {strides = array<i32>} : memref<1x8x1024xi32, #tpu.memory_space<vmem>>, vector<1x1x128xi32>,
    %slice3A_456 = vector.extract_strided_slice %broadcast_in_dim3A_427 {offsets = [1, 0], sizes = [1, 1], strides = [1, 1]} : vector<8x1xi32> to vector<1x1xi32>
    %squeeze3A_457 = vector.extract %slice3A_456[0, 0] : i32 from vector<1x1xi32>
    %mul3A_458 = arith.constant 128 : i32
    %mul3A_459 = arith.muli %squeeze3A_457, %mul3A_458 : i32
    %get3A_460 = arith.constant 0 : index
    %get3A_461 = arith.constant 1 : index
    %get3A_462 = arith.index_cast %mul3A_459 : i32 to index
    %get3A_463 = vector.load %arg1[%get3A_460, %get3A_461, %get3A_462] : memref<1x8x100000xf32, #tpu.memory_space<vmem>>, vector<1x1x128xf32>
    %get3A_464 = vector.shape_cast %get3A_463 : vector<1x1x128xf32> to vector<128xf32>
    %swap3A_465 = arith.constant 0 : index
    %swap3A_466 = arith.constant 1 : index
    %swap3A_467 = arith.constant 256 : index
    %swap3A_468 = vector.load %arg3[%swap3A_465, %swap3A_466, %swap3A_467] : memref<1x8x1024xf32, #tpu.memory_space<vmem>>, vector<1x1x128xf32>
    %swap3A_469 = vector.shape_cast %swap3A_468 : vector<1x1x128xf32> to vector<128xf32>
    %swap3A_470 = vector.shape_cast %get3A_464 : vector<128xf32> to vector<1x1x128xf32>
    tpu.vector_store %arg3[%swap3A_465, %swap3A_466, %swap3A_467], %swap3A_470 {strides = array<i32>} : memref<1x8x1024xf32, #tpu.memory_space<vmem>>, vector<1x1x128xf32>,
    %add3A_471 = vector.broadcast %mul3A_459 : i32 to vector<128xi32>
    %add3A_472 = arith.addi %add3A_471, %iota3A_22 : vector<128xi32>
    %swap3A_473 = arith.constant 0 : index
    %swap3A_474 = arith.constant 1 : index
    %swap3A_475 = arith.constant 256 : index
    %swap3A_476 = vector.load %arg4[%swap3A_473, %swap3A_474, %swap3A_475] : memref<1x8x1024xi32, #tpu.memory_space<vmem>>, vector<1x1x128xi32>
    %swap3A_477 = vector.shape_cast %swap3A_476 : vector<1x1x128xi32> to vector<128xi32>
    %swap3A_478 = vector.shape_cast %add3A_472 : vector<128xi32> to vector<1x1x128xi32>
    tpu.vector_store %arg4[%swap3A_473, %swap3A_474, %swap3A_475], %swap3A_478 {strides = array<i32>} : memref<1x8x1024xi32, #tpu.memory_space<vmem>>, vector<1x1x128xi32>,
    %slice3A_479 = vector.extract_strided_slice %broadcast_in_dim3A_427 {offsets = [2, 0], sizes = [1, 1], strides = [1, 1]} : vector<8x1xi32> to vector<1x1xi32>
    %squeeze3A_480 = vector.extract %slice3A_479[0, 0] : i32 from vector<1x1xi32>
    %mul3A_481 = arith.constant 128 : i32
    %mul3A_482 = arith.muli %squeeze3A_480, %mul3A_481 : i32
    %get3A_483 = arith.constant 0 : index
    %get3A_484 = arith.constant 2 : index
    %get3A_485 = arith.index_cast %mul3A_482 : i32 to index
    %get3A_486 = vector.load %arg1[%get3A_483, %get3A_484, %get3A_485] : memref<1x8x100000xf32, #tpu.memory_space<vmem>>, vector<1x1x128xf32>
    %get3A_487 = vector.shape_cast %get3A_486 : vector<1x1x128xf32> to vector<128xf32>
    %swap3A_488 = arith.constant 0 : index
    %swap3A_489 = arith.constant 2 : index
    %swap3A_490 = arith.constant 256 : index
    %swap3A_491 = vector.load %arg3[%swap3A_488, %swap3A_489, %swap3A_490] : memref<1x8x1024xf32, #tpu.memory_space<vmem>>, vector<1x1x128xf32>
    %swap3A_492 = vector.shape_cast %swap3A_491 : vector<1x1x128xf32> to vector<128xf32>
    %swap3A_493 = vector.shape_cast %get3A_487 : vector<128xf32> to vector<1x1x128xf32>
    tpu.vector_store %arg3[%swap3A_488, %swap3A_489, %swap3A_490], %swap3A_493 {strides = array<i32>} : memref<1x8x1024xf32, #tpu.memory_space<vmem>>, vector<1x1x128xf32>,
    %add3A_494 = vector.broadcast %mul3A_482 : i32 to vector<128xi32>
    %add3A_495 = arith.addi %add3A_494, %iota3A_22 : vector<128xi32>
    %swap3A_496 = arith.constant 0 : index
    %swap3A_497 = arith.constant 2 : index
    %swap3A_498 = arith.constant 256 : index
    %swap3A_499 = vector.load %arg4[%swap3A_496, %swap3A_497, %swap3A_498] : memref<1x8x1024xi32, #tpu.memory_space<vmem>>, vector<1x1x128xi32>
    %swap3A_500 = vector.shape_cast %swap3A_499 : vector<1x1x128xi32> to vector<128xi32>
    %swap3A_501 = vector.shape_cast %add3A_495 : vector<128xi32> to vector<1x1x128xi32>
    tpu.vector_store %arg4[%swap3A_496, %swap3A_497, %swap3A_498], %swap3A_501 {strides = array<i32>} : memref<1x8x1024xi32, #tpu.memory_space<vmem>>, vector<1x1x128xi32>,
    %slice3A_502 = vector.extract_strided_slice %broadcast_in_dim3A_427 {offsets = [3, 0], sizes = [1, 1], strides = [1, 1]} : vector<8x1xi32> to vector<1x1xi32>
    %squeeze3A_503 = vector.extract %slice3A_502[0, 0] : i32 from vector<1x1xi32>
    %mul3A_504 = arith.constant 128 : i32
    %mul3A_505 = arith.muli %squeeze3A_503, %mul3A_504 : i32
    %get3A_506 = arith.constant 0 : index
    %get3A_507 = arith.constant 3 : index
    %get3A_508 = arith.index_cast %mul3A_505 : i32 to index
    %get3A_509 = vector.load %arg1[%get3A_506, %get3A_507, %get3A_508] : memref<1x8x100000xf32, #tpu.memory_space<vmem>>, vector<1x1x128xf32>
    %get3A_510 = vector.shape_cast %get3A_509 : vector<1x1x128xf32> to vector<128xf32>
    %swap3A_511 = arith.constant 0 : index
    %swap3A_512 = arith.constant 3 : index
    %swap3A_513 = arith.constant 256 : index
    %swap3A_514 = vector.load %arg3[%swap3A_511, %swap3A_512, %swap3A_513] : memref<1x8x1024xf32, #tpu.memory_space<vmem>>, vector<1x1x128xf32>
    %swap3A_515 = vector.shape_cast %swap3A_514 : vector<1x1x128xf32> to vector<128xf32>
    %swap3A_516 = vector.shape_cast %get3A_510 : vector<128xf32> to vector<1x1x128xf32>
    tpu.vector_store %arg3[%swap3A_511, %swap3A_512, %swap3A_513], %swap3A_516 {strides = array<i32>} : memref<1x8x1024xf32, #tpu.memory_space<vmem>>, vector<1x1x128xf32>,
    %add3A_517 = vector.broadcast %mul3A_505 : i32 to vector<128xi32>
    %add3A_518 = arith.addi %add3A_517, %iota3A_22 : vector<128xi32>
    %swap3A_519 = arith.constant 0 : index
    %swap3A_520 = arith.constant 3 : index
    %swap3A_521 = arith.constant 256 : index
    %swap3A_522 = vector.load %arg4[%swap3A_519, %swap3A_520, %swap3A_521] : memref<1x8x1024xi32, #tpu.memory_space<vmem>>, vector<1x1x128xi32>
    %swap3A_523 = vector.shape_cast %swap3A_522 : vector<1x1x128xi32> to vector<128xi32>
    %swap3A_524 = vector.shape_cast %add3A_518 : vector<128xi32> to vector<1x1x128xi32>
    tpu.vector_store %arg4[%swap3A_519, %swap3A_520, %swap3A_521], %swap3A_524 {strides = array<i32>} : memref<1x8x1024xi32, #tpu.memory_space<vmem>>, vector<1x1x128xi32>,
    %slice3A_525 = vector.extract_strided_slice %broadcast_in_dim3A_427 {offsets = [4, 0], sizes = [1, 1], strides = [1, 1]} : vector<8x1xi32> to vector<1x1xi32>
    %squeeze3A_526 = vector.extract %slice3A_525[0, 0] : i32 from vector<1x1xi32>
    %mul3A_527 = arith.constant 128 : i32
    %mul3A_528 = arith.muli %squeeze3A_526, %mul3A_527 : i32
    %get3A_529 = arith.constant 0 : index
    %get3A_530 = arith.constant 4 : index
    %get3A_531 = arith.index_cast %mul3A_528 : i32 to index
    %get3A_532 = vector.load %arg1[%get3A_529, %get3A_530, %get3A_531] : memref<1x8x100000xf32, #tpu.memory_space<vmem>>, vector<1x1x128xf32>
    %get3A_533 = vector.shape_cast %get3A_532 : vector<1x1x128xf32> to vector<128xf32>
    %swap3A_534 = arith.constant 0 : index
    %swap3A_535 = arith.constant 4 : index
    %swap3A_536 = arith.constant 256 : index
    %swap3A_537 = vector.load %arg3[%swap3A_534, %swap3A_535, %swap3A_536] : memref<1x8x1024xf32, #tpu.memory_space<vmem>>, vector<1x1x128xf32>
    %swap3A_538 = vector.shape_cast %swap3A_537 : vector<1x1x128xf32> to vector<128xf32>
    %swap3A_539 = vector.shape_cast %get3A_533 : vector<128xf32> to vector<1x1x128xf32>
    tpu.vector_store %arg3[%swap3A_534, %swap3A_535, %swap3A_536], %swap3A_539 {strides = array<i32>} : memref<1x8x1024xf32, #tpu.memory_space<vmem>>, vector<1x1x128xf32>,
    %add3A_540 = vector.broadcast %mul3A_528 : i32 to vector<128xi32>
    %add3A_541 = arith.addi %add3A_540, %iota3A_22 : vector<128xi32>
    %swap3A_542 = arith.constant 0 : index
    %swap3A_543 = arith.constant 4 : index
    %swap3A_544 = arith.constant 256 : index
    %swap3A_545 = vector.load %arg4[%swap3A_542, %swap3A_543, %swap3A_544] : memref<1x8x1024xi32, #tpu.memory_space<vmem>>, vector<1x1x128xi32>
    %swap3A_546 = vector.shape_cast %swap3A_545 : vector<1x1x128xi32> to vector<128xi32>
    %swap3A_547 = vector.shape_cast %add3A_541 : vector<128xi32> to vector<1x1x128xi32>
    tpu.vector_store %arg4[%swap3A_542, %swap3A_543, %swap3A_544], %swap3A_547 {strides = array<i32>} : memref<1x8x1024xi32, #tpu.memory_space<vmem>>, vector<1x1x128xi32>,
    %slice3A_548 = vector.extract_strided_slice %broadcast_in_dim3A_427 {offsets = [5, 0], sizes = [1, 1], strides = [1, 1]} : vector<8x1xi32> to vector<1x1xi32>
    %squeeze3A_549 = vector.extract %slice3A_548[0, 0] : i32 from vector<1x1xi32>
    %mul3A_550 = arith.constant 128 : i32
    %mul3A_551 = arith.muli %squeeze3A_549, %mul3A_550 : i32
    %get3A_552 = arith.constant 0 : index
    %get3A_553 = arith.constant 5 : index
    %get3A_554 = arith.index_cast %mul3A_551 : i32 to index
    %get3A_555 = vector.load %arg1[%get3A_552, %get3A_553, %get3A_554] : memref<1x8x100000xf32, #tpu.memory_space<vmem>>, vector<1x1x128xf32>
    %get3A_556 = vector.shape_cast %get3A_555 : vector<1x1x128xf32> to vector<128xf32>
    %swap3A_557 = arith.constant 0 : index
    %swap3A_558 = arith.constant 5 : index
    %swap3A_559 = arith.constant 256 : index
    %swap3A_560 = vector.load %arg3[%swap3A_557, %swap3A_558, %swap3A_559] : memref<1x8x1024xf32, #tpu.memory_space<vmem>>, vector<1x1x128xf32>
    %swap3A_561 = vector.shape_cast %swap3A_560 : vector<1x1x128xf32> to vector<128xf32>
    %swap3A_562 = vector.shape_cast %get3A_556 : vector<128xf32> to vector<1x1x128xf32>
    tpu.vector_store %arg3[%swap3A_557, %swap3A_558, %swap3A_559], %swap3A_562 {strides = array<i32>} : memref<1x8x1024xf32, #tpu.memory_space<vmem>>, vector<1x1x128xf32>,
    %add3A_563 = vector.broadcast %mul3A_551 : i32 to vector<128xi32>
    %add3A_564 = arith.addi %add3A_563, %iota3A_22 : vector<128xi32>
    %swap3A_565 = arith.constant 0 : index
    %swap3A_566 = arith.constant 5 : index
    %swap3A_567 = arith.constant 256 : index
    %swap3A_568 = vector.load %arg4[%swap3A_565, %swap3A_566, %swap3A_567] : memref<1x8x1024xi32, #tpu.memory_space<vmem>>, vector<1x1x128xi32>
    %swap3A_569 = vector.shape_cast %swap3A_568 : vector<1x1x128xi32> to vector<128xi32>
    %swap3A_570 = vector.shape_cast %add3A_564 : vector<128xi32> to vector<1x1x128xi32>
    tpu.vector_store %arg4[%swap3A_565, %swap3A_566, %swap3A_567], %swap3A_570 {strides = array<i32>} : memref<1x8x1024xi32, #tpu.memory_space<vmem>>, vector<1x1x128xi32>,
    %slice3A_571 = vector.extract_strided_slice %broadcast_in_dim3A_427 {offsets = [6, 0], sizes = [1, 1], strides = [1, 1]} : vector<8x1xi32> to vector<1x1xi32>
    %squeeze3A_572 = vector.extract %slice3A_571[0, 0] : i32 from vector<1x1xi32>
    %mul3A_573 = arith.constant 128 : i32
    %mul3A_574 = arith.muli %squeeze3A_572, %mul3A_573 : i32
    %get3A_575 = arith.constant 0 : index
    %get3A_576 = arith.constant 6 : index
    %get3A_577 = arith.index_cast %mul3A_574 : i32 to index
    %get3A_578 = vector.load %arg1[%get3A_575, %get3A_576, %get3A_577] : memref<1x8x100000xf32, #tpu.memory_space<vmem>>, vector<1x1x128xf32>
    %get3A_579 = vector.shape_cast %get3A_578 : vector<1x1x128xf32> to vector<128xf32>
    %swap3A_580 = arith.constant 0 : index
    %swap3A_581 = arith.constant 6 : index
    %swap3A_582 = arith.constant 256 : index
    %swap3A_583 = vector.load %arg3[%swap3A_580, %swap3A_581, %swap3A_582] : memref<1x8x1024xf32, #tpu.memory_space<vmem>>, vector<1x1x128xf32>
    %swap3A_584 = vector.shape_cast %swap3A_583 : vector<1x1x128xf32> to vector<128xf32>
    %swap3A_585 = vector.shape_cast %get3A_579 : vector<128xf32> to vector<1x1x128xf32>
    tpu.vector_store %arg3[%swap3A_580, %swap3A_581, %swap3A_582], %swap3A_585 {strides = array<i32>} : memref<1x8x1024xf32, #tpu.memory_space<vmem>>, vector<1x1x128xf32>,
    %add3A_586 = vector.broadcast %mul3A_574 : i32 to vector<128xi32>
    %add3A_587 = arith.addi %add3A_586, %iota3A_22 : vector<128xi32>
    %swap3A_588 = arith.constant 0 : index
    %swap3A_589 = arith.constant 6 : index
    %swap3A_590 = arith.constant 256 : index
    %swap3A_591 = vector.load %arg4[%swap3A_588, %swap3A_589, %swap3A_590] : memref<1x8x1024xi32, #tpu.memory_space<vmem>>, vector<1x1x128xi32>
    %swap3A_592 = vector.shape_cast %swap3A_591 : vector<1x1x128xi32> to vector<128xi32>
    %swap3A_593 = vector.shape_cast %add3A_587 : vector<128xi32> to vector<1x1x128xi32>
    tpu.vector_store %arg4[%swap3A_588, %swap3A_589, %swap3A_590], %swap3A_593 {strides = array<i32>} : memref<1x8x1024xi32, #tpu.memory_space<vmem>>, vector<1x1x128xi32>,
    %slice3A_594 = vector.extract_strided_slice %broadcast_in_dim3A_427 {offsets = [7, 0], sizes = [1, 1], strides = [1, 1]} : vector<8x1xi32> to vector<1x1xi32>
    %squeeze3A_595 = vector.extract %slice3A_594[0, 0] : i32 from vector<1x1xi32>
    %mul3A_596 = arith.constant 128 : i32
    %mul3A_597 = arith.muli %squeeze3A_595, %mul3A_596 : i32
    %get3A_598 = arith.constant 0 : index
    %get3A_599 = arith.constant 7 : index
    %get3A_600 = arith.index_cast %mul3A_597 : i32 to index
    %get3A_601 = vector.load %arg1[%get3A_598, %get3A_599, %get3A_600] : memref<1x8x100000xf32, #tpu.memory_space<vmem>>, vector<1x1x128xf32>
    %get3A_602 = vector.shape_cast %get3A_601 : vector<1x1x128xf32> to vector<128xf32>
    %swap3A_603 = arith.constant 0 : index
    %swap3A_604 = arith.constant 7 : index
    %swap3A_605 = arith.constant 256 : index
    %swap3A_606 = vector.load %arg3[%swap3A_603, %swap3A_604, %swap3A_605] : memref<1x8x1024xf32, #tpu.memory_space<vmem>>, vector<1x1x128xf32>
    %swap3A_607 = vector.shape_cast %swap3A_606 : vector<1x1x128xf32> to vector<128xf32>
    %swap3A_608 = vector.shape_cast %get3A_602 : vector<128xf32> to vector<1x1x128xf32>
    tpu.vector_store %arg3[%swap3A_603, %swap3A_604, %swap3A_605], %swap3A_608 {strides = array<i32>} : memref<1x8x1024xf32, #tpu.memory_space<vmem>>, vector<1x1x128xf32>,
    %add3A_609 = vector.broadcast %mul3A_597 : i32 to vector<128xi32>
    %add3A_610 = arith.addi %add3A_609, %iota3A_22 : vector<128xi32>
    %swap3A_611 = arith.constant 0 : index
    %swap3A_612 = arith.constant 7 : index
    %swap3A_613 = arith.constant 256 : index
    %swap3A_614 = vector.load %arg4[%swap3A_611, %swap3A_612, %swap3A_613] : memref<1x8x1024xi32, #tpu.memory_space<vmem>>, vector<1x1x128xi32>
    %swap3A_615 = vector.shape_cast %swap3A_614 : vector<1x1x128xi32> to vector<128xi32>
    %swap3A_616 = vector.shape_cast %add3A_610 : vector<128xi32> to vector<1x1x128xi32>
    tpu.vector_store %arg4[%swap3A_611, %swap3A_612, %swap3A_613], %swap3A_616 {strides = array<i32>} : memref<1x8x1024xi32, #tpu.memory_space<vmem>>, vector<1x1x128xi32>,
    %reduce_max3A_617 = arith.constant dense<0xFF800000> : vector<8xf32>
    %reduce_max3A_618 = vector.multi_reduction <maximumf>, %select_n3A_432, %reduce_max3A_617 [1] : vector<8x784xf32> to vector<8xf32>
    %broadcast_in_dim3A_619 = vector.shape_cast %reduce_max3A_618 : vector<8xf32> to vector<8x1xf32>
    %eq3A_620 = vector.broadcast %broadcast_in_dim3A_619 : vector<8x1xf32> to vector<8x784xf32>
    %eq3A_621 = arith.cmpf oeq, %select_n3A_432, %eq3A_620 : vector<8x784xf32>
    %jit3A_622 = arith.constant 784 : i32
    %broadcast_in_dim3A_623 = vector.broadcast %jit3A_622 : i32 to vector<8x784xi32>
    %select_n3A_624 = arith.select %eq3A_621, %iota3A, %broadcast_in_dim3A_623 : vector<8x784xi1>, vector<8x784xi32>
    %reduce_min3A_625 = arith.constant dense<2147483647> : vector<8xi32>
    %reduce_min3A_626 = vector.multi_reduction <minsi>, %select_n3A_624, %reduce_min3A_625 [1] : vector<8x784xi32> to vector<8xi32>
    %broadcast_in_dim3A_627 = vector.shape_cast %reduce_min3A_626 : vector<8xi32> to vector<8x1xi32>
    %eq3A_628 = vector.broadcast %broadcast_in_dim3A_627 : vector<8x1xi32> to vector<8x784xi32>
    %eq3A_629 = arith.cmpi eq, %iota3A, %eq3A_628 : vector<8x784xi32>
    %jit3A_630 = arith.constant 0xFF800000 : f32
    %broadcast_in_dim3A_631 = vector.broadcast %jit3A_630 : f32 to vector<8x784xf32>
    %select_n3A_632 = arith.select %eq3A_629, %broadcast_in_dim3A_631, %select_n3A_432 : vector<8x784xi1>, vector<8x784xf32>
    %slice3A_633 = vector.extract_strided_slice %broadcast_in_dim3A_627 {offsets = [0, 0], sizes = [1, 1], strides = [1, 1]} : vector<8x1xi32> to vector<1x1xi32>
    %squeeze3A_634 = vector.extract %slice3A_633[0, 0] : i32 from vector<1x1xi32>
    %mul3A_635 = arith.constant 128 : i32
    %mul3A_636 = arith.muli %squeeze3A_634, %mul3A_635 : i32
    %get3A_637 = arith.constant 0 : index
    %get3A_638 = arith.constant 0 : index
    %get3A_639 = arith.index_cast %mul3A_636 : i32 to index
    %get3A_640 = vector.load %arg1[%get3A_637, %get3A_638, %get3A_639] : memref<1x8x100000xf32, #tpu.memory_space<vmem>>, vector<1x1x128xf32>
    %get3A_641 = vector.shape_cast %get3A_640 : vector<1x1x128xf32> to vector<128xf32>
    %swap3A_642 = arith.constant 0 : index
    %swap3A_643 = arith.constant 0 : index
    %swap3A_644 = arith.constant 384 : index
    %swap3A_645 = vector.load %arg3[%swap3A_642, %swap3A_643, %swap3A_644] : memref<1x8x1024xf32, #tpu.memory_space<vmem>>, vector<1x1x128xf32>
    %swap3A_646 = vector.shape_cast %swap3A_645 : vector<1x1x128xf32> to vector<128xf32>
    %swap3A_647 = vector.shape_cast %get3A_641 : vector<128xf32> to vector<1x1x128xf32>
    tpu.vector_store %arg3[%swap3A_642, %swap3A_643, %swap3A_644], %swap3A_647 {strides = array<i32>} : memref<1x8x1024xf32, #tpu.memory_space<vmem>>, vector<1x1x128xf32>,
    %add3A_648 = vector.broadcast %mul3A_636 : i32 to vector<128xi32>
    %add3A_649 = arith.addi %add3A_648, %iota3A_22 : vector<128xi32>
    %swap3A_650 = arith.constant 0 : index
    %swap3A_651 = arith.constant 0 : index
    %swap3A_652 = arith.constant 384 : index
    %swap3A_653 = vector.load %arg4[%swap3A_650, %swap3A_651, %swap3A_652] : memref<1x8x1024xi32, #tpu.memory_space<vmem>>, vector<1x1x128xi32>
    %swap3A_654 = vector.shape_cast %swap3A_653 : vector<1x1x128xi32> to vector<128xi32>
    %swap3A_655 = vector.shape_cast %add3A_649 : vector<128xi32> to vector<1x1x128xi32>
    tpu.vector_store %arg4[%swap3A_650, %swap3A_651, %swap3A_652], %swap3A_655 {strides = array<i32>} : memref<1x8x1024xi32, #tpu.memory_space<vmem>>, vector<1x1x128xi32>,
    %slice3A_656 = vector.extract_strided_slice %broadcast_in_dim3A_627 {offsets = [1, 0], sizes = [1, 1], strides = [1, 1]} : vector<8x1xi32> to vector<1x1xi32>
    %squeeze3A_657 = vector.extract %slice3A_656[0, 0] : i32 from vector<1x1xi32>
    %mul3A_658 = arith.constant 128 : i32
    %mul3A_659 = arith.muli %squeeze3A_657, %mul3A_658 : i32
    %get3A_660 = arith.constant 0 : index
    %get3A_661 = arith.constant 1 : index
    %get3A_662 = arith.index_cast %mul3A_659 : i32 to index
    %get3A_663 = vector.load %arg1[%get3A_660, %get3A_661, %get3A_662] : memref<1x8x100000xf32, #tpu.memory_space<vmem>>, vector<1x1x128xf32>
    %get3A_664 = vector.shape_cast %get3A_663 : vector<1x1x128xf32> to vector<128xf32>
    %swap3A_665 = arith.constant 0 : index
    %swap3A_666 = arith.constant 1 : index
    %swap3A_667 = arith.constant 384 : index
    %swap3A_668 = vector.load %arg3[%swap3A_665, %swap3A_666, %swap3A_667] : memref<1x8x1024xf32, #tpu.memory_space<vmem>>, vector<1x1x128xf32>
    %swap3A_669 = vector.shape_cast %swap3A_668 : vector<1x1x128xf32> to vector<128xf32>
    %swap3A_670 = vector.shape_cast %get3A_664 : vector<128xf32> to vector<1x1x128xf32>
    tpu.vector_store %arg3[%swap3A_665, %swap3A_666, %swap3A_667], %swap3A_670 {strides = array<i32>} : memref<1x8x1024xf32, #tpu.memory_space<vmem>>, vector<1x1x128xf32>,
    %add3A_671 = vector.broadcast %mul3A_659 : i32 to vector<128xi32>
    %add3A_672 = arith.addi %add3A_671, %iota3A_22 : vector<128xi32>
    %swap3A_673 = arith.constant 0 : index
    %swap3A_674 = arith.constant 1 : index
    %swap3A_675 = arith.constant 384 : index
    %swap3A_676 = vector.load %arg4[%swap3A_673, %swap3A_674, %swap3A_675] : memref<1x8x1024xi32, #tpu.memory_space<vmem>>, vector<1x1x128xi32>
    %swap3A_677 = vector.shape_cast %swap3A_676 : vector<1x1x128xi32> to vector<128xi32>
    %swap3A_678 = vector.shape_cast %add3A_672 : vector<128xi32> to vector<1x1x128xi32>
    tpu.vector_store %arg4[%swap3A_673, %swap3A_674, %swap3A_675], %swap3A_678 {strides = array<i32>} : memref<1x8x1024xi32, #tpu.memory_space<vmem>>, vector<1x1x128xi32>,
    %slice3A_679 = vector.extract_strided_slice %broadcast_in_dim3A_627 {offsets = [2, 0], sizes = [1, 1], strides = [1, 1]} : vector<8x1xi32> to vector<1x1xi32>
    %squeeze3A_680 = vector.extract %slice3A_679[0, 0] : i32 from vector<1x1xi32>
    %mul3A_681 = arith.constant 128 : i32
    %mul3A_682 = arith.muli %squeeze3A_680, %mul3A_681 : i32
    %get3A_683 = arith.constant 0 : index
    %get3A_684 = arith.constant 2 : index
    %get3A_685 = arith.index_cast %mul3A_682 : i32 to index
    %get3A_686 = vector.load %arg1[%get3A_683, %get3A_684, %get3A_685] : memref<1x8x100000xf32, #tpu.memory_space<vmem>>, vector<1x1x128xf32>
    %get3A_687 = vector.shape_cast %get3A_686 : vector<1x1x128xf32> to vector<128xf32>
    %swap3A_688 = arith.constant 0 : index
    %swap3A_689 = arith.constant 2 : index
    %swap3A_690 = arith.constant 384 : index
    %swap3A_691 = vector.load %arg3[%swap3A_688, %swap3A_689, %swap3A_690] : memref<1x8x1024xf32, #tpu.memory_space<vmem>>, vector<1x1x128xf32>
    %swap3A_692 = vector.shape_cast %swap3A_691 : vector<1x1x128xf32> to vector<128xf32>
    %swap3A_693 = vector.shape_cast %get3A_687 : vector<128xf32> to vector<1x1x128xf32>
    tpu.vector_store %arg3[%swap3A_688, %swap3A_689, %swap3A_690], %swap3A_693 {strides = array<i32>} : memref<1x8x1024xf32, #tpu.memory_space<vmem>>, vector<1x1x128xf32>,
    %add3A_694 = vector.broadcast %mul3A_682 : i32 to vector<128xi32>
    %add3A_695 = arith.addi %add3A_694, %iota3A_22 : vector<128xi32>
    %swap3A_696 = arith.constant 0 : index
    %swap3A_697 = arith.constant 2 : index
    %swap3A_698 = arith.constant 384 : index
    %swap3A_699 = vector.load %arg4[%swap3A_696, %swap3A_697, %swap3A_698] : memref<1x8x1024xi32, #tpu.memory_space<vmem>>, vector<1x1x128xi32>
    %swap3A_700 = vector.shape_cast %swap3A_699 : vector<1x1x128xi32> to vector<128xi32>
    %swap3A_701 = vector.shape_cast %add3A_695 : vector<128xi32> to vector<1x1x128xi32>
    tpu.vector_store %arg4[%swap3A_696, %swap3A_697, %swap3A_698], %swap3A_701 {strides = array<i32>} : memref<1x8x1024xi32, #tpu.memory_space<vmem>>, vector<1x1x128xi32>,
    %slice3A_702 = vector.extract_strided_slice %broadcast_in_dim3A_627 {offsets = [3, 0], sizes = [1, 1], strides = [1, 1]} : vector<8x1xi32> to vector<1x1xi32>
    %squeeze3A_703 = vector.extract %slice3A_702[0, 0] : i32 from vector<1x1xi32>
    %mul3A_704 = arith.constant 128 : i32
    %mul3A_705 = arith.muli %squeeze3A_703, %mul3A_704 : i32
    %get3A_706 = arith.constant 0 : index
    %get3A_707 = arith.constant 3 : index
    %get3A_708 = arith.index_cast %mul3A_705 : i32 to index
    %get3A_709 = vector.load %arg1[%get3A_706, %get3A_707, %get3A_708] : memref<1x8x100000xf32, #tpu.memory_space<vmem>>, vector<1x1x128xf32>
    %get3A_710 = vector.shape_cast %get3A_709 : vector<1x1x128xf32> to vector<128xf32>
    %swap3A_711 = arith.constant 0 : index
    %swap3A_712 = arith.constant 3 : index
    %swap3A_713 = arith.constant 384 : index
    %swap3A_714 = vector.load %arg3[%swap3A_711, %swap3A_712, %swap3A_713] : memref<1x8x1024xf32, #tpu.memory_space<vmem>>, vector<1x1x128xf32>
    %swap3A_715 = vector.shape_cast %swap3A_714 : vector<1x1x128xf32> to vector<128xf32>
    %swap3A_716 = vector.shape_cast %get3A_710 : vector<128xf32> to vector<1x1x128xf32>
    tpu.vector_store %arg3[%swap3A_711, %swap3A_712, %swap3A_713], %swap3A_716 {strides = array<i32>} : memref<1x8x1024xf32, #tpu.memory_space<vmem>>, vector<1x1x128xf32>,
    %add3A_717 = vector.broadcast %mul3A_705 : i32 to vector<128xi32>
    %add3A_718 = arith.addi %add3A_717, %iota3A_22 : vector<128xi32>
    %swap3A_719 = arith.constant 0 : index
    %swap3A_720 = arith.constant 3 : index
    %swap3A_721 = arith.constant 384 : index
    %swap3A_722 = vector.load %arg4[%swap3A_719, %swap3A_720, %swap3A_721] : memref<1x8x1024xi32, #tpu.memory_space<vmem>>, vector<1x1x128xi32>
    %swap3A_723 = vector.shape_cast %swap3A_722 : vector<1x1x128xi32> to vector<128xi32>
    %swap3A_724 = vector.shape_cast %add3A_718 : vector<128xi32> to vector<1x1x128xi32>
    tpu.vector_store %arg4[%swap3A_719, %swap3A_720, %swap3A_721], %swap3A_724 {strides = array<i32>} : memref<1x8x1024xi32, #tpu.memory_space<vmem>>, vector<1x1x128xi32>,
    %slice3A_725 = vector.extract_strided_slice %broadcast_in_dim3A_627 {offsets = [4, 0], sizes = [1, 1], strides = [1, 1]} : vector<8x1xi32> to vector<1x1xi32>
    %squeeze3A_726 = vector.extract %slice3A_725[0, 0] : i32 from vector<1x1xi32>
    %mul3A_727 = arith.constant 128 : i32
    %mul3A_728 = arith.muli %squeeze3A_726, %mul3A_727 : i32
    %get3A_729 = arith.constant 0 : index
    %get3A_730 = arith.constant 4 : index
    %get3A_731 = arith.index_cast %mul3A_728 : i32 to index
    %get3A_732 = vector.load %arg1[%get3A_729, %get3A_730, %get3A_731] : memref<1x8x100000xf32, #tpu.memory_space<vmem>>, vector<1x1x128xf32>
    %get3A_733 = vector.shape_cast %get3A_732 : vector<1x1x128xf32> to vector<128xf32>
    %swap3A_734 = arith.constant 0 : index
    %swap3A_735 = arith.constant 4 : index
    %swap3A_736 = arith.constant 384 : index
    %swap3A_737 = vector.load %arg3[%swap3A_734, %swap3A_735, %swap3A_736] : memref<1x8x1024xf32, #tpu.memory_space<vmem>>, vector<1x1x128xf32>
    %swap3A_738 = vector.shape_cast %swap3A_737 : vector<1x1x128xf32> to vector<128xf32>
    %swap3A_739 = vector.shape_cast %get3A_733 : vector<128xf32> to vector<1x1x128xf32>
    tpu.vector_store %arg3[%swap3A_734, %swap3A_735, %swap3A_736], %swap3A_739 {strides = array<i32>} : memref<1x8x1024xf32, #tpu.memory_space<vmem>>, vector<1x1x128xf32>,
    %add3A_740 = vector.broadcast %mul3A_728 : i32 to vector<128xi32>
    %add3A_741 = arith.addi %add3A_740, %iota3A_22 : vector<128xi32>
    %swap3A_742 = arith.constant 0 : index
    %swap3A_743 = arith.constant 4 : index
    %swap3A_744 = arith.constant 384 : index
    %swap3A_745 = vector.load %arg4[%swap3A_742, %swap3A_743, %swap3A_744] : memref<1x8x1024xi32, #tpu.memory_space<vmem>>, vector<1x1x128xi32>
    %swap3A_746 = vector.shape_cast %swap3A_745 : vector<1x1x128xi32> to vector<128xi32>
    %swap3A_747 = vector.shape_cast %add3A_741 : vector<128xi32> to vector<1x1x128xi32>
    tpu.vector_store %arg4[%swap3A_742, %swap3A_743, %swap3A_744], %swap3A_747 {strides = array<i32>} : memref<1x8x1024xi32, #tpu.memory_space<vmem>>, vector<1x1x128xi32>,
    %slice3A_748 = vector.extract_strided_slice %broadcast_in_dim3A_627 {offsets = [5, 0], sizes = [1, 1], strides = [1, 1]} : vector<8x1xi32> to vector<1x1xi32>
    %squeeze3A_749 = vector.extract %slice3A_748[0, 0] : i32 from vector<1x1xi32>
    %mul3A_750 = arith.constant 128 : i32
    %mul3A_751 = arith.muli %squeeze3A_749, %mul3A_750 : i32
    %get3A_752 = arith.constant 0 : index
    %get3A_753 = arith.constant 5 : index
    %get3A_754 = arith.index_cast %mul3A_751 : i32 to index
    %get3A_755 = vector.load %arg1[%get3A_752, %get3A_753, %get3A_754] : memref<1x8x100000xf32, #tpu.memory_space<vmem>>, vector<1x1x128xf32>
    %get3A_756 = vector.shape_cast %get3A_755 : vector<1x1x128xf32> to vector<128xf32>
    %swap3A_757 = arith.constant 0 : index
    %swap3A_758 = arith.constant 5 : index
    %swap3A_759 = arith.constant 384 : index
    %swap3A_760 = vector.load %arg3[%swap3A_757, %swap3A_758, %swap3A_759] : memref<1x8x1024xf32, #tpu.memory_space<vmem>>, vector<1x1x128xf32>
    %swap3A_761 = vector.shape_cast %swap3A_760 : vector<1x1x128xf32> to vector<128xf32>
    %swap3A_762 = vector.shape_cast %get3A_756 : vector<128xf32> to vector<1x1x128xf32>
    tpu.vector_store %arg3[%swap3A_757, %swap3A_758, %swap3A_759], %swap3A_762 {strides = array<i32>} : memref<1x8x1024xf32, #tpu.memory_space<vmem>>, vector<1x1x128xf32>,
    %add3A_763 = vector.broadcast %mul3A_751 : i32 to vector<128xi32>
    %add3A_764 = arith.addi %add3A_763, %iota3A_22 : vector<128xi32>
    %swap3A_765 = arith.constant 0 : index
    %swap3A_766 = arith.constant 5 : index
    %swap3A_767 = arith.constant 384 : index
    %swap3A_768 = vector.load %arg4[%swap3A_765, %swap3A_766, %swap3A_767] : memref<1x8x1024xi32, #tpu.memory_space<vmem>>, vector<1x1x128xi32>
    %swap3A_769 = vector.shape_cast %swap3A_768 : vector<1x1x128xi32> to vector<128xi32>
    %swap3A_770 = vector.shape_cast %add3A_764 : vector<128xi32> to vector<1x1x128xi32>
    tpu.vector_store %arg4[%swap3A_765, %swap3A_766, %swap3A_767], %swap3A_770 {strides = array<i32>} : memref<1x8x1024xi32, #tpu.memory_space<vmem>>, vector<1x1x128xi32>,
    %slice3A_771 = vector.extract_strided_slice %broadcast_in_dim3A_627 {offsets = [6, 0], sizes = [1, 1], strides = [1, 1]} : vector<8x1xi32> to vector<1x1xi32>
    %squeeze3A_772 = vector.extract %slice3A_771[0, 0] : i32 from vector<1x1xi32>
    %mul3A_773 = arith.constant 128 : i32
    %mul3A_774 = arith.muli %squeeze3A_772, %mul3A_773 : i32
    %get3A_775 = arith.constant 0 : index
    %get3A_776 = arith.constant 6 : index
    %get3A_777 = arith.index_cast %mul3A_774 : i32 to index
    %get3A_778 = vector.load %arg1[%get3A_775, %get3A_776, %get3A_777] : memref<1x8x100000xf32, #tpu.memory_space<vmem>>, vector<1x1x128xf32>
    %get3A_779 = vector.shape_cast %get3A_778 : vector<1x1x128xf32> to vector<128xf32>
    %swap3A_780 = arith.constant 0 : index
    %swap3A_781 = arith.constant 6 : index
    %swap3A_782 = arith.constant 384 : index
    %swap3A_783 = vector.load %arg3[%swap3A_780, %swap3A_781, %swap3A_782] : memref<1x8x1024xf32, #tpu.memory_space<vmem>>, vector<1x1x128xf32>
    %swap3A_784 = vector.shape_cast %swap3A_783 : vector<1x1x128xf32> to vector<128xf32>
    %swap3A_785 = vector.shape_cast %get3A_779 : vector<128xf32> to vector<1x1x128xf32>
    tpu.vector_store %arg3[%swap3A_780, %swap3A_781, %swap3A_782], %swap3A_785 {strides = array<i32>} : memref<1x8x1024xf32, #tpu.memory_space<vmem>>, vector<1x1x128xf32>,
    %add3A_786 = vector.broadcast %mul3A_774 : i32 to vector<128xi32>
    %add3A_787 = arith.addi %add3A_786, %iota3A_22 : vector<128xi32>
    %swap3A_788 = arith.constant 0 : index
    %swap3A_789 = arith.constant 6 : index
    %swap3A_790 = arith.constant 384 : index
    %swap3A_791 = vector.load %arg4[%swap3A_788, %swap3A_789, %swap3A_790] : memref<1x8x1024xi32, #tpu.memory_space<vmem>>, vector<1x1x128xi32>
    %swap3A_792 = vector.shape_cast %swap3A_791 : vector<1x1x128xi32> to vector<128xi32>
    %swap3A_793 = vector.shape_cast %add3A_787 : vector<128xi32> to vector<1x1x128xi32>
    tpu.vector_store %arg4[%swap3A_788, %swap3A_789, %swap3A_790], %swap3A_793 {strides = array<i32>} : memref<1x8x1024xi32, #tpu.memory_space<vmem>>, vector<1x1x128xi32>,
    %slice3A_794 = vector.extract_strided_slice %broadcast_in_dim3A_627 {offsets = [7, 0], sizes = [1, 1], strides = [1, 1]} : vector<8x1xi32> to vector<1x1xi32>
    %squeeze3A_795 = vector.extract %slice3A_794[0, 0] : i32 from vector<1x1xi32>
    %mul3A_796 = arith.constant 128 : i32
    %mul3A_797 = arith.muli %squeeze3A_795, %mul3A_796 : i32
    %get3A_798 = arith.constant 0 : index
    %get3A_799 = arith.constant 7 : index
    %get3A_800 = arith.index_cast %mul3A_797 : i32 to index
    %get3A_801 = vector.load %arg1[%get3A_798, %get3A_799, %get3A_800] : memref<1x8x100000xf32, #tpu.memory_space<vmem>>, vector<1x1x128xf32>
    %get3A_802 = vector.shape_cast %get3A_801 : vector<1x1x128xf32> to vector<128xf32>
    %swap3A_803 = arith.constant 0 : index
    %swap3A_804 = arith.constant 7 : index
    %swap3A_805 = arith.constant 384 : index
    %swap3A_806 = vector.load %arg3[%swap3A_803, %swap3A_804, %swap3A_805] : memref<1x8x1024xf32, #tpu.memory_space<vmem>>, vector<1x1x128xf32>
    %swap3A_807 = vector.shape_cast %swap3A_806 : vector<1x1x128xf32> to vector<128xf32>
    %swap3A_808 = vector.shape_cast %get3A_802 : vector<128xf32> to vector<1x1x128xf32>
    tpu.vector_store %arg3[%swap3A_803, %swap3A_804, %swap3A_805], %swap3A_808 {strides = array<i32>} : memref<1x8x1024xf32, #tpu.memory_space<vmem>>, vector<1x1x128xf32>,
    %add3A_809 = vector.broadcast %mul3A_797 : i32 to vector<128xi32>
    %add3A_810 = arith.addi %add3A_809, %iota3A_22 : vector<128xi32>
    %swap3A_811 = arith.constant 0 : index
    %swap3A_812 = arith.constant 7 : index
    %swap3A_813 = arith.constant 384 : index
    %swap3A_814 = vector.load %arg4[%swap3A_811, %swap3A_812, %swap3A_813] : memref<1x8x1024xi32, #tpu.memory_space<vmem>>, vector<1x1x128xi32>
    %swap3A_815 = vector.shape_cast %swap3A_814 : vector<1x1x128xi32> to vector<128xi32>
    %swap3A_816 = vector.shape_cast %add3A_810 : vector<128xi32> to vector<1x1x128xi32>
    tpu.vector_store %arg4[%swap3A_811, %swap3A_812, %swap3A_813], %swap3A_816 {strides = array<i32>} : memref<1x8x1024xi32, #tpu.memory_space<vmem>>, vector<1x1x128xi32>,
    %reduce_max3A_817 = arith.constant dense<0xFF800000> : vector<8xf32>
    %reduce_max3A_818 = vector.multi_reduction <maximumf>, %select_n3A_632, %reduce_max3A_817 [1] : vector<8x784xf32> to vector<8xf32>
    %broadcast_in_dim3A_819 = vector.shape_cast %reduce_max3A_818 : vector<8xf32> to vector<8x1xf32>
    %eq3A_820 = vector.broadcast %broadcast_in_dim3A_819 : vector<8x1xf32> to vector<8x784xf32>
    %eq3A_821 = arith.cmpf oeq, %select_n3A_632, %eq3A_820 : vector<8x784xf32>
    %jit3A_822 = arith.constant 784 : i32
    %broadcast_in_dim3A_823 = vector.broadcast %jit3A_822 : i32 to vector<8x784xi32>
    %select_n3A_824 = arith.select %eq3A_821, %iota3A, %broadcast_in_dim3A_823 : vector<8x784xi1>, vector<8x784xi32>
    %reduce_min3A_825 = arith.constant dense<2147483647> : vector<8xi32>
    %reduce_min3A_826 = vector.multi_reduction <minsi>, %select_n3A_824, %reduce_min3A_825 [1] : vector<8x784xi32> to vector<8xi32>
    %broadcast_in_dim3A_827 = vector.shape_cast %reduce_min3A_826 : vector<8xi32> to vector<8x1xi32>
    %eq3A_828 = vector.broadcast %broadcast_in_dim3A_827 : vector<8x1xi32> to vector<8x784xi32>
    %eq3A_829 = arith.cmpi eq, %iota3A, %eq3A_828 : vector<8x784xi32>
    %jit3A_830 = arith.constant 0xFF800000 : f32
    %broadcast_in_dim3A_831 = vector.broadcast %jit3A_830 : f32 to vector<8x784xf32>
    %select_n3A_832 = arith.select %eq3A_829, %broadcast_in_dim3A_831, %select_n3A_632 : vector<8x784xi1>, vector<8x784xf32>
    %slice3A_833 = vector.extract_strided_slice %broadcast_in_dim3A_827 {offsets = [0, 0], sizes = [1, 1], strides = [1, 1]} : vector<8x1xi32> to vector<1x1xi32>
    %squeeze3A_834 = vector.extract %slice3A_833[0, 0] : i32 from vector<1x1xi32>
    %mul3A_835 = arith.constant 128 : i32
    %mul3A_836 = arith.muli %squeeze3A_834, %mul3A_835 : i32
    %get3A_837 = arith.constant 0 : index
    %get3A_838 = arith.constant 0 : index
    %get3A_839 = arith.index_cast %mul3A_836 : i32 to index
    %get3A_840 = vector.load %arg1[%get3A_837, %get3A_838, %get3A_839] : memref<1x8x100000xf32, #tpu.memory_space<vmem>>, vector<1x1x128xf32>
    %get3A_841 = vector.shape_cast %get3A_840 : vector<1x1x128xf32> to vector<128xf32>
    %swap3A_842 = arith.constant 0 : index
    %swap3A_843 = arith.constant 0 : index
    %swap3A_844 = arith.constant 512 : index
    %swap3A_845 = vector.load %arg3[%swap3A_842, %swap3A_843, %swap3A_844] : memref<1x8x1024xf32, #tpu.memory_space<vmem>>, vector<1x1x128xf32>
    %swap3A_846 = vector.shape_cast %swap3A_845 : vector<1x1x128xf32> to vector<128xf32>
    %swap3A_847 = vector.shape_cast %get3A_841 : vector<128xf32> to vector<1x1x128xf32>
    tpu.vector_store %arg3[%swap3A_842, %swap3A_843, %swap3A_844], %swap3A_847 {strides = array<i32>} : memref<1x8x1024xf32, #tpu.memory_space<vmem>>, vector<1x1x128xf32>,
    %add3A_848 = vector.broadcast %mul3A_836 : i32 to vector<128xi32>
    %add3A_849 = arith.addi %add3A_848, %iota3A_22 : vector<128xi32>
    %swap3A_850 = arith.constant 0 : index
    %swap3A_851 = arith.constant 0 : index
    %swap3A_852 = arith.constant 512 : index
    %swap3A_853 = vector.load %arg4[%swap3A_850, %swap3A_851, %swap3A_852] : memref<1x8x1024xi32, #tpu.memory_space<vmem>>, vector<1x1x128xi32>
    %swap3A_854 = vector.shape_cast %swap3A_853 : vector<1x1x128xi32> to vector<128xi32>
    %swap3A_855 = vector.shape_cast %add3A_849 : vector<128xi32> to vector<1x1x128xi32>
    tpu.vector_store %arg4[%swap3A_850, %swap3A_851, %swap3A_852], %swap3A_855 {strides = array<i32>} : memref<1x8x1024xi32, #tpu.memory_space<vmem>>, vector<1x1x128xi32>,
    %slice3A_856 = vector.extract_strided_slice %broadcast_in_dim3A_827 {offsets = [1, 0], sizes = [1, 1], strides = [1, 1]} : vector<8x1xi32> to vector<1x1xi32>
    %squeeze3A_857 = vector.extract %slice3A_856[0, 0] : i32 from vector<1x1xi32>
    %mul3A_858 = arith.constant 128 : i32
    %mul3A_859 = arith.muli %squeeze3A_857, %mul3A_858 : i32
    %get3A_860 = arith.constant 0 : index
    %get3A_861 = arith.constant 1 : index
    %get3A_862 = arith.index_cast %mul3A_859 : i32 to index
    %get3A_863 = vector.load %arg1[%get3A_860, %get3A_861, %get3A_862] : memref<1x8x100000xf32, #tpu.memory_space<vmem>>, vector<1x1x128xf32>
    %get3A_864 = vector.shape_cast %get3A_863 : vector<1x1x128xf32> to vector<128xf32>
    %swap3A_865 = arith.constant 0 : index
    %swap3A_866 = arith.constant 1 : index
    %swap3A_867 = arith.constant 512 : index
    %swap3A_868 = vector.load %arg3[%swap3A_865, %swap3A_866, %swap3A_867] : memref<1x8x1024xf32, #tpu.memory_space<vmem>>, vector<1x1x128xf32>
    %swap3A_869 = vector.shape_cast %swap3A_868 : vector<1x1x128xf32> to vector<128xf32>
    %swap3A_870 = vector.shape_cast %get3A_864 : vector<128xf32> to vector<1x1x128xf32>
    tpu.vector_store %arg3[%swap3A_865, %swap3A_866, %swap3A_867], %swap3A_870 {strides = array<i32>} : memref<1x8x1024xf32, #tpu.memory_space<vmem>>, vector<1x1x128xf32>,
    %add3A_871 = vector.broadcast %mul3A_859 : i32 to vector<128xi32>
    %add3A_872 = arith.addi %add3A_871, %iota3A_22 : vector<128xi32>
    %swap3A_873 = arith.constant 0 : index
    %swap3A_874 = arith.constant 1 : index
    %swap3A_875 = arith.constant 512 : index
    %swap3A_876 = vector.load %arg4[%swap3A_873, %swap3A_874, %swap3A_875] : memref<1x8x1024xi32, #tpu.memory_space<vmem>>, vector<1x1x128xi32>
    %swap3A_877 = vector.shape_cast %swap3A_876 : vector<1x1x128xi32> to vector<128xi32>
    %swap3A_878 = vector.shape_cast %add3A_872 : vector<128xi32> to vector<1x1x128xi32>
    tpu.vector_store %arg4[%swap3A_873, %swap3A_874, %swap3A_875], %swap3A_878 {strides = array<i32>} : memref<1x8x1024xi32, #tpu.memory_space<vmem>>, vector<1x1x128xi32>,
    %slice3A_879 = vector.extract_strided_slice %broadcast_in_dim3A_827 {offsets = [2, 0], sizes = [1, 1], strides = [1, 1]} : vector<8x1xi32> to vector<1x1xi32>
    %squeeze3A_880 = vector.extract %slice3A_879[0, 0] : i32 from vector<1x1xi32>
    %mul3A_881 = arith.constant 128 : i32
    %mul3A_882 = arith.muli %squeeze3A_880, %mul3A_881 : i32
    %get3A_883 = arith.constant 0 : index
    %get3A_884 = arith.constant 2 : index
    %get3A_885 = arith.index_cast %mul3A_882 : i32 to index
    %get3A_886 = vector.load %arg1[%get3A_883, %get3A_884, %get3A_885] : memref<1x8x100000xf32, #tpu.memory_space<vmem>>, vector<1x1x128xf32>
    %get3A_887 = vector.shape_cast %get3A_886 : vector<1x1x128xf32> to vector<128xf32>
    %swap3A_888 = arith.constant 0 : index
    %swap3A_889 = arith.constant 2 : index
    %swap3A_890 = arith.constant 512 : index
    %swap3A_891 = vector.load %arg3[%swap3A_888, %swap3A_889, %swap3A_890] : memref<1x8x1024xf32, #tpu.memory_space<vmem>>, vector<1x1x128xf32>
    %swap3A_892 = vector.shape_cast %swap3A_891 : vector<1x1x128xf32> to vector<128xf32>
    %swap3A_893 = vector.shape_cast %get3A_887 : vector<128xf32> to vector<1x1x128xf32>
    tpu.vector_store %arg3[%swap3A_888, %swap3A_889, %swap3A_890], %swap3A_893 {strides = array<i32>} : memref<1x8x1024xf32, #tpu.memory_space<vmem>>, vector<1x1x128xf32>,
    %add3A_894 = vector.broadcast %mul3A_882 : i32 to vector<128xi32>
    %add3A_895 = arith.addi %add3A_894, %iota3A_22 : vector<128xi32>
    %swap3A_896 = arith.constant 0 : index
    %swap3A_897 = arith.constant 2 : index
    %swap3A_898 = arith.constant 512 : index
    %swap3A_899 = vector.load %arg4[%swap3A_896, %swap3A_897, %swap3A_898] : memref<1x8x1024xi32, #tpu.memory_space<vmem>>, vector<1x1x128xi32>
    %swap3A_900 = vector.shape_cast %swap3A_899 : vector<1x1x128xi32> to vector<128xi32>
    %swap3A_901 = vector.shape_cast %add3A_895 : vector<128xi32> to vector<1x1x128xi32>
    tpu.vector_store %arg4[%swap3A_896, %swap3A_897, %swap3A_898], %swap3A_901 {strides = array<i32>} : memref<1x8x1024xi32, #tpu.memory_space<vmem>>, vector<1x1x128xi32>,
    %slice3A_902 = vector.extract_strided_slice %broadcast_in_dim3A_827 {offsets = [3, 0], sizes = [1, 1], strides = [1, 1]} : vector<8x1xi32> to vector<1x1xi32>
    %squeeze3A_903 = vector.extract %slice3A_902[0, 0] : i32 from vector<1x1xi32>
    %mul3A_904 = arith.constant 128 : i32
    %mul3A_905 = arith.muli %squeeze3A_903, %mul3A_904 : i32
    %get3A_906 = arith.constant 0 : index
    %get3A_907 = arith.constant 3 : index
    %get3A_908 = arith.index_cast %mul3A_905 : i32 to index
    %get3A_909 = vector.load %arg1[%get3A_906, %get3A_907, %get3A_908] : memref<1x8x100000xf32, #tpu.memory_space<vmem>>, vector<1x1x128xf32>
    %get3A_910 = vector.shape_cast %get3A_909 : vector<1x1x128xf32> to vector<128xf32>
    %swap3A_911 = arith.constant 0 : index
    %swap3A_912 = arith.constant 3 : index
    %swap3A_913 = arith.constant 512 : index
    %swap3A_914 = vector.load %arg3[%swap3A_911, %swap3A_912, %swap3A_913] : memref<1x8x1024xf32, #tpu.memory_space<vmem>>, vector<1x1x128xf32>
    %swap3A_915 = vector.shape_cast %swap3A_914 : vector<1x1x128xf32> to vector<128xf32>
    %swap3A_916 = vector.shape_cast %get3A_910 : vector<128xf32> to vector<1x1x128xf32>
    tpu.vector_store %arg3[%swap3A_911, %swap3A_912, %swap3A_913], %swap3A_916 {strides = array<i32>} : memref<1x8x1024xf32, #tpu.memory_space<vmem>>, vector<1x1x128xf32>,
    %add3A_917 = vector.broadcast %mul3A_905 : i32 to vector<128xi32>
    %add3A_918 = arith.addi %add3A_917, %iota3A_22 : vector<128xi32>
    %swap3A_919 = arith.constant 0 : index
    %swap3A_920 = arith.constant 3 : index
    %swap3A_921 = arith.constant 512 : index
    %swap3A_922 = vector.load %arg4[%swap3A_919, %swap3A_920, %swap3A_921] : memref<1x8x1024xi32, #tpu.memory_space<vmem>>, vector<1x1x128xi32>
    %swap3A_923 = vector.shape_cast %swap3A_922 : vector<1x1x128xi32> to vector<128xi32>
    %swap3A_924 = vector.shape_cast %add3A_918 : vector<128xi32> to vector<1x1x128xi32>
    tpu.vector_store %arg4[%swap3A_919, %swap3A_920, %swap3A_921], %swap3A_924 {strides = array<i32>} : memref<1x8x1024xi32, #tpu.memory_space<vmem>>, vector<1x1x128xi32>,
    %slice3A_925 = vector.extract_strided_slice %broadcast_in_dim3A_827 {offsets = [4, 0], sizes = [1, 1], strides = [1, 1]} : vector<8x1xi32> to vector<1x1xi32>
    %squeeze3A_926 = vector.extract %slice3A_925[0, 0] : i32 from vector<1x1xi32>
    %mul3A_927 = arith.constant 128 : i32
    %mul3A_928 = arith.muli %squeeze3A_926, %mul3A_927 : i32
    %get3A_929 = arith.constant 0 : index
    %get3A_930 = arith.constant 4 : index
    %get3A_931 = arith.index_cast %mul3A_928 : i32 to index
    %get3A_932 = vector.load %arg1[%get3A_929, %get3A_930, %get3A_931] : memref<1x8x100000xf32, #tpu.memory_space<vmem>>, vector<1x1x128xf32>
    %get3A_933 = vector.shape_cast %get3A_932 : vector<1x1x128xf32> to vector<128xf32>
    %swap3A_934 = arith.constant 0 : index
    %swap3A_935 = arith.constant 4 : index
    %swap3A_936 = arith.constant 512 : index
    %swap3A_937 = vector.load %arg3[%swap3A_934, %swap3A_935, %swap3A_936] : memref<1x8x1024xf32, #tpu.memory_space<vmem>>, vector<1x1x128xf32>
    %swap3A_938 = vector.shape_cast %swap3A_937 : vector<1x1x128xf32> to vector<128xf32>
    %swap3A_939 = vector.shape_cast %get3A_933 : vector<128xf32> to vector<1x1x128xf32>
    tpu.vector_store %arg3[%swap3A_934, %swap3A_935, %swap3A_936], %swap3A_939 {strides = array<i32>} : memref<1x8x1024xf32, #tpu.memory_space<vmem>>, vector<1x1x128xf32>,
    %add3A_940 = vector.broadcast %mul3A_928 : i32 to vector<128xi32>
    %add3A_941 = arith.addi %add3A_940, %iota3A_22 : vector<128xi32>
    %swap3A_942 = arith.constant 0 : index
    %swap3A_943 = arith.constant 4 : index
    %swap3A_944 = arith.constant 512 : index
    %swap3A_945 = vector.load %arg4[%swap3A_942, %swap3A_943, %swap3A_944] : memref<1x8x1024xi32, #tpu.memory_space<vmem>>, vector<1x1x128xi32>
    %swap3A_946 = vector.shape_cast %swap3A_945 : vector<1x1x128xi32> to vector<128xi32>
    %swap3A_947 = vector.shape_cast %add3A_941 : vector<128xi32> to vector<1x1x128xi32>
    tpu.vector_store %arg4[%swap3A_942, %swap3A_943, %swap3A_944], %swap3A_947 {strides = array<i32>} : memref<1x8x1024xi32, #tpu.memory_space<vmem>>, vector<1x1x128xi32>,
    %slice3A_948 = vector.extract_strided_slice %broadcast_in_dim3A_827 {offsets = [5, 0], sizes = [1, 1], strides = [1, 1]} : vector<8x1xi32> to vector<1x1xi32>
    %squeeze3A_949 = vector.extract %slice3A_948[0, 0] : i32 from vector<1x1xi32>
    %mul3A_950 = arith.constant 128 : i32
    %mul3A_951 = arith.muli %squeeze3A_949, %mul3A_950 : i32
    %get3A_952 = arith.constant 0 : index
    %get3A_953 = arith.constant 5 : index
    %get3A_954 = arith.index_cast %mul3A_951 : i32 to index
    %get3A_955 = vector.load %arg1[%get3A_952, %get3A_953, %get3A_954] : memref<1x8x100000xf32, #tpu.memory_space<vmem>>, vector<1x1x128xf32>
    %get3A_956 = vector.shape_cast %get3A_955 : vector<1x1x128xf32> to vector<128xf32>
    %swap3A_957 = arith.constant 0 : index
    %swap3A_958 = arith.constant 5 : index
    %swap3A_959 = arith.constant 512 : index
    %swap3A_960 = vector.load %arg3[%swap3A_957, %swap3A_958, %swap3A_959] : memref<1x8x1024xf32, #tpu.memory_space<vmem>>, vector<1x1x128xf32>
    %swap3A_961 = vector.shape_cast %swap3A_960 : vector<1x1x128xf32> to vector<128xf32>
    %swap3A_962 = vector.shape_cast %get3A_956 : vector<128xf32> to vector<1x1x128xf32>
    tpu.vector_store %arg3[%swap3A_957, %swap3A_958, %swap3A_959], %swap3A_962 {strides = array<i32>} : memref<1x8x1024xf32, #tpu.memory_space<vmem>>, vector<1x1x128xf32>,
    %add3A_963 = vector.broadcast %mul3A_951 : i32 to vector<128xi32>
    %add3A_964 = arith.addi %add3A_963, %iota3A_22 : vector<128xi32>
    %swap3A_965 = arith.constant 0 : index
    %swap3A_966 = arith.constant 5 : index
    %swap3A_967 = arith.constant 512 : index
    %swap3A_968 = vector.load %arg4[%swap3A_965, %swap3A_966, %swap3A_967] : memref<1x8x1024xi32, #tpu.memory_space<vmem>>, vector<1x1x128xi32>
    %swap3A_969 = vector.shape_cast %swap3A_968 : vector<1x1x128xi32> to vector<128xi32>
    %swap3A_970 = vector.shape_cast %add3A_964 : vector<128xi32> to vector<1x1x128xi32>
    tpu.vector_store %arg4[%swap3A_965, %swap3A_966, %swap3A_967], %swap3A_970 {strides = array<i32>} : memref<1x8x1024xi32, #tpu.memory_space<vmem>>, vector<1x1x128xi32>,
    %slice3A_971 = vector.extract_strided_slice %broadcast_in_dim3A_827 {offsets = [6, 0], sizes = [1, 1], strides = [1, 1]} : vector<8x1xi32> to vector<1x1xi32>
    %squeeze3A_972 = vector.extract %slice3A_971[0, 0] : i32 from vector<1x1xi32>
    %mul3A_973 = arith.constant 128 : i32
    %mul3A_974 = arith.muli %squeeze3A_972, %mul3A_973 : i32
    %get3A_975 = arith.constant 0 : index
    %get3A_976 = arith.constant 6 : index
    %get3A_977 = arith.index_cast %mul3A_974 : i32 to index
    %get3A_978 = vector.load %arg1[%get3A_975, %get3A_976, %get3A_977] : memref<1x8x100000xf32, #tpu.memory_space<vmem>>, vector<1x1x128xf32>
    %get3A_979 = vector.shape_cast %get3A_978 : vector<1x1x128xf32> to vector<128xf32>
    %swap3A_980 = arith.constant 0 : index
    %swap3A_981 = arith.constant 6 : index
    %swap3A_982 = arith.constant 512 : index
    %swap3A_983 = vector.load %arg3[%swap3A_980, %swap3A_981, %swap3A_982] : memref<1x8x1024xf32, #tpu.memory_space<vmem>>, vector<1x1x128xf32>
    %swap3A_984 = vector.shape_cast %swap3A_983 : vector<1x1x128xf32> to vector<128xf32>
    %swap3A_985 = vector.shape_cast %get3A_979 : vector<128xf32> to vector<1x1x128xf32>
    tpu.vector_store %arg3[%swap3A_980, %swap3A_981, %swap3A_982], %swap3A_985 {strides = array<i32>} : memref<1x8x1024xf32, #tpu.memory_space<vmem>>, vector<1x1x128xf32>,
    %add3A_986 = vector.broadcast %mul3A_974 : i32 to vector<128xi32>
    %add3A_987 = arith.addi %add3A_986, %iota3A_22 : vector<128xi32>
    %swap3A_988 = arith.constant 0 : index
    %swap3A_989 = arith.constant 6 : index
    %swap3A_990 = arith.constant 512 : index
    %swap3A_991 = vector.load %arg4[%swap3A_988, %swap3A_989, %swap3A_990] : memref<1x8x1024xi32, #tpu.memory_space<vmem>>, vector<1x1x128xi32>
    %swap3A_992 = vector.shape_cast %swap3A_991 : vector<1x1x128xi32> to vector<128xi32>
    %swap3A_993 = vector.shape_cast %add3A_987 : vector<128xi32> to vector<1x1x128xi32>
    tpu.vector_store %arg4[%swap3A_988, %swap3A_989, %swap3A_990], %swap3A_993 {strides = array<i32>} : memref<1x8x1024xi32, #tpu.memory_space<vmem>>, vector<1x1x128xi32>,
    %slice3A_994 = vector.extract_strided_slice %broadcast_in_dim3A_827 {offsets = [7, 0], sizes = [1, 1], strides = [1, 1]} : vector<8x1xi32> to vector<1x1xi32>
    %squeeze3A_995 = vector.extract %slice3A_994[0, 0] : i32 from vector<1x1xi32>
    %mul3A_996 = arith.constant 128 : i32
    %mul3A_997 = arith.muli %squeeze3A_995, %mul3A_996 : i32
    %get3A_998 = arith.constant 0 : index
    %get3A_999 = arith.constant 7 : index
    %get3A_1000 = arith.index_cast %mul3A_997 : i32 to index
    %get3A_1001 = vector.load %arg1[%get3A_998, %get3A_999, %get3A_1000] : memref<1x8x100000xf32, #tpu.memory_space<vmem>>, vector<1x1x128xf32>
    %get3A_1002 = vector.shape_cast %get3A_1001 : vector<1x1x128xf32> to vector<128xf32>
    %swap3A_1003 = arith.constant 0 : index
    %swap3A_1004 = arith.constant 7 : index
    %swap3A_1005 = arith.constant 512 : index
    %swap3A_1006 = vector.load %arg3[%swap3A_1003, %swap3A_1004, %swap3A_1005] : memref<1x8x1024xf32, #tpu.memory_space<vmem>>, vector<1x1x128xf32>
    %swap3A_1007 = vector.shape_cast %swap3A_1006 : vector<1x1x128xf32> to vector<128xf32>
    %swap3A_1008 = vector.shape_cast %get3A_1002 : vector<128xf32> to vector<1x1x128xf32>
    tpu.vector_store %arg3[%swap3A_1003, %swap3A_1004, %swap3A_1005], %swap3A_1008 {strides = array<i32>} : memref<1x8x1024xf32, #tpu.memory_space<vmem>>, vector<1x1x128xf32>,
    %add3A_1009 = vector.broadcast %mul3A_997 : i32 to vector<128xi32>
    %add3A_1010 = arith.addi %add3A_1009, %iota3A_22 : vector<128xi32>
    %swap3A_1011 = arith.constant 0 : index
    %swap3A_1012 = arith.constant 7 : index
    %swap3A_1013 = arith.constant 512 : index
    %swap3A_1014 = vector.load %arg4[%swap3A_1011, %swap3A_1012, %swap3A_1013] : memref<1x8x1024xi32, #tpu.memory_space<vmem>>, vector<1x1x128xi32>
    %swap3A_1015 = vector.shape_cast %swap3A_1014 : vector<1x1x128xi32> to vector<128xi32>
    %swap3A_1016 = vector.shape_cast %add3A_1010 : vector<128xi32> to vector<1x1x128xi32>
    tpu.vector_store %arg4[%swap3A_1011, %swap3A_1012, %swap3A_1013], %swap3A_1016 {strides = array<i32>} : memref<1x8x1024xi32, #tpu.memory_space<vmem>>, vector<1x1x128xi32>,
    %reduce_max3A_1017 = arith.constant dense<0xFF800000> : vector<8xf32>
    %reduce_max3A_1018 = vector.multi_reduction <maximumf>, %select_n3A_832, %reduce_max3A_1017 [1] : vector<8x784xf32> to vector<8xf32>
    %broadcast_in_dim3A_1019 = vector.shape_cast %reduce_max3A_1018 : vector<8xf32> to vector<8x1xf32>
    %eq3A_1020 = vector.broadcast %broadcast_in_dim3A_1019 : vector<8x1xf32> to vector<8x784xf32>
    %eq3A_1021 = arith.cmpf oeq, %select_n3A_832, %eq3A_1020 : vector<8x784xf32>
    %jit3A_1022 = arith.constant 784 : i32
    %broadcast_in_dim3A_1023 = vector.broadcast %jit3A_1022 : i32 to vector<8x784xi32>
    %select_n3A_1024 = arith.select %eq3A_1021, %iota3A, %broadcast_in_dim3A_1023 : vector<8x784xi1>, vector<8x784xi32>
    %reduce_min3A_1025 = arith.constant dense<2147483647> : vector<8xi32>
    %reduce_min3A_1026 = vector.multi_reduction <minsi>, %select_n3A_1024, %reduce_min3A_1025 [1] : vector<8x784xi32> to vector<8xi32>
    %broadcast_in_dim3A_1027 = vector.shape_cast %reduce_min3A_1026 : vector<8xi32> to vector<8x1xi32>
    %eq3A_1028 = vector.broadcast %broadcast_in_dim3A_1027 : vector<8x1xi32> to vector<8x784xi32>
    %eq3A_1029 = arith.cmpi eq, %iota3A, %eq3A_1028 : vector<8x784xi32>
    %jit3A_1030 = arith.constant 0xFF800000 : f32
    %broadcast_in_dim3A_1031 = vector.broadcast %jit3A_1030 : f32 to vector<8x784xf32>
    %select_n3A_1032 = arith.select %eq3A_1029, %broadcast_in_dim3A_1031, %select_n3A_832 : vector<8x784xi1>, vector<8x784xf32>
    %slice3A_1033 = vector.extract_strided_slice %broadcast_in_dim3A_1027 {offsets = [0, 0], sizes = [1, 1], strides = [1, 1]} : vector<8x1xi32> to vector<1x1xi32>
    %squeeze3A_1034 = vector.extract %slice3A_1033[0, 0] : i32 from vector<1x1xi32>
    %mul3A_1035 = arith.constant 128 : i32
    %mul3A_1036 = arith.muli %squeeze3A_1034, %mul3A_1035 : i32
    %get3A_1037 = arith.constant 0 : index
    %get3A_1038 = arith.constant 0 : index
    %get3A_1039 = arith.index_cast %mul3A_1036 : i32 to index
    %get3A_1040 = vector.load %arg1[%get3A_1037, %get3A_1038, %get3A_1039] : memref<1x8x100000xf32, #tpu.memory_space<vmem>>, vector<1x1x128xf32>
    %get3A_1041 = vector.shape_cast %get3A_1040 : vector<1x1x128xf32> to vector<128xf32>
    %swap3A_1042 = arith.constant 0 : index
    %swap3A_1043 = arith.constant 0 : index
    %swap3A_1044 = arith.constant 640 : index
    %swap3A_1045 = vector.load %arg3[%swap3A_1042, %swap3A_1043, %swap3A_1044] : memref<1x8x1024xf32, #tpu.memory_space<vmem>>, vector<1x1x128xf32>
    %swap3A_1046 = vector.shape_cast %swap3A_1045 : vector<1x1x128xf32> to vector<128xf32>
    %swap3A_1047 = vector.shape_cast %get3A_1041 : vector<128xf32> to vector<1x1x128xf32>
    tpu.vector_store %arg3[%swap3A_1042, %swap3A_1043, %swap3A_1044], %swap3A_1047 {strides = array<i32>} : memref<1x8x1024xf32, #tpu.memory_space<vmem>>, vector<1x1x128xf32>,
    %add3A_1048 = vector.broadcast %mul3A_1036 : i32 to vector<128xi32>
    %add3A_1049 = arith.addi %add3A_1048, %iota3A_22 : vector<128xi32>
    %swap3A_1050 = arith.constant 0 : index
    %swap3A_1051 = arith.constant 0 : index
    %swap3A_1052 = arith.constant 640 : index
    %swap3A_1053 = vector.load %arg4[%swap3A_1050, %swap3A_1051, %swap3A_1052] : memref<1x8x1024xi32, #tpu.memory_space<vmem>>, vector<1x1x128xi32>
    %swap3A_1054 = vector.shape_cast %swap3A_1053 : vector<1x1x128xi32> to vector<128xi32>
    %swap3A_1055 = vector.shape_cast %add3A_1049 : vector<128xi32> to vector<1x1x128xi32>
    tpu.vector_store %arg4[%swap3A_1050, %swap3A_1051, %swap3A_1052], %swap3A_1055 {strides = array<i32>} : memref<1x8x1024xi32, #tpu.memory_space<vmem>>, vector<1x1x128xi32>,
    %slice3A_1056 = vector.extract_strided_slice %broadcast_in_dim3A_1027 {offsets = [1, 0], sizes = [1, 1], strides = [1, 1]} : vector<8x1xi32> to vector<1x1xi32>
    %squeeze3A_1057 = vector.extract %slice3A_1056[0, 0] : i32 from vector<1x1xi32>
    %mul3A_1058 = arith.constant 128 : i32
    %mul3A_1059 = arith.muli %squeeze3A_1057, %mul3A_1058 : i32
    %get3A_1060 = arith.constant 0 : index
    %get3A_1061 = arith.constant 1 : index
    %get3A_1062 = arith.index_cast %mul3A_1059 : i32 to index
    %get3A_1063 = vector.load %arg1[%get3A_1060, %get3A_1061, %get3A_1062] : memref<1x8x100000xf32, #tpu.memory_space<vmem>>, vector<1x1x128xf32>
    %get3A_1064 = vector.shape_cast %get3A_1063 : vector<1x1x128xf32> to vector<128xf32>
    %swap3A_1065 = arith.constant 0 : index
    %swap3A_1066 = arith.constant 1 : index
    %swap3A_1067 = arith.constant 640 : index
    %swap3A_1068 = vector.load %arg3[%swap3A_1065, %swap3A_1066, %swap3A_1067] : memref<1x8x1024xf32, #tpu.memory_space<vmem>>, vector<1x1x128xf32>
    %swap3A_1069 = vector.shape_cast %swap3A_1068 : vector<1x1x128xf32> to vector<128xf32>
    %swap3A_1070 = vector.shape_cast %get3A_1064 : vector<128xf32> to vector<1x1x128xf32>
    tpu.vector_store %arg3[%swap3A_1065, %swap3A_1066, %swap3A_1067], %swap3A_1070 {strides = array<i32>} : memref<1x8x1024xf32, #tpu.memory_space<vmem>>, vector<1x1x128xf32>,
    %add3A_1071 = vector.broadcast %mul3A_1059 : i32 to vector<128xi32>
    %add3A_1072 = arith.addi %add3A_1071, %iota3A_22 : vector<128xi32>
    %swap3A_1073 = arith.constant 0 : index
    %swap3A_1074 = arith.constant 1 : index
    %swap3A_1075 = arith.constant 640 : index
    %swap3A_1076 = vector.load %arg4[%swap3A_1073, %swap3A_1074, %swap3A_1075] : memref<1x8x1024xi32, #tpu.memory_space<vmem>>, vector<1x1x128xi32>
    %swap3A_1077 = vector.shape_cast %swap3A_1076 : vector<1x1x128xi32> to vector<128xi32>
    %swap3A_1078 = vector.shape_cast %add3A_1072 : vector<128xi32> to vector<1x1x128xi32>
    tpu.vector_store %arg4[%swap3A_1073, %swap3A_1074, %swap3A_1075], %swap3A_1078 {strides = array<i32>} : memref<1x8x1024xi32, #tpu.memory_space<vmem>>, vector<1x1x128xi32>,
    %slice3A_1079 = vector.extract_strided_slice %broadcast_in_dim3A_1027 {offsets = [2, 0], sizes = [1, 1], strides = [1, 1]} : vector<8x1xi32> to vector<1x1xi32>
    %squeeze3A_1080 = vector.extract %slice3A_1079[0, 0] : i32 from vector<1x1xi32>
    %mul3A_1081 = arith.constant 128 : i32
    %mul3A_1082 = arith.muli %squeeze3A_1080, %mul3A_1081 : i32
    %get3A_1083 = arith.constant 0 : index
    %get3A_1084 = arith.constant 2 : index
    %get3A_1085 = arith.index_cast %mul3A_1082 : i32 to index
    %get3A_1086 = vector.load %arg1[%get3A_1083, %get3A_1084, %get3A_1085] : memref<1x8x100000xf32, #tpu.memory_space<vmem>>, vector<1x1x128xf32>
    %get3A_1087 = vector.shape_cast %get3A_1086 : vector<1x1x128xf32> to vector<128xf32>
    %swap3A_1088 = arith.constant 0 : index
    %swap3A_1089 = arith.constant 2 : index
    %swap3A_1090 = arith.constant 640 : index
    %swap3A_1091 = vector.load %arg3[%swap3A_1088, %swap3A_1089, %swap3A_1090] : memref<1x8x1024xf32, #tpu.memory_space<vmem>>, vector<1x1x128xf32>
    %swap3A_1092 = vector.shape_cast %swap3A_1091 : vector<1x1x128xf32> to vector<128xf32>
    %swap3A_1093 = vector.shape_cast %get3A_1087 : vector<128xf32> to vector<1x1x128xf32>
    tpu.vector_store %arg3[%swap3A_1088, %swap3A_1089, %swap3A_1090], %swap3A_1093 {strides = array<i32>} : memref<1x8x1024xf32, #tpu.memory_space<vmem>>, vector<1x1x128xf32>,
    %add3A_1094 = vector.broadcast %mul3A_1082 : i32 to vector<128xi32>
    %add3A_1095 = arith.addi %add3A_1094, %iota3A_22 : vector<128xi32>
    %swap3A_1096 = arith.constant 0 : index
    %swap3A_1097 = arith.constant 2 : index
    %swap3A_1098 = arith.constant 640 : index
    %swap3A_1099 = vector.load %arg4[%swap3A_1096, %swap3A_1097, %swap3A_1098] : memref<1x8x1024xi32, #tpu.memory_space<vmem>>, vector<1x1x128xi32>
    %swap3A_1100 = vector.shape_cast %swap3A_1099 : vector<1x1x128xi32> to vector<128xi32>
    %swap3A_1101 = vector.shape_cast %add3A_1095 : vector<128xi32> to vector<1x1x128xi32>
    tpu.vector_store %arg4[%swap3A_1096, %swap3A_1097, %swap3A_1098], %swap3A_1101 {strides = array<i32>} : memref<1x8x1024xi32, #tpu.memory_space<vmem>>, vector<1x1x128xi32>,
    %slice3A_1102 = vector.extract_strided_slice %broadcast_in_dim3A_1027 {offsets = [3, 0], sizes = [1, 1], strides = [1, 1]} : vector<8x1xi32> to vector<1x1xi32>
    %squeeze3A_1103 = vector.extract %slice3A_1102[0, 0] : i32 from vector<1x1xi32>
    %mul3A_1104 = arith.constant 128 : i32
    %mul3A_1105 = arith.muli %squeeze3A_1103, %mul3A_1104 : i32
    %get3A_1106 = arith.constant 0 : index
    %get3A_1107 = arith.constant 3 : index
    %get3A_1108 = arith.index_cast %mul3A_1105 : i32 to index
    %get3A_1109 = vector.load %arg1[%get3A_1106, %get3A_1107, %get3A_1108] : memref<1x8x100000xf32, #tpu.memory_space<vmem>>, vector<1x1x128xf32>
    %get3A_1110 = vector.shape_cast %get3A_1109 : vector<1x1x128xf32> to vector<128xf32>
    %swap3A_1111 = arith.constant 0 : index
    %swap3A_1112 = arith.constant 3 : index
    %swap3A_1113 = arith.constant 640 : index
    %swap3A_1114 = vector.load %arg3[%swap3A_1111, %swap3A_1112, %swap3A_1113] : memref<1x8x1024xf32, #tpu.memory_space<vmem>>, vector<1x1x128xf32>
    %swap3A_1115 = vector.shape_cast %swap3A_1114 : vector<1x1x128xf32> to vector<128xf32>
    %swap3A_1116 = vector.shape_cast %get3A_1110 : vector<128xf32> to vector<1x1x128xf32>
    tpu.vector_store %arg3[%swap3A_1111, %swap3A_1112, %swap3A_1113], %swap3A_1116 {strides = array<i32>} : memref<1x8x1024xf32, #tpu.memory_space<vmem>>, vector<1x1x128xf32>,
    %add3A_1117 = vector.broadcast %mul3A_1105 : i32 to vector<128xi32>
    %add3A_1118 = arith.addi %add3A_1117, %iota3A_22 : vector<128xi32>
    %swap3A_1119 = arith.constant 0 : index
    %swap3A_1120 = arith.constant 3 : index
    %swap3A_1121 = arith.constant 640 : index
    %swap3A_1122 = vector.load %arg4[%swap3A_1119, %swap3A_1120, %swap3A_1121] : memref<1x8x1024xi32, #tpu.memory_space<vmem>>, vector<1x1x128xi32>
    %swap3A_1123 = vector.shape_cast %swap3A_1122 : vector<1x1x128xi32> to vector<128xi32>
    %swap3A_1124 = vector.shape_cast %add3A_1118 : vector<128xi32> to vector<1x1x128xi32>
    tpu.vector_store %arg4[%swap3A_1119, %swap3A_1120, %swap3A_1121], %swap3A_1124 {strides = array<i32>} : memref<1x8x1024xi32, #tpu.memory_space<vmem>>, vector<1x1x128xi32>,
    %slice3A_1125 = vector.extract_strided_slice %broadcast_in_dim3A_1027 {offsets = [4, 0], sizes = [1, 1], strides = [1, 1]} : vector<8x1xi32> to vector<1x1xi32>
    %squeeze3A_1126 = vector.extract %slice3A_1125[0, 0] : i32 from vector<1x1xi32>
    %mul3A_1127 = arith.constant 128 : i32
    %mul3A_1128 = arith.muli %squeeze3A_1126, %mul3A_1127 : i32
    %get3A_1129 = arith.constant 0 : index
    %get3A_1130 = arith.constant 4 : index
    %get3A_1131 = arith.index_cast %mul3A_1128 : i32 to index
    %get3A_1132 = vector.load %arg1[%get3A_1129, %get3A_1130, %get3A_1131] : memref<1x8x100000xf32, #tpu.memory_space<vmem>>, vector<1x1x128xf32>
    %get3A_1133 = vector.shape_cast %get3A_1132 : vector<1x1x128xf32> to vector<128xf32>
    %swap3A_1134 = arith.constant 0 : index
    %swap3A_1135 = arith.constant 4 : index
    %swap3A_1136 = arith.constant 640 : index
    %swap3A_1137 = vector.load %arg3[%swap3A_1134, %swap3A_1135, %swap3A_1136] : memref<1x8x1024xf32, #tpu.memory_space<vmem>>, vector<1x1x128xf32>
    %swap3A_1138 = vector.shape_cast %swap3A_1137 : vector<1x1x128xf32> to vector<128xf32>
    %swap3A_1139 = vector.shape_cast %get3A_1133 : vector<128xf32> to vector<1x1x128xf32>
    tpu.vector_store %arg3[%swap3A_1134, %swap3A_1135, %swap3A_1136], %swap3A_1139 {strides = array<i32>} : memref<1x8x1024xf32, #tpu.memory_space<vmem>>, vector<1x1x128xf32>,
    %add3A_1140 = vector.broadcast %mul3A_1128 : i32 to vector<128xi32>
    %add3A_1141 = arith.addi %add3A_1140, %iota3A_22 : vector<128xi32>
    %swap3A_1142 = arith.constant 0 : index
    %swap3A_1143 = arith.constant 4 : index
    %swap3A_1144 = arith.constant 640 : index
    %swap3A_1145 = vector.load %arg4[%swap3A_1142, %swap3A_1143, %swap3A_1144] : memref<1x8x1024xi32, #tpu.memory_space<vmem>>, vector<1x1x128xi32>
    %swap3A_1146 = vector.shape_cast %swap3A_1145 : vector<1x1x128xi32> to vector<128xi32>
    %swap3A_1147 = vector.shape_cast %add3A_1141 : vector<128xi32> to vector<1x1x128xi32>
    tpu.vector_store %arg4[%swap3A_1142, %swap3A_1143, %swap3A_1144], %swap3A_1147 {strides = array<i32>} : memref<1x8x1024xi32, #tpu.memory_space<vmem>>, vector<1x1x128xi32>,
    %slice3A_1148 = vector.extract_strided_slice %broadcast_in_dim3A_1027 {offsets = [5, 0], sizes = [1, 1], strides = [1, 1]} : vector<8x1xi32> to vector<1x1xi32>
    %squeeze3A_1149 = vector.extract %slice3A_1148[0, 0] : i32 from vector<1x1xi32>
    %mul3A_1150 = arith.constant 128 : i32
    %mul3A_1151 = arith.muli %squeeze3A_1149, %mul3A_1150 : i32
    %get3A_1152 = arith.constant 0 : index
    %get3A_1153 = arith.constant 5 : index
    %get3A_1154 = arith.index_cast %mul3A_1151 : i32 to index
    %get3A_1155 = vector.load %arg1[%get3A_1152, %get3A_1153, %get3A_1154] : memref<1x8x100000xf32, #tpu.memory_space<vmem>>, vector<1x1x128xf32>
    %get3A_1156 = vector.shape_cast %get3A_1155 : vector<1x1x128xf32> to vector<128xf32>
    %swap3A_1157 = arith.constant 0 : index
    %swap3A_1158 = arith.constant 5 : index
    %swap3A_1159 = arith.constant 640 : index
    %swap3A_1160 = vector.load %arg3[%swap3A_1157, %swap3A_1158, %swap3A_1159] : memref<1x8x1024xf32, #tpu.memory_space<vmem>>, vector<1x1x128xf32>
    %swap3A_1161 = vector.shape_cast %swap3A_1160 : vector<1x1x128xf32> to vector<128xf32>
    %swap3A_1162 = vector.shape_cast %get3A_1156 : vector<128xf32> to vector<1x1x128xf32>
    tpu.vector_store %arg3[%swap3A_1157, %swap3A_1158, %swap3A_1159], %swap3A_1162 {strides = array<i32>} : memref<1x8x1024xf32, #tpu.memory_space<vmem>>, vector<1x1x128xf32>,
    %add3A_1163 = vector.broadcast %mul3A_1151 : i32 to vector<128xi32>
    %add3A_1164 = arith.addi %add3A_1163, %iota3A_22 : vector<128xi32>
    %swap3A_1165 = arith.constant 0 : index
    %swap3A_1166 = arith.constant 5 : index
    %swap3A_1167 = arith.constant 640 : index
    %swap3A_1168 = vector.load %arg4[%swap3A_1165, %swap3A_1166, %swap3A_1167] : memref<1x8x1024xi32, #tpu.memory_space<vmem>>, vector<1x1x128xi32>
    %swap3A_1169 = vector.shape_cast %swap3A_1168 : vector<1x1x128xi32> to vector<128xi32>
    %swap3A_1170 = vector.shape_cast %add3A_1164 : vector<128xi32> to vector<1x1x128xi32>
    tpu.vector_store %arg4[%swap3A_1165, %swap3A_1166, %swap3A_1167], %swap3A_1170 {strides = array<i32>} : memref<1x8x1024xi32, #tpu.memory_space<vmem>>, vector<1x1x128xi32>,
    %slice3A_1171 = vector.extract_strided_slice %broadcast_in_dim3A_1027 {offsets = [6, 0], sizes = [1, 1], strides = [1, 1]} : vector<8x1xi32> to vector<1x1xi32>
    %squeeze3A_1172 = vector.extract %slice3A_1171[0, 0] : i32 from vector<1x1xi32>
    %mul3A_1173 = arith.constant 128 : i32
    %mul3A_1174 = arith.muli %squeeze3A_1172, %mul3A_1173 : i32
    %get3A_1175 = arith.constant 0 : index
    %get3A_1176 = arith.constant 6 : index
    %get3A_1177 = arith.index_cast %mul3A_1174 : i32 to index
    %get3A_1178 = vector.load %arg1[%get3A_1175, %get3A_1176, %get3A_1177] : memref<1x8x100000xf32, #tpu.memory_space<vmem>>, vector<1x1x128xf32>
    %get3A_1179 = vector.shape_cast %get3A_1178 : vector<1x1x128xf32> to vector<128xf32>
    %swap3A_1180 = arith.constant 0 : index
    %swap3A_1181 = arith.constant 6 : index
    %swap3A_1182 = arith.constant 640 : index
    %swap3A_1183 = vector.load %arg3[%swap3A_1180, %swap3A_1181, %swap3A_1182] : memref<1x8x1024xf32, #tpu.memory_space<vmem>>, vector<1x1x128xf32>
    %swap3A_1184 = vector.shape_cast %swap3A_1183 : vector<1x1x128xf32> to vector<128xf32>
    %swap3A_1185 = vector.shape_cast %get3A_1179 : vector<128xf32> to vector<1x1x128xf32>
    tpu.vector_store %arg3[%swap3A_1180, %swap3A_1181, %swap3A_1182], %swap3A_1185 {strides = array<i32>} : memref<1x8x1024xf32, #tpu.memory_space<vmem>>, vector<1x1x128xf32>,
    %add3A_1186 = vector.broadcast %mul3A_1174 : i32 to vector<128xi32>
    %add3A_1187 = arith.addi %add3A_1186, %iota3A_22 : vector<128xi32>
    %swap3A_1188 = arith.constant 0 : index
    %swap3A_1189 = arith.constant 6 : index
    %swap3A_1190 = arith.constant 640 : index
    %swap3A_1191 = vector.load %arg4[%swap3A_1188, %swap3A_1189, %swap3A_1190] : memref<1x8x1024xi32, #tpu.memory_space<vmem>>, vector<1x1x128xi32>
    %swap3A_1192 = vector.shape_cast %swap3A_1191 : vector<1x1x128xi32> to vector<128xi32>
    %swap3A_1193 = vector.shape_cast %add3A_1187 : vector<128xi32> to vector<1x1x128xi32>
    tpu.vector_store %arg4[%swap3A_1188, %swap3A_1189, %swap3A_1190], %swap3A_1193 {strides = array<i32>} : memref<1x8x1024xi32, #tpu.memory_space<vmem>>, vector<1x1x128xi32>,
    %slice3A_1194 = vector.extract_strided_slice %broadcast_in_dim3A_1027 {offsets = [7, 0], sizes = [1, 1], strides = [1, 1]} : vector<8x1xi32> to vector<1x1xi32>
    %squeeze3A_1195 = vector.extract %slice3A_1194[0, 0] : i32 from vector<1x1xi32>
    %mul3A_1196 = arith.constant 128 : i32
    %mul3A_1197 = arith.muli %squeeze3A_1195, %mul3A_1196 : i32
    %get3A_1198 = arith.constant 0 : index
    %get3A_1199 = arith.constant 7 : index
    %get3A_1200 = arith.index_cast %mul3A_1197 : i32 to index
    %get3A_1201 = vector.load %arg1[%get3A_1198, %get3A_1199, %get3A_1200] : memref<1x8x100000xf32, #tpu.memory_space<vmem>>, vector<1x1x128xf32>
    %get3A_1202 = vector.shape_cast %get3A_1201 : vector<1x1x128xf32> to vector<128xf32>
    %swap3A_1203 = arith.constant 0 : index
    %swap3A_1204 = arith.constant 7 : index
    %swap3A_1205 = arith.constant 640 : index
    %swap3A_1206 = vector.load %arg3[%swap3A_1203, %swap3A_1204, %swap3A_1205] : memref<1x8x1024xf32, #tpu.memory_space<vmem>>, vector<1x1x128xf32>
    %swap3A_1207 = vector.shape_cast %swap3A_1206 : vector<1x1x128xf32> to vector<128xf32>
    %swap3A_1208 = vector.shape_cast %get3A_1202 : vector<128xf32> to vector<1x1x128xf32>
    tpu.vector_store %arg3[%swap3A_1203, %swap3A_1204, %swap3A_1205], %swap3A_1208 {strides = array<i32>} : memref<1x8x1024xf32, #tpu.memory_space<vmem>>, vector<1x1x128xf32>,
    %add3A_1209 = vector.broadcast %mul3A_1197 : i32 to vector<128xi32>
    %add3A_1210 = arith.addi %add3A_1209, %iota3A_22 : vector<128xi32>
    %swap3A_1211 = arith.constant 0 : index
    %swap3A_1212 = arith.constant 7 : index
    %swap3A_1213 = arith.constant 640 : index
    %swap3A_1214 = vector.load %arg4[%swap3A_1211, %swap3A_1212, %swap3A_1213] : memref<1x8x1024xi32, #tpu.memory_space<vmem>>, vector<1x1x128xi32>
    %swap3A_1215 = vector.shape_cast %swap3A_1214 : vector<1x1x128xi32> to vector<128xi32>
    %swap3A_1216 = vector.shape_cast %add3A_1210 : vector<128xi32> to vector<1x1x128xi32>
    tpu.vector_store %arg4[%swap3A_1211, %swap3A_1212, %swap3A_1213], %swap3A_1216 {strides = array<i32>} : memref<1x8x1024xi32, #tpu.memory_space<vmem>>, vector<1x1x128xi32>,
    %reduce_max3A_1217 = arith.constant dense<0xFF800000> : vector<8xf32>
    %reduce_max3A_1218 = vector.multi_reduction <maximumf>, %select_n3A_1032, %reduce_max3A_1217 [1] : vector<8x784xf32> to vector<8xf32>
    %broadcast_in_dim3A_1219 = vector.shape_cast %reduce_max3A_1218 : vector<8xf32> to vector<8x1xf32>
    %eq3A_1220 = vector.broadcast %broadcast_in_dim3A_1219 : vector<8x1xf32> to vector<8x784xf32>
    %eq3A_1221 = arith.cmpf oeq, %select_n3A_1032, %eq3A_1220 : vector<8x784xf32>
    %jit3A_1222 = arith.constant 784 : i32
    %broadcast_in_dim3A_1223 = vector.broadcast %jit3A_1222 : i32 to vector<8x784xi32>
    %select_n3A_1224 = arith.select %eq3A_1221, %iota3A, %broadcast_in_dim3A_1223 : vector<8x784xi1>, vector<8x784xi32>
    %reduce_min3A_1225 = arith.constant dense<2147483647> : vector<8xi32>
    %reduce_min3A_1226 = vector.multi_reduction <minsi>, %select_n3A_1224, %reduce_min3A_1225 [1] : vector<8x784xi32> to vector<8xi32>
    %broadcast_in_dim3A_1227 = vector.shape_cast %reduce_min3A_1226 : vector<8xi32> to vector<8x1xi32>
    %eq3A_1228 = vector.broadcast %broadcast_in_dim3A_1227 : vector<8x1xi32> to vector<8x784xi32>
    %eq3A_1229 = arith.cmpi eq, %iota3A, %eq3A_1228 : vector<8x784xi32>
    %jit3A_1230 = arith.constant 0xFF800000 : f32
    %broadcast_in_dim3A_1231 = vector.broadcast %jit3A_1230 : f32 to vector<8x784xf32>
    %select_n3A_1232 = arith.select %eq3A_1229, %broadcast_in_dim3A_1231, %select_n3A_1032 : vector<8x784xi1>, vector<8x784xf32>
    %slice3A_1233 = vector.extract_strided_slice %broadcast_in_dim3A_1227 {offsets = [0, 0], sizes = [1, 1], strides = [1, 1]} : vector<8x1xi32> to vector<1x1xi32>
    %squeeze3A_1234 = vector.extract %slice3A_1233[0, 0] : i32 from vector<1x1xi32>
    %mul3A_1235 = arith.constant 128 : i32
    %mul3A_1236 = arith.muli %squeeze3A_1234, %mul3A_1235 : i32
    %get3A_1237 = arith.constant 0 : index
    %get3A_1238 = arith.constant 0 : index
    %get3A_1239 = arith.index_cast %mul3A_1236 : i32 to index
    %get3A_1240 = vector.load %arg1[%get3A_1237, %get3A_1238, %get3A_1239] : memref<1x8x100000xf32, #tpu.memory_space<vmem>>, vector<1x1x128xf32>
    %get3A_1241 = vector.shape_cast %get3A_1240 : vector<1x1x128xf32> to vector<128xf32>
    %swap3A_1242 = arith.constant 0 : index
    %swap3A_1243 = arith.constant 0 : index
    %swap3A_1244 = arith.constant 768 : index
    %swap3A_1245 = vector.load %arg3[%swap3A_1242, %swap3A_1243, %swap3A_1244] : memref<1x8x1024xf32, #tpu.memory_space<vmem>>, vector<1x1x128xf32>
    %swap3A_1246 = vector.shape_cast %swap3A_1245 : vector<1x1x128xf32> to vector<128xf32>
    %swap3A_1247 = vector.shape_cast %get3A_1241 : vector<128xf32> to vector<1x1x128xf32>
    tpu.vector_store %arg3[%swap3A_1242, %swap3A_1243, %swap3A_1244], %swap3A_1247 {strides = array<i32>} : memref<1x8x1024xf32, #tpu.memory_space<vmem>>, vector<1x1x128xf32>,
    %add3A_1248 = vector.broadcast %mul3A_1236 : i32 to vector<128xi32>
    %add3A_1249 = arith.addi %add3A_1248, %iota3A_22 : vector<128xi32>
    %swap3A_1250 = arith.constant 0 : index
    %swap3A_1251 = arith.constant 0 : index
    %swap3A_1252 = arith.constant 768 : index
    %swap3A_1253 = vector.load %arg4[%swap3A_1250, %swap3A_1251, %swap3A_1252] : memref<1x8x1024xi32, #tpu.memory_space<vmem>>, vector<1x1x128xi32>
    %swap3A_1254 = vector.shape_cast %swap3A_1253 : vector<1x1x128xi32> to vector<128xi32>
    %swap3A_1255 = vector.shape_cast %add3A_1249 : vector<128xi32> to vector<1x1x128xi32>
    tpu.vector_store %arg4[%swap3A_1250, %swap3A_1251, %swap3A_1252], %swap3A_1255 {strides = array<i32>} : memref<1x8x1024xi32, #tpu.memory_space<vmem>>, vector<1x1x128xi32>,
    %slice3A_1256 = vector.extract_strided_slice %broadcast_in_dim3A_1227 {offsets = [1, 0], sizes = [1, 1], strides = [1, 1]} : vector<8x1xi32> to vector<1x1xi32>
    %squeeze3A_1257 = vector.extract %slice3A_1256[0, 0] : i32 from vector<1x1xi32>
    %mul3A_1258 = arith.constant 128 : i32
    %mul3A_1259 = arith.muli %squeeze3A_1257, %mul3A_1258 : i32
    %get3A_1260 = arith.constant 0 : index
    %get3A_1261 = arith.constant 1 : index
    %get3A_1262 = arith.index_cast %mul3A_1259 : i32 to index
    %get3A_1263 = vector.load %arg1[%get3A_1260, %get3A_1261, %get3A_1262] : memref<1x8x100000xf32, #tpu.memory_space<vmem>>, vector<1x1x128xf32>
    %get3A_1264 = vector.shape_cast %get3A_1263 : vector<1x1x128xf32> to vector<128xf32>
    %swap3A_1265 = arith.constant 0 : index
    %swap3A_1266 = arith.constant 1 : index
    %swap3A_1267 = arith.constant 768 : index
    %swap3A_1268 = vector.load %arg3[%swap3A_1265, %swap3A_1266, %swap3A_1267] : memref<1x8x1024xf32, #tpu.memory_space<vmem>>, vector<1x1x128xf32>
    %swap3A_1269 = vector.shape_cast %swap3A_1268 : vector<1x1x128xf32> to vector<128xf32>
    %swap3A_1270 = vector.shape_cast %get3A_1264 : vector<128xf32> to vector<1x1x128xf32>
    tpu.vector_store %arg3[%swap3A_1265, %swap3A_1266, %swap3A_1267], %swap3A_1270 {strides = array<i32>} : memref<1x8x1024xf32, #tpu.memory_space<vmem>>, vector<1x1x128xf32>,
    %add3A_1271 = vector.broadcast %mul3A_1259 : i32 to vector<128xi32>
    %add3A_1272 = arith.addi %add3A_1271, %iota3A_22 : vector<128xi32>
    %swap3A_1273 = arith.constant 0 : index
    %swap3A_1274 = arith.constant 1 : index
    %swap3A_1275 = arith.constant 768 : index
    %swap3A_1276 = vector.load %arg4[%swap3A_1273, %swap3A_1274, %swap3A_1275] : memref<1x8x1024xi32, #tpu.memory_space<vmem>>, vector<1x1x128xi32>
    %swap3A_1277 = vector.shape_cast %swap3A_1276 : vector<1x1x128xi32> to vector<128xi32>
    %swap3A_1278 = vector.shape_cast %add3A_1272 : vector<128xi32> to vector<1x1x128xi32>
    tpu.vector_store %arg4[%swap3A_1273, %swap3A_1274, %swap3A_1275], %swap3A_1278 {strides = array<i32>} : memref<1x8x1024xi32, #tpu.memory_space<vmem>>, vector<1x1x128xi32>,
    %slice3A_1279 = vector.extract_strided_slice %broadcast_in_dim3A_1227 {offsets = [2, 0], sizes = [1, 1], strides = [1, 1]} : vector<8x1xi32> to vector<1x1xi32>
    %squeeze3A_1280 = vector.extract %slice3A_1279[0, 0] : i32 from vector<1x1xi32>
    %mul3A_1281 = arith.constant 128 : i32
    %mul3A_1282 = arith.muli %squeeze3A_1280, %mul3A_1281 : i32
    %get3A_1283 = arith.constant 0 : index
    %get3A_1284 = arith.constant 2 : index
    %get3A_1285 = arith.index_cast %mul3A_1282 : i32 to index
    %get3A_1286 = vector.load %arg1[%get3A_1283, %get3A_1284, %get3A_1285] : memref<1x8x100000xf32, #tpu.memory_space<vmem>>, vector<1x1x128xf32>
    %get3A_1287 = vector.shape_cast %get3A_1286 : vector<1x1x128xf32> to vector<128xf32>
    %swap3A_1288 = arith.constant 0 : index
    %swap3A_1289 = arith.constant 2 : index
    %swap3A_1290 = arith.constant 768 : index
    %swap3A_1291 = vector.load %arg3[%swap3A_1288, %swap3A_1289, %swap3A_1290] : memref<1x8x1024xf32, #tpu.memory_space<vmem>>, vector<1x1x128xf32>
    %swap3A_1292 = vector.shape_cast %swap3A_1291 : vector<1x1x128xf32> to vector<128xf32>
    %swap3A_1293 = vector.shape_cast %get3A_1287 : vector<128xf32> to vector<1x1x128xf32>
    tpu.vector_store %arg3[%swap3A_1288, %swap3A_1289, %swap3A_1290], %swap3A_1293 {strides = array<i32>} : memref<1x8x1024xf32, #tpu.memory_space<vmem>>, vector<1x1x128xf32>,
    %add3A_1294 = vector.broadcast %mul3A_1282 : i32 to vector<128xi32>
    %add3A_1295 = arith.addi %add3A_1294, %iota3A_22 : vector<128xi32>
    %swap3A_1296 = arith.constant 0 : index
    %swap3A_1297 = arith.constant 2 : index
    %swap3A_1298 = arith.constant 768 : index
    %swap3A_1299 = vector.load %arg4[%swap3A_1296, %swap3A_1297, %swap3A_1298] : memref<1x8x1024xi32, #tpu.memory_space<vmem>>, vector<1x1x128xi32>
    %swap3A_1300 = vector.shape_cast %swap3A_1299 : vector<1x1x128xi32> to vector<128xi32>
    %swap3A_1301 = vector.shape_cast %add3A_1295 : vector<128xi32> to vector<1x1x128xi32>
    tpu.vector_store %arg4[%swap3A_1296, %swap3A_1297, %swap3A_1298], %swap3A_1301 {strides = array<i32>} : memref<1x8x1024xi32, #tpu.memory_space<vmem>>, vector<1x1x128xi32>,
    %slice3A_1302 = vector.extract_strided_slice %broadcast_in_dim3A_1227 {offsets = [3, 0], sizes = [1, 1], strides = [1, 1]} : vector<8x1xi32> to vector<1x1xi32>
    %squeeze3A_1303 = vector.extract %slice3A_1302[0, 0] : i32 from vector<1x1xi32>
    %mul3A_1304 = arith.constant 128 : i32
    %mul3A_1305 = arith.muli %squeeze3A_1303, %mul3A_1304 : i32
    %get3A_1306 = arith.constant 0 : index
    %get3A_1307 = arith.constant 3 : index
    %get3A_1308 = arith.index_cast %mul3A_1305 : i32 to index
    %get3A_1309 = vector.load %arg1[%get3A_1306, %get3A_1307, %get3A_1308] : memref<1x8x100000xf32, #tpu.memory_space<vmem>>, vector<1x1x128xf32>
    %get3A_1310 = vector.shape_cast %get3A_1309 : vector<1x1x128xf32> to vector<128xf32>
    %swap3A_1311 = arith.constant 0 : index
    %swap3A_1312 = arith.constant 3 : index
    %swap3A_1313 = arith.constant 768 : index
    %swap3A_1314 = vector.load %arg3[%swap3A_1311, %swap3A_1312, %swap3A_1313] : memref<1x8x1024xf32, #tpu.memory_space<vmem>>, vector<1x1x128xf32>
    %swap3A_1315 = vector.shape_cast %swap3A_1314 : vector<1x1x128xf32> to vector<128xf32>
    %swap3A_1316 = vector.shape_cast %get3A_1310 : vector<128xf32> to vector<1x1x128xf32>
    tpu.vector_store %arg3[%swap3A_1311, %swap3A_1312, %swap3A_1313], %swap3A_1316 {strides = array<i32>} : memref<1x8x1024xf32, #tpu.memory_space<vmem>>, vector<1x1x128xf32>,
    %add3A_1317 = vector.broadcast %mul3A_1305 : i32 to vector<128xi32>
    %add3A_1318 = arith.addi %add3A_1317, %iota3A_22 : vector<128xi32>
    %swap3A_1319 = arith.constant 0 : index
    %swap3A_1320 = arith.constant 3 : index
    %swap3A_1321 = arith.constant 768 : index
    %swap3A_1322 = vector.load %arg4[%swap3A_1319, %swap3A_1320, %swap3A_1321] : memref<1x8x1024xi32, #tpu.memory_space<vmem>>, vector<1x1x128xi32>
    %swap3A_1323 = vector.shape_cast %swap3A_1322 : vector<1x1x128xi32> to vector<128xi32>
    %swap3A_1324 = vector.shape_cast %add3A_1318 : vector<128xi32> to vector<1x1x128xi32>
    tpu.vector_store %arg4[%swap3A_1319, %swap3A_1320, %swap3A_1321], %swap3A_1324 {strides = array<i32>} : memref<1x8x1024xi32, #tpu.memory_space<vmem>>, vector<1x1x128xi32>,
    %slice3A_1325 = vector.extract_strided_slice %broadcast_in_dim3A_1227 {offsets = [4, 0], sizes = [1, 1], strides = [1, 1]} : vector<8x1xi32> to vector<1x1xi32>
    %squeeze3A_1326 = vector.extract %slice3A_1325[0, 0] : i32 from vector<1x1xi32>
    %mul3A_1327 = arith.constant 128 : i32
    %mul3A_1328 = arith.muli %squeeze3A_1326, %mul3A_1327 : i32
    %get3A_1329 = arith.constant 0 : index
    %get3A_1330 = arith.constant 4 : index
    %get3A_1331 = arith.index_cast %mul3A_1328 : i32 to index
    %get3A_1332 = vector.load %arg1[%get3A_1329, %get3A_1330, %get3A_1331] : memref<1x8x100000xf32, #tpu.memory_space<vmem>>, vector<1x1x128xf32>
    %get3A_1333 = vector.shape_cast %get3A_1332 : vector<1x1x128xf32> to vector<128xf32>
    %swap3A_1334 = arith.constant 0 : index
    %swap3A_1335 = arith.constant 4 : index
    %swap3A_1336 = arith.constant 768 : index
    %swap3A_1337 = vector.load %arg3[%swap3A_1334, %swap3A_1335, %swap3A_1336] : memref<1x8x1024xf32, #tpu.memory_space<vmem>>, vector<1x1x128xf32>
    %swap3A_1338 = vector.shape_cast %swap3A_1337 : vector<1x1x128xf32> to vector<128xf32>
    %swap3A_1339 = vector.shape_cast %get3A_1333 : vector<128xf32> to vector<1x1x128xf32>
    tpu.vector_store %arg3[%swap3A_1334, %swap3A_1335, %swap3A_1336], %swap3A_1339 {strides = array<i32>} : memref<1x8x1024xf32, #tpu.memory_space<vmem>>, vector<1x1x128xf32>,
    %add3A_1340 = vector.broadcast %mul3A_1328 : i32 to vector<128xi32>
    %add3A_1341 = arith.addi %add3A_1340, %iota3A_22 : vector<128xi32>
    %swap3A_1342 = arith.constant 0 : index
    %swap3A_1343 = arith.constant 4 : index
    %swap3A_1344 = arith.constant 768 : index
    %swap3A_1345 = vector.load %arg4[%swap3A_1342, %swap3A_1343, %swap3A_1344] : memref<1x8x1024xi32, #tpu.memory_space<vmem>>, vector<1x1x128xi32>
    %swap3A_1346 = vector.shape_cast %swap3A_1345 : vector<1x1x128xi32> to vector<128xi32>
    %swap3A_1347 = vector.shape_cast %add3A_1341 : vector<128xi32> to vector<1x1x128xi32>
    tpu.vector_store %arg4[%swap3A_1342, %swap3A_1343, %swap3A_1344], %swap3A_1347 {strides = array<i32>} : memref<1x8x1024xi32, #tpu.memory_space<vmem>>, vector<1x1x128xi32>,
    %slice3A_1348 = vector.extract_strided_slice %broadcast_in_dim3A_1227 {offsets = [5, 0], sizes = [1, 1], strides = [1, 1]} : vector<8x1xi32> to vector<1x1xi32>
    %squeeze3A_1349 = vector.extract %slice3A_1348[0, 0] : i32 from vector<1x1xi32>
    %mul3A_1350 = arith.constant 128 : i32
    %mul3A_1351 = arith.muli %squeeze3A_1349, %mul3A_1350 : i32
    %get3A_1352 = arith.constant 0 : index
    %get3A_1353 = arith.constant 5 : index
    %get3A_1354 = arith.index_cast %mul3A_1351 : i32 to index
    %get3A_1355 = vector.load %arg1[%get3A_1352, %get3A_1353, %get3A_1354] : memref<1x8x100000xf32, #tpu.memory_space<vmem>>, vector<1x1x128xf32>
    %get3A_1356 = vector.shape_cast %get3A_1355 : vector<1x1x128xf32> to vector<128xf32>
    %swap3A_1357 = arith.constant 0 : index
    %swap3A_1358 = arith.constant 5 : index
    %swap3A_1359 = arith.constant 768 : index
    %swap3A_1360 = vector.load %arg3[%swap3A_1357, %swap3A_1358, %swap3A_1359] : memref<1x8x1024xf32, #tpu.memory_space<vmem>>, vector<1x1x128xf32>
    %swap3A_1361 = vector.shape_cast %swap3A_1360 : vector<1x1x128xf32> to vector<128xf32>
    %swap3A_1362 = vector.shape_cast %get3A_1356 : vector<128xf32> to vector<1x1x128xf32>
    tpu.vector_store %arg3[%swap3A_1357, %swap3A_1358, %swap3A_1359], %swap3A_1362 {strides = array<i32>} : memref<1x8x1024xf32, #tpu.memory_space<vmem>>, vector<1x1x128xf32>,
    %add3A_1363 = vector.broadcast %mul3A_1351 : i32 to vector<128xi32>
    %add3A_1364 = arith.addi %add3A_1363, %iota3A_22 : vector<128xi32>
    %swap3A_1365 = arith.constant 0 : index
    %swap3A_1366 = arith.constant 5 : index
    %swap3A_1367 = arith.constant 768 : index
    %swap3A_1368 = vector.load %arg4[%swap3A_1365, %swap3A_1366, %swap3A_1367] : memref<1x8x1024xi32, #tpu.memory_space<vmem>>, vector<1x1x128xi32>
    %swap3A_1369 = vector.shape_cast %swap3A_1368 : vector<1x1x128xi32> to vector<128xi32>
    %swap3A_1370 = vector.shape_cast %add3A_1364 : vector<128xi32> to vector<1x1x128xi32>
    tpu.vector_store %arg4[%swap3A_1365, %swap3A_1366, %swap3A_1367], %swap3A_1370 {strides = array<i32>} : memref<1x8x1024xi32, #tpu.memory_space<vmem>>, vector<1x1x128xi32>,
    %slice3A_1371 = vector.extract_strided_slice %broadcast_in_dim3A_1227 {offsets = [6, 0], sizes = [1, 1], strides = [1, 1]} : vector<8x1xi32> to vector<1x1xi32>
    %squeeze3A_1372 = vector.extract %slice3A_1371[0, 0] : i32 from vector<1x1xi32>
    %mul3A_1373 = arith.constant 128 : i32
    %mul3A_1374 = arith.muli %squeeze3A_1372, %mul3A_1373 : i32
    %get3A_1375 = arith.constant 0 : index
    %get3A_1376 = arith.constant 6 : index
    %get3A_1377 = arith.index_cast %mul3A_1374 : i32 to index
    %get3A_1378 = vector.load %arg1[%get3A_1375, %get3A_1376, %get3A_1377] : memref<1x8x100000xf32, #tpu.memory_space<vmem>>, vector<1x1x128xf32>
    %get3A_1379 = vector.shape_cast %get3A_1378 : vector<1x1x128xf32> to vector<128xf32>
    %swap3A_1380 = arith.constant 0 : index
    %swap3A_1381 = arith.constant 6 : index
    %swap3A_1382 = arith.constant 768 : index
    %swap3A_1383 = vector.load %arg3[%swap3A_1380, %swap3A_1381, %swap3A_1382] : memref<1x8x1024xf32, #tpu.memory_space<vmem>>, vector<1x1x128xf32>
    %swap3A_1384 = vector.shape_cast %swap3A_1383 : vector<1x1x128xf32> to vector<128xf32>
    %swap3A_1385 = vector.shape_cast %get3A_1379 : vector<128xf32> to vector<1x1x128xf32>
    tpu.vector_store %arg3[%swap3A_1380, %swap3A_1381, %swap3A_1382], %swap3A_1385 {strides = array<i32>} : memref<1x8x1024xf32, #tpu.memory_space<vmem>>, vector<1x1x128xf32>,
    %add3A_1386 = vector.broadcast %mul3A_1374 : i32 to vector<128xi32>
    %add3A_1387 = arith.addi %add3A_1386, %iota3A_22 : vector<128xi32>
    %swap3A_1388 = arith.constant 0 : index
    %swap3A_1389 = arith.constant 6 : index
    %swap3A_1390 = arith.constant 768 : index
    %swap3A_1391 = vector.load %arg4[%swap3A_1388, %swap3A_1389, %swap3A_1390] : memref<1x8x1024xi32, #tpu.memory_space<vmem>>, vector<1x1x128xi32>
    %swap3A_1392 = vector.shape_cast %swap3A_1391 : vector<1x1x128xi32> to vector<128xi32>
    %swap3A_1393 = vector.shape_cast %add3A_1387 : vector<128xi32> to vector<1x1x128xi32>
    tpu.vector_store %arg4[%swap3A_1388, %swap3A_1389, %swap3A_1390], %swap3A_1393 {strides = array<i32>} : memref<1x8x1024xi32, #tpu.memory_space<vmem>>, vector<1x1x128xi32>,
    %slice3A_1394 = vector.extract_strided_slice %broadcast_in_dim3A_1227 {offsets = [7, 0], sizes = [1, 1], strides = [1, 1]} : vector<8x1xi32> to vector<1x1xi32>
    %squeeze3A_1395 = vector.extract %slice3A_1394[0, 0] : i32 from vector<1x1xi32>
    %mul3A_1396 = arith.constant 128 : i32
    %mul3A_1397 = arith.muli %squeeze3A_1395, %mul3A_1396 : i32
    %get3A_1398 = arith.constant 0 : index
    %get3A_1399 = arith.constant 7 : index
    %get3A_1400 = arith.index_cast %mul3A_1397 : i32 to index
    %get3A_1401 = vector.load %arg1[%get3A_1398, %get3A_1399, %get3A_1400] : memref<1x8x100000xf32, #tpu.memory_space<vmem>>, vector<1x1x128xf32>
    %get3A_1402 = vector.shape_cast %get3A_1401 : vector<1x1x128xf32> to vector<128xf32>
    %swap3A_1403 = arith.constant 0 : index
    %swap3A_1404 = arith.constant 7 : index
    %swap3A_1405 = arith.constant 768 : index
    %swap3A_1406 = vector.load %arg3[%swap3A_1403, %swap3A_1404, %swap3A_1405] : memref<1x8x1024xf32, #tpu.memory_space<vmem>>, vector<1x1x128xf32>
    %swap3A_1407 = vector.shape_cast %swap3A_1406 : vector<1x1x128xf32> to vector<128xf32>
    %swap3A_1408 = vector.shape_cast %get3A_1402 : vector<128xf32> to vector<1x1x128xf32>
    tpu.vector_store %arg3[%swap3A_1403, %swap3A_1404, %swap3A_1405], %swap3A_1408 {strides = array<i32>} : memref<1x8x1024xf32, #tpu.memory_space<vmem>>, vector<1x1x128xf32>,
    %add3A_1409 = vector.broadcast %mul3A_1397 : i32 to vector<128xi32>
    %add3A_1410 = arith.addi %add3A_1409, %iota3A_22 : vector<128xi32>
    %swap3A_1411 = arith.constant 0 : index
    %swap3A_1412 = arith.constant 7 : index
    %swap3A_1413 = arith.constant 768 : index
    %swap3A_1414 = vector.load %arg4[%swap3A_1411, %swap3A_1412, %swap3A_1413] : memref<1x8x1024xi32, #tpu.memory_space<vmem>>, vector<1x1x128xi32>
    %swap3A_1415 = vector.shape_cast %swap3A_1414 : vector<1x1x128xi32> to vector<128xi32>
    %swap3A_1416 = vector.shape_cast %add3A_1410 : vector<128xi32> to vector<1x1x128xi32>
    tpu.vector_store %arg4[%swap3A_1411, %swap3A_1412, %swap3A_1413], %swap3A_1416 {strides = array<i32>} : memref<1x8x1024xi32, #tpu.memory_space<vmem>>, vector<1x1x128xi32>,
    %reduce_max3A_1417 = arith.constant dense<0xFF800000> : vector<8xf32>
    %reduce_max3A_1418 = vector.multi_reduction <maximumf>, %select_n3A_1232, %reduce_max3A_1417 [1] : vector<8x784xf32> to vector<8xf32>
    %broadcast_in_dim3A_1419 = vector.shape_cast %reduce_max3A_1418 : vector<8xf32> to vector<8x1xf32>
    %eq3A_1420 = vector.broadcast %broadcast_in_dim3A_1419 : vector<8x1xf32> to vector<8x784xf32>
    %eq3A_1421 = arith.cmpf oeq, %select_n3A_1232, %eq3A_1420 : vector<8x784xf32>
    %jit3A_1422 = arith.constant 784 : i32
    %broadcast_in_dim3A_1423 = vector.broadcast %jit3A_1422 : i32 to vector<8x784xi32>
    %select_n3A_1424 = arith.select %eq3A_1421, %iota3A, %broadcast_in_dim3A_1423 : vector<8x784xi1>, vector<8x784xi32>
    %reduce_min3A_1425 = arith.constant dense<2147483647> : vector<8xi32>
    %reduce_min3A_1426 = vector.multi_reduction <minsi>, %select_n3A_1424, %reduce_min3A_1425 [1] : vector<8x784xi32> to vector<8xi32>
    %broadcast_in_dim3A_1427 = vector.shape_cast %reduce_min3A_1426 : vector<8xi32> to vector<8x1xi32>
    %slice3A_1428 = vector.extract_strided_slice %broadcast_in_dim3A_1427 {offsets = [0, 0], sizes = [1, 1], strides = [1, 1]} : vector<8x1xi32> to vector<1x1xi32>
    %squeeze3A_1429 = vector.extract %slice3A_1428[0, 0] : i32 from vector<1x1xi32>
    %mul3A_1430 = arith.constant 128 : i32
    %mul3A_1431 = arith.muli %squeeze3A_1429, %mul3A_1430 : i32
    %get3A_1432 = arith.constant 0 : index
    %get3A_1433 = arith.constant 0 : index
    %get3A_1434 = arith.index_cast %mul3A_1431 : i32 to index
    %get3A_1435 = vector.load %arg1[%get3A_1432, %get3A_1433, %get3A_1434] : memref<1x8x100000xf32, #tpu.memory_space<vmem>>, vector<1x1x128xf32>
    %get3A_1436 = vector.shape_cast %get3A_1435 : vector<1x1x128xf32> to vector<128xf32>
    %swap3A_1437 = arith.constant 0 : index
    %swap3A_1438 = arith.constant 0 : index
    %swap3A_1439 = arith.constant 896 : index
    %swap3A_1440 = vector.load %arg3[%swap3A_1437, %swap3A_1438, %swap3A_1439] : memref<1x8x1024xf32, #tpu.memory_space<vmem>>, vector<1x1x128xf32>
    %swap3A_1441 = vector.shape_cast %swap3A_1440 : vector<1x1x128xf32> to vector<128xf32>
    %swap3A_1442 = vector.shape_cast %get3A_1436 : vector<128xf32> to vector<1x1x128xf32>
    tpu.vector_store %arg3[%swap3A_1437, %swap3A_1438, %swap3A_1439], %swap3A_1442 {strides = array<i32>} : memref<1x8x1024xf32, #tpu.memory_space<vmem>>, vector<1x1x128xf32>,
    %add3A_1443 = vector.broadcast %mul3A_1431 : i32 to vector<128xi32>
    %add3A_1444 = arith.addi %add3A_1443, %iota3A_22 : vector<128xi32>
    %swap3A_1445 = arith.constant 0 : index
    %swap3A_1446 = arith.constant 0 : index
    %swap3A_1447 = arith.constant 896 : index
    %swap3A_1448 = vector.load %arg4[%swap3A_1445, %swap3A_1446, %swap3A_1447] : memref<1x8x1024xi32, #tpu.memory_space<vmem>>, vector<1x1x128xi32>
    %swap3A_1449 = vector.shape_cast %swap3A_1448 : vector<1x1x128xi32> to vector<128xi32>
    %swap3A_1450 = vector.shape_cast %add3A_1444 : vector<128xi32> to vector<1x1x128xi32>
    tpu.vector_store %arg4[%swap3A_1445, %swap3A_1446, %swap3A_1447], %swap3A_1450 {strides = array<i32>} : memref<1x8x1024xi32, #tpu.memory_space<vmem>>, vector<1x1x128xi32>,
    %slice3A_1451 = vector.extract_strided_slice %broadcast_in_dim3A_1427 {offsets = [1, 0], sizes = [1, 1], strides = [1, 1]} : vector<8x1xi32> to vector<1x1xi32>
    %squeeze3A_1452 = vector.extract %slice3A_1451[0, 0] : i32 from vector<1x1xi32>
    %mul3A_1453 = arith.constant 128 : i32
    %mul3A_1454 = arith.muli %squeeze3A_1452, %mul3A_1453 : i32
    %get3A_1455 = arith.constant 0 : index
    %get3A_1456 = arith.constant 1 : index
    %get3A_1457 = arith.index_cast %mul3A_1454 : i32 to index
    %get3A_1458 = vector.load %arg1[%get3A_1455, %get3A_1456, %get3A_1457] : memref<1x8x100000xf32, #tpu.memory_space<vmem>>, vector<1x1x128xf32>
    %get3A_1459 = vector.shape_cast %get3A_1458 : vector<1x1x128xf32> to vector<128xf32>
    %swap3A_1460 = arith.constant 0 : index
    %swap3A_1461 = arith.constant 1 : index
    %swap3A_1462 = arith.constant 896 : index
    %swap3A_1463 = vector.load %arg3[%swap3A_1460, %swap3A_1461, %swap3A_1462] : memref<1x8x1024xf32, #tpu.memory_space<vmem>>, vector<1x1x128xf32>
    %swap3A_1464 = vector.shape_cast %swap3A_1463 : vector<1x1x128xf32> to vector<128xf32>
    %swap3A_1465 = vector.shape_cast %get3A_1459 : vector<128xf32> to vector<1x1x128xf32>
    tpu.vector_store %arg3[%swap3A_1460, %swap3A_1461, %swap3A_1462], %swap3A_1465 {strides = array<i32>} : memref<1x8x1024xf32, #tpu.memory_space<vmem>>, vector<1x1x128xf32>,
    %add3A_1466 = vector.broadcast %mul3A_1454 : i32 to vector<128xi32>
    %add3A_1467 = arith.addi %add3A_1466, %iota3A_22 : vector<128xi32>
    %swap3A_1468 = arith.constant 0 : index
    %swap3A_1469 = arith.constant 1 : index
    %swap3A_1470 = arith.constant 896 : index
    %swap3A_1471 = vector.load %arg4[%swap3A_1468, %swap3A_1469, %swap3A_1470] : memref<1x8x1024xi32, #tpu.memory_space<vmem>>, vector<1x1x128xi32>
    %swap3A_1472 = vector.shape_cast %swap3A_1471 : vector<1x1x128xi32> to vector<128xi32>
    %swap3A_1473 = vector.shape_cast %add3A_1467 : vector<128xi32> to vector<1x1x128xi32>
    tpu.vector_store %arg4[%swap3A_1468, %swap3A_1469, %swap3A_1470], %swap3A_1473 {strides = array<i32>} : memref<1x8x1024xi32, #tpu.memory_space<vmem>>, vector<1x1x128xi32>,
    %slice3A_1474 = vector.extract_strided_slice %broadcast_in_dim3A_1427 {offsets = [2, 0], sizes = [1, 1], strides = [1, 1]} : vector<8x1xi32> to vector<1x1xi32>
    %squeeze3A_1475 = vector.extract %slice3A_1474[0, 0] : i32 from vector<1x1xi32>
    %mul3A_1476 = arith.constant 128 : i32
    %mul3A_1477 = arith.muli %squeeze3A_1475, %mul3A_1476 : i32
    %get3A_1478 = arith.constant 0 : index
    %get3A_1479 = arith.constant 2 : index
    %get3A_1480 = arith.index_cast %mul3A_1477 : i32 to index
    %get3A_1481 = vector.load %arg1[%get3A_1478, %get3A_1479, %get3A_1480] : memref<1x8x100000xf32, #tpu.memory_space<vmem>>, vector<1x1x128xf32>
    %get3A_1482 = vector.shape_cast %get3A_1481 : vector<1x1x128xf32> to vector<128xf32>
    %swap3A_1483 = arith.constant 0 : index
    %swap3A_1484 = arith.constant 2 : index
    %swap3A_1485 = arith.constant 896 : index
    %swap3A_1486 = vector.load %arg3[%swap3A_1483, %swap3A_1484, %swap3A_1485] : memref<1x8x1024xf32, #tpu.memory_space<vmem>>, vector<1x1x128xf32>
    %swap3A_1487 = vector.shape_cast %swap3A_1486 : vector<1x1x128xf32> to vector<128xf32>
    %swap3A_1488 = vector.shape_cast %get3A_1482 : vector<128xf32> to vector<1x1x128xf32>
    tpu.vector_store %arg3[%swap3A_1483, %swap3A_1484, %swap3A_1485], %swap3A_1488 {strides = array<i32>} : memref<1x8x1024xf32, #tpu.memory_space<vmem>>, vector<1x1x128xf32>,
    %add3A_1489 = vector.broadcast %mul3A_1477 : i32 to vector<128xi32>
    %add3A_1490 = arith.addi %add3A_1489, %iota3A_22 : vector<128xi32>
    %swap3A_1491 = arith.constant 0 : index
    %swap3A_1492 = arith.constant 2 : index
    %swap3A_1493 = arith.constant 896 : index
    %swap3A_1494 = vector.load %arg4[%swap3A_1491, %swap3A_1492, %swap3A_1493] : memref<1x8x1024xi32, #tpu.memory_space<vmem>>, vector<1x1x128xi32>
    %swap3A_1495 = vector.shape_cast %swap3A_1494 : vector<1x1x128xi32> to vector<128xi32>
    %swap3A_1496 = vector.shape_cast %add3A_1490 : vector<128xi32> to vector<1x1x128xi32>
    tpu.vector_store %arg4[%swap3A_1491, %swap3A_1492, %swap3A_1493], %swap3A_1496 {strides = array<i32>} : memref<1x8x1024xi32, #tpu.memory_space<vmem>>, vector<1x1x128xi32>,
    %slice3A_1497 = vector.extract_strided_slice %broadcast_in_dim3A_1427 {offsets = [3, 0], sizes = [1, 1], strides = [1, 1]} : vector<8x1xi32> to vector<1x1xi32>
    %squeeze3A_1498 = vector.extract %slice3A_1497[0, 0] : i32 from vector<1x1xi32>
    %mul3A_1499 = arith.constant 128 : i32
    %mul3A_1500 = arith.muli %squeeze3A_1498, %mul3A_1499 : i32
    %get3A_1501 = arith.constant 0 : index
    %get3A_1502 = arith.constant 3 : index
    %get3A_1503 = arith.index_cast %mul3A_1500 : i32 to index
    %get3A_1504 = vector.load %arg1[%get3A_1501, %get3A_1502, %get3A_1503] : memref<1x8x100000xf32, #tpu.memory_space<vmem>>, vector<1x1x128xf32>
    %get3A_1505 = vector.shape_cast %get3A_1504 : vector<1x1x128xf32> to vector<128xf32>
    %swap3A_1506 = arith.constant 0 : index
    %swap3A_1507 = arith.constant 3 : index
    %swap3A_1508 = arith.constant 896 : index
    %swap3A_1509 = vector.load %arg3[%swap3A_1506, %swap3A_1507, %swap3A_1508] : memref<1x8x1024xf32, #tpu.memory_space<vmem>>, vector<1x1x128xf32>
    %swap3A_1510 = vector.shape_cast %swap3A_1509 : vector<1x1x128xf32> to vector<128xf32>
    %swap3A_1511 = vector.shape_cast %get3A_1505 : vector<128xf32> to vector<1x1x128xf32>
    tpu.vector_store %arg3[%swap3A_1506, %swap3A_1507, %swap3A_1508], %swap3A_1511 {strides = array<i32>} : memref<1x8x1024xf32, #tpu.memory_space<vmem>>, vector<1x1x128xf32>,
    %add3A_1512 = vector.broadcast %mul3A_1500 : i32 to vector<128xi32>
    %add3A_1513 = arith.addi %add3A_1512, %iota3A_22 : vector<128xi32>
    %swap3A_1514 = arith.constant 0 : index
    %swap3A_1515 = arith.constant 3 : index
    %swap3A_1516 = arith.constant 896 : index
    %swap3A_1517 = vector.load %arg4[%swap3A_1514, %swap3A_1515, %swap3A_1516] : memref<1x8x1024xi32, #tpu.memory_space<vmem>>, vector<1x1x128xi32>
    %swap3A_1518 = vector.shape_cast %swap3A_1517 : vector<1x1x128xi32> to vector<128xi32>
    %swap3A_1519 = vector.shape_cast %add3A_1513 : vector<128xi32> to vector<1x1x128xi32>
    tpu.vector_store %arg4[%swap3A_1514, %swap3A_1515, %swap3A_1516], %swap3A_1519 {strides = array<i32>} : memref<1x8x1024xi32, #tpu.memory_space<vmem>>, vector<1x1x128xi32>,
    %slice3A_1520 = vector.extract_strided_slice %broadcast_in_dim3A_1427 {offsets = [4, 0], sizes = [1, 1], strides = [1, 1]} : vector<8x1xi32> to vector<1x1xi32>
    %squeeze3A_1521 = vector.extract %slice3A_1520[0, 0] : i32 from vector<1x1xi32>
    %mul3A_1522 = arith.constant 128 : i32
    %mul3A_1523 = arith.muli %squeeze3A_1521, %mul3A_1522 : i32
    %get3A_1524 = arith.constant 0 : index
    %get3A_1525 = arith.constant 4 : index
    %get3A_1526 = arith.index_cast %mul3A_1523 : i32 to index
    %get3A_1527 = vector.load %arg1[%get3A_1524, %get3A_1525, %get3A_1526] : memref<1x8x100000xf32, #tpu.memory_space<vmem>>, vector<1x1x128xf32>
    %get3A_1528 = vector.shape_cast %get3A_1527 : vector<1x1x128xf32> to vector<128xf32>
    %swap3A_1529 = arith.constant 0 : index
    %swap3A_1530 = arith.constant 4 : index
    %swap3A_1531 = arith.constant 896 : index
    %swap3A_1532 = vector.load %arg3[%swap3A_1529, %swap3A_1530, %swap3A_1531] : memref<1x8x1024xf32, #tpu.memory_space<vmem>>, vector<1x1x128xf32>
    %swap3A_1533 = vector.shape_cast %swap3A_1532 : vector<1x1x128xf32> to vector<128xf32>
    %swap3A_1534 = vector.shape_cast %get3A_1528 : vector<128xf32> to vector<1x1x128xf32>
    tpu.vector_store %arg3[%swap3A_1529, %swap3A_1530, %swap3A_1531], %swap3A_1534 {strides = array<i32>} : memref<1x8x1024xf32, #tpu.memory_space<vmem>>, vector<1x1x128xf32>,
    %add3A_1535 = vector.broadcast %mul3A_1523 : i32 to vector<128xi32>
    %add3A_1536 = arith.addi %add3A_1535, %iota3A_22 : vector<128xi32>
    %swap3A_1537 = arith.constant 0 : index
    %swap3A_1538 = arith.constant 4 : index
    %swap3A_1539 = arith.constant 896 : index
    %swap3A_1540 = vector.load %arg4[%swap3A_1537, %swap3A_1538, %swap3A_1539] : memref<1x8x1024xi32, #tpu.memory_space<vmem>>, vector<1x1x128xi32>
    %swap3A_1541 = vector.shape_cast %swap3A_1540 : vector<1x1x128xi32> to vector<128xi32>
    %swap3A_1542 = vector.shape_cast %add3A_1536 : vector<128xi32> to vector<1x1x128xi32>
    tpu.vector_store %arg4[%swap3A_1537, %swap3A_1538, %swap3A_1539], %swap3A_1542 {strides = array<i32>} : memref<1x8x1024xi32, #tpu.memory_space<vmem>>, vector<1x1x128xi32>,
    %slice3A_1543 = vector.extract_strided_slice %broadcast_in_dim3A_1427 {offsets = [5, 0], sizes = [1, 1], strides = [1, 1]} : vector<8x1xi32> to vector<1x1xi32>
    %squeeze3A_1544 = vector.extract %slice3A_1543[0, 0] : i32 from vector<1x1xi32>
    %mul3A_1545 = arith.constant 128 : i32
    %mul3A_1546 = arith.muli %squeeze3A_1544, %mul3A_1545 : i32
    %get3A_1547 = arith.constant 0 : index
    %get3A_1548 = arith.constant 5 : index
    %get3A_1549 = arith.index_cast %mul3A_1546 : i32 to index
    %get3A_1550 = vector.load %arg1[%get3A_1547, %get3A_1548, %get3A_1549] : memref<1x8x100000xf32, #tpu.memory_space<vmem>>, vector<1x1x128xf32>
    %get3A_1551 = vector.shape_cast %get3A_1550 : vector<1x1x128xf32> to vector<128xf32>
    %swap3A_1552 = arith.constant 0 : index
    %swap3A_1553 = arith.constant 5 : index
    %swap3A_1554 = arith.constant 896 : index
    %swap3A_1555 = vector.load %arg3[%swap3A_1552, %swap3A_1553, %swap3A_1554] : memref<1x8x1024xf32, #tpu.memory_space<vmem>>, vector<1x1x128xf32>
    %swap3A_1556 = vector.shape_cast %swap3A_1555 : vector<1x1x128xf32> to vector<128xf32>
    %swap3A_1557 = vector.shape_cast %get3A_1551 : vector<128xf32> to vector<1x1x128xf32>
    tpu.vector_store %arg3[%swap3A_1552, %swap3A_1553, %swap3A_1554], %swap3A_1557 {strides = array<i32>} : memref<1x8x1024xf32, #tpu.memory_space<vmem>>, vector<1x1x128xf32>,
    %add3A_1558 = vector.broadcast %mul3A_1546 : i32 to vector<128xi32>
    %add3A_1559 = arith.addi %add3A_1558, %iota3A_22 : vector<128xi32>
    %swap3A_1560 = arith.constant 0 : index
    %swap3A_1561 = arith.constant 5 : index
    %swap3A_1562 = arith.constant 896 : index
    %swap3A_1563 = vector.load %arg4[%swap3A_1560, %swap3A_1561, %swap3A_1562] : memref<1x8x1024xi32, #tpu.memory_space<vmem>>, vector<1x1x128xi32>
    %swap3A_1564 = vector.shape_cast %swap3A_1563 : vector<1x1x128xi32> to vector<128xi32>
    %swap3A_1565 = vector.shape_cast %add3A_1559 : vector<128xi32> to vector<1x1x128xi32>
    tpu.vector_store %arg4[%swap3A_1560, %swap3A_1561, %swap3A_1562], %swap3A_1565 {strides = array<i32>} : memref<1x8x1024xi32, #tpu.memory_space<vmem>>, vector<1x1x128xi32>,
    %slice3A_1566 = vector.extract_strided_slice %broadcast_in_dim3A_1427 {offsets = [6, 0], sizes = [1, 1], strides = [1, 1]} : vector<8x1xi32> to vector<1x1xi32>
    %squeeze3A_1567 = vector.extract %slice3A_1566[0, 0] : i32 from vector<1x1xi32>
    %mul3A_1568 = arith.constant 128 : i32
    %mul3A_1569 = arith.muli %squeeze3A_1567, %mul3A_1568 : i32
    %get3A_1570 = arith.constant 0 : index
    %get3A_1571 = arith.constant 6 : index
    %get3A_1572 = arith.index_cast %mul3A_1569 : i32 to index
    %get3A_1573 = vector.load %arg1[%get3A_1570, %get3A_1571, %get3A_1572] : memref<1x8x100000xf32, #tpu.memory_space<vmem>>, vector<1x1x128xf32>
    %get3A_1574 = vector.shape_cast %get3A_1573 : vector<1x1x128xf32> to vector<128xf32>
    %swap3A_1575 = arith.constant 0 : index
    %swap3A_1576 = arith.constant 6 : index
    %swap3A_1577 = arith.constant 896 : index
    %swap3A_1578 = vector.load %arg3[%swap3A_1575, %swap3A_1576, %swap3A_1577] : memref<1x8x1024xf32, #tpu.memory_space<vmem>>, vector<1x1x128xf32>
    %swap3A_1579 = vector.shape_cast %swap3A_1578 : vector<1x1x128xf32> to vector<128xf32>
    %swap3A_1580 = vector.shape_cast %get3A_1574 : vector<128xf32> to vector<1x1x128xf32>
    tpu.vector_store %arg3[%swap3A_1575, %swap3A_1576, %swap3A_1577], %swap3A_1580 {strides = array<i32>} : memref<1x8x1024xf32, #tpu.memory_space<vmem>>, vector<1x1x128xf32>,
    %add3A_1581 = vector.broadcast %mul3A_1569 : i32 to vector<128xi32>
    %add3A_1582 = arith.addi %add3A_1581, %iota3A_22 : vector<128xi32>
    %swap3A_1583 = arith.constant 0 : index
    %swap3A_1584 = arith.constant 6 : index
    %swap3A_1585 = arith.constant 896 : index
    %swap3A_1586 = vector.load %arg4[%swap3A_1583, %swap3A_1584, %swap3A_1585] : memref<1x8x1024xi32, #tpu.memory_space<vmem>>, vector<1x1x128xi32>
    %swap3A_1587 = vector.shape_cast %swap3A_1586 : vector<1x1x128xi32> to vector<128xi32>
    %swap3A_1588 = vector.shape_cast %add3A_1582 : vector<128xi32> to vector<1x1x128xi32>
    tpu.vector_store %arg4[%swap3A_1583, %swap3A_1584, %swap3A_1585], %swap3A_1588 {strides = array<i32>} : memref<1x8x1024xi32, #tpu.memory_space<vmem>>, vector<1x1x128xi32>,
    %slice3A_1589 = vector.extract_strided_slice %broadcast_in_dim3A_1427 {offsets = [7, 0], sizes = [1, 1], strides = [1, 1]} : vector<8x1xi32> to vector<1x1xi32>
    %squeeze3A_1590 = vector.extract %slice3A_1589[0, 0] : i32 from vector<1x1xi32>
    %mul3A_1591 = arith.constant 128 : i32
    %mul3A_1592 = arith.muli %squeeze3A_1590, %mul3A_1591 : i32
    %get3A_1593 = arith.constant 0 : index
    %get3A_1594 = arith.constant 7 : index
    %get3A_1595 = arith.index_cast %mul3A_1592 : i32 to index
    %get3A_1596 = vector.load %arg1[%get3A_1593, %get3A_1594, %get3A_1595] : memref<1x8x100000xf32, #tpu.memory_space<vmem>>, vector<1x1x128xf32>
    %get3A_1597 = vector.shape_cast %get3A_1596 : vector<1x1x128xf32> to vector<128xf32>
    %swap3A_1598 = arith.constant 0 : index
    %swap3A_1599 = arith.constant 7 : index
    %swap3A_1600 = arith.constant 896 : index
    %swap3A_1601 = vector.load %arg3[%swap3A_1598, %swap3A_1599, %swap3A_1600] : memref<1x8x1024xf32, #tpu.memory_space<vmem>>, vector<1x1x128xf32>
    %swap3A_1602 = vector.shape_cast %swap3A_1601 : vector<1x1x128xf32> to vector<128xf32>
    %swap3A_1603 = vector.shape_cast %get3A_1597 : vector<128xf32> to vector<1x1x128xf32>
    tpu.vector_store %arg3[%swap3A_1598, %swap3A_1599, %swap3A_1600], %swap3A_1603 {strides = array<i32>} : memref<1x8x1024xf32, #tpu.memory_space<vmem>>, vector<1x1x128xf32>,
    %add3A_1604 = vector.broadcast %mul3A_1592 : i32 to vector<128xi32>
    %add3A_1605 = arith.addi %add3A_1604, %iota3A_22 : vector<128xi32>
    %swap3A_1606 = arith.constant 0 : index
    %swap3A_1607 = arith.constant 7 : index
    %swap3A_1608 = arith.constant 896 : index
    %swap3A_1609 = vector.load %arg4[%swap3A_1606, %swap3A_1607, %swap3A_1608] : memref<1x8x1024xi32, #tpu.memory_space<vmem>>, vector<1x1x128xi32>
    %swap3A_1610 = vector.shape_cast %swap3A_1609 : vector<1x1x128xi32> to vector<128xi32>
    %swap3A_1611 = vector.shape_cast %add3A_1605 : vector<128xi32> to vector<1x1x128xi32>
    tpu.vector_store %arg4[%swap3A_1606, %swap3A_1607, %swap3A_1608], %swap3A_1611 {strides = array<i32>} : memref<1x8x1024xi32, #tpu.memory_space<vmem>>, vector<1x1x128xi32>,
    return
  }
  func.func @transform_0(%arg0: i32) -> (i32, i32, i32) {
    %c0_i32 = arith.constant 0 : i32
    %c0_i32_0 = arith.constant 0 : i32
    %c0_i32_1 = arith.constant 0 : i32
    return %arg0, %c0_i32, %c0_i32_0 : i32, i32, i32
  }
  func.func @transform_1(%arg0: i32) -> (i32, i32, i32) {
    %c0_i32 = arith.constant 0 : i32
    %c0_i32_0 = arith.constant 0 : i32
    %c0_i32_1 = arith.constant 0 : i32
    return %arg0, %c0_i32, %c0_i32_0 : i32, i32, i32
  }
  func.func @transform_2(%arg0: i32) -> (i32, i32, i32) {
    %c0_i32 = arith.constant 0 : i32
    %c0_i32_0 = arith.constant 0 : i32
    %c0_i32_1 = arith.constant 0 : i32
    return %arg0, %c0_i32, %c0_i32_0 : i32, i32, i32
  }
  func.func @transform_3(%arg0: i32) -> (i32, i32, i32) {
    %c0_i32 = arith.constant 0 : i32
    %c0_i32_0 = arith.constant 0 : i32
    %c0_i32_1 = arith.constant 0 : i32
    return %arg0, %c0_i32, %c0_i32_0 : i32, i32, i32
  }
}

</mosaic_0001>

<sc_bundles>
// kernel: kernel.4.cloned.1.call-start
scs
__scs_entry_jumppad:
0x0: {  	(pc) =	sbr.rel $0x88, $3  }
0x1: {  	(tag) =	ssettag $0x0;
	lr =	simm.s32 $0x1  }
0x2: {  	[smem:$0x3F9F] =	sst lr;
	_ =	strace $0xD0000000  }
0x3: {  	_ = 	snop  }
0x4: {  	_ = 	snop  }
0x5: {  	_ = 	snop  }
0x6: {  	_ = 	snop  }
0x7: {  	_ = 	snop  }
__scs_overlays_trampoline_lowered:
0x8: {  	[smem:$0x3FAE] =	sst s0  }
0x9: {  	[smem:$0x3FAF] =	sst s1  }
0xa: {  	[smem:$0x3FB0] =	sst s2  }
0xb: {  	[smem:$0x3FB1] =	sst s3  }
0xc: {  	[smem:$0x3FB2] =	sst s4  }
0xd: {  	[smem:$0x3FB3] =	sst s5  }
0xe: {  	[smem:$0x3FB4] =	sst s6  }
0xf: {  	[smem:$0x3FB5] =	sst s7  }
0x10: {  	[smem:$0x3FB6] =	sst s8  }
0x11: {  	[smem:$0x3FB7] =	sst s9;
	s0 =	simm.s32 @!p0 $0x0  }
0x12: {  	s1 =	sld [smem:$0x3F9D];
	s0 =	simm.s32 @p0 $0x1  }
0x13: {  	[smem:$0x3FB8] =	sst s0;
	s0 =	simm.s32 @!p1 $0x0  }
0x14: {  	s2 =	sld [smem:$0x3F9C];
	s0 =	simm.s32 @p1 $0x1  }
0x15: {  	[smem:$0x3FB9] =	sst s0;
	s0 =	simm.s32 @!p2 $0x0  }
0x16: {  	s3 =	sld [smem:$0x3FDB];
	s0 =	simm.s32 @p2 $0x1  }
0x17: {  	s4 =	simm.s32 $0x1BF5;
	[smem:$0x3FBB] =	sst s0  }
0x18: {  	s0 =	sld [smem:$0x3F9E];
	_ =	swait.ge [sflag:s4], $0x0  }
0x19: {  	s7 =	sld [smem:$0x3F9F]  }
0x1a: {  	s8 =	sadd.s32 $0xFFFFE003, lr  }
0x1b: {  	s9 =	sadd.s32 $0xFFFFFEF7, lr;
	s5 =	simm.s32 $0xFFFFFFFF;
	p2 =	slt.u32 s8, $0xFFFFF086  }
0x1c: {  	p1 =	slt.u32 s9, $0xF7A;
	s5 =	simm.s32 @!p2 $0x0  }
0x1d: {  	s5 =	simm.s32 @p1 $0x1;
	p0 =	seq.s32 s7, s2  }
0x1e: {  	s7 =	smul.u32 @!p0 $0xF7A, s2;
	p2 =	seq.s32 @!p0 s5, $0x0  }
0x1f: {  	s9 =	smul.u32 $0xF7A, s1;
	s8 =	simm.s32 @!p0 $0x1BF5;
	p2 =	por !p2, p0  }
0x20: {  	[sflag:s8] =	ssyncset.s32 @!p0 $0xFFFFF086;
	s6 =	sadd.s32 @!p0 s3, s7;
	s7 =	simm.s32 @!p0 $0x108  }
0x21: {  	s3 =	sadd.s32 s3, s9;
	s6 =	sadd.s32 @!p0 $0x88, s6;
	s7 =	simm.s32 @p2 $0x1082  }
0x22: {  	[simem:s7], [sflag:s8] =	dma.local @!p0 [hbm:s6], $0xF7A  }
0x23: {  	s9 =	sor.u32 $0xD0000000, s2;
	s6 =	simm.s32 $0x108;
	_ =	swait.ge @!p0 [sflag:s8], $0x0  }
0x24: {  	s3 =	sadd.s32 $0x88, s3;
	s6 =	simm.s32 @!p1 $0x1082;
	[sflag:s4] =	ssyncset.s32 $0xFFFFF086  }
0x25: {  	[simem:s6], [sflag:s4] =	dma.local [hbm:s3], $0xF7A  }
0x26: {  	[smem:$0x3F9F] =	sst s1;
	(tag) =	ssettag s2;
	_ =	strace s9  }
0x27: {  	s1 =	sld [smem:$0x3FAF]  }
0x28: {  	s2 =	sld [smem:$0x3FB0]  }
0x29: {  	s4 =	sld [smem:$0x3FB2]  }
0x2a: {  	p0 =	seq.s32 s5, $0x0;
	s5 =	sld [smem:$0x3FB3]  }
0x2b: {  	s6 =	sld [smem:$0x3FB4]  }
0x2c: {  	s7 =	sld [smem:$0x3FB5]  }
0x2d: {  	s3 =	simm.s32 $0x108;
	s8 =	sld [smem:$0x3FB6]  }
0x2e: {  	s3 =	simm.s32 @!p0 $0x1082;
	s9 =	sld [smem:$0x3FB7]  }
0x2f: {  	lr =	sadd.s32 s0, s3;
	s0 =	sld [smem:$0x3FAE]  }
0x30: {  	s3 =	sld [smem:$0x3FB1]  }
0x31: {  	[smem:$0x3FBA] =	sst s10  }
0x32: {  	s10 =	sld [smem:$0x3FB8];
	_ =	sdelay $0x3  }
0x33: {  	p0 =	seq.s32 s10, $0x1;
	s10 =	sld [smem:$0x3FBA];
	_ =	sdelay $0x3  }
0x34: {  	[smem:$0x3FBA] =	sst s10  }
0x35: {  	s10 =	sld [smem:$0x3FB9];
	_ =	sdelay $0x3  }
0x36: {  	p1 =	seq.s32 s10, $0x1;
	s10 =	sld [smem:$0x3FBA];
	_ =	sdelay $0x3  }
0x37: {  	[smem:$0x3FBA] =	sst s10  }
0x38: {  	s10 =	sld [smem:$0x3FBB]  }
0x39: {  	_ = 	snop;
	(pc) =	sbr.ind lr, $3  }
0x3a: {  	_ = 	snop  }
0x3b: {  	_ = 	snop  }
0x3c: {  	p2 =	seq.s32 s10, $0x1;
	s10 =	sld [smem:$0x3FBA]  }
0x3d: {  	_ =	shalt  }
0x3e: {  	_ =	shalt  }
0x3f: {  	_ =	shalt  }
0x40: {  	_ =	shalt  }
0x41: {  	_ =	shalt  }
0x42: {  	_ =	shalt  }
0x43: {  	_ =	shalt  }
0x44: {  	_ =	shalt  }
0x45: {  	_ =	shalt  }
0x46: {  	_ =	shalt  }
0x47: {  	_ =	shalt  }
0x48: {  	_ =	shalt  }
0x49: {  	_ =	shalt  }
0x4a: {  	_ =	shalt  }
0x4b: {  	_ =	shalt  }
0x4c: {  	_ =	shalt  }
0x4d: {  	_ =	shalt  }
0x4e: {  	_ =	shalt  }
0x4f: {  	_ =	shalt  }
0x50: {  	_ =	shalt  }
0x51: {  	_ =	shalt  }
0x52: {  	_ =	shalt  }
0x53: {  	_ =	shalt  }
0x54: {  	_ =	shalt  }
0x55: {  	_ =	shalt  }
0x56: {  	_ =	shalt  }
0x57: {  	_ =	shalt  }
0x58: {  	_ =	shalt  }
0x59: {  	_ =	shalt  }
0x5a: {  	_ =	shalt  }
0x5b: {  	_ =	shalt  }
0x5c: {  	_ =	shalt  }
0x5d: {  	_ =	shalt  }
0x5e: {  	_ =	shalt  }
0x5f: {  	_ =	shalt  }
0x60: {  	_ =	shalt  }
0x61: {  	_ =	shalt  }
0x62: {  	_ =	shalt  }
0x63: {  	_ =	shalt  }
0x64: {  	_ =	shalt  }
0x65: {  	_ =	shalt  }
0x66: {  	_ =	shalt  }
0x67: {  	_ =	shalt  }
0x68: {  	_ =	shalt  }
0x69: {  	_ =	shalt  }
0x6a: {  	_ =	shalt  }
0x6b: {  	_ =	shalt  }
0x6c: {  	_ =	shalt  }
0x6d: {  	_ =	shalt  }
0x6e: {  	_ =	shalt  }
0x6f: {  	_ =	shalt  }
0x70: {  	_ =	shalt  }
0x71: {  	_ =	shalt  }
0x72: {  	_ =	shalt  }
0x73: {  	_ =	shalt  }
0x74: {  	_ =	shalt  }
0x75: {  	_ =	shalt  }
0x76: {  	_ =	shalt  }
0x77: {  	_ =	shalt  }
0x78: {  	_ =	shalt  }
0x79: {  	_ =	shalt  }
0x7a: {  	_ =	shalt  }
0x7b: {  	_ =	shalt  }
0x7c: {  	_ =	shalt  }
0x7d: {  	_ =	shalt  }
0x7e: {  	_ =	shalt  }
0x7f: {  	_ =	shalt  }
0x80: {  	_ =	shalt  }
0x81: {  	_ =	shalt  }
0x82: {  	_ =	shalt  }
0x83: {  	_ =	shalt  }
0x84: {  	_ =	shalt  }
0x85: {  	_ =	shalt  }
0x86: {  	_ =	shalt  }
0x87: {  	_ =	shalt  }
.Lfunc_end0:
.L_simem_size_0:
called_computation_lowered:
.L_overlay_start_0:
0x88: {  	s2 =	sld [smem:$0x3FD9]  }
0x89: {  	s3 =	sld [smem:$0x3FFE];
	_ =	sdelay $0x1  }
0x8a: {  	s1 =	srdreg.scid  }
0x8b: {  	s0 =	sand.u32 $0x1, s1  }
0x8c: {  	s14 =	sshll.u32 s0, $0xA;
	s2 =	sadd.s32 s3, s2  }
0x8d: {  	s2 =	sadd.s32 s2, s14  }
0x8e: {  	[smem:$0x3FC6] =	sst s2  }
0x8f: {  	_ = 	snop  }
0x90: {  	s2 =	sld [smem:$0x3FD0];
	_ =	sdelay $0x2  }
0x91: {  	s15 =	simm.s32 $0xA;
	s4 =	simm.s32 $0x10  }
0x92: {  	[smem:s4], [sflag:s15] =	dma.local [hbm:s2], $0x1  }
0x93: {  	_ =	swait.eq [sflag:s15], $0x1  }
0x94: {  	s16 =	sld [smem:$0x10];
	[sflag:s15] =	ssyncset.done $0x0  }
0x95: {  	s17 =	sld [smem:$0x11];
	[sflag:s15] =	ssyncadd.s32 $0xFFFFFFFF  }
0x96: {  	s18 =	sld [smem:$0x12];
	(tm) =	ssettm $0x1  }
0x97: {  	s5 =	sld [smem:$0x3FFB];
	_ =	sdelay $0x3  }
0x98: {  	_ =	strace s5  }
0x99: {  	s5 =	sld [smem:$0x3FFC];
	_ =	sdelay $0x3  }
0x9a: {  	_ =	strace s5  }
0x9b: {  	s5 =	sld [smem:$0x3FFD];
	_ =	sdelay $0x3  }
0x9c: {  	_ =	strace s5  }
0x9d: {  	_ =	strace $0x8FFFFFFF  }
0x9e: {  	s19 =	sld [smem:$0x3FDB];
	_ =	sdelay $0x1  }
0x9f: {  	s6 =	simm.s32 $_scs_section_size  }
0xa0: {  	s7 =	simm.s32 $_size__tile_overlayer_lowered;
	s8 =	simm.s32 $_tile_overlayer_lowered  }
0xa1: {  	s22 =	simm.s32 $0x1BFF;
	s21 =	sshll.u32 s8, $0x1;
	s5 =	sadd.s32 s6, s19  }
0xa2: {  	s9 =	simm.s32 $0x0;
	s20 =	sshll.u32 s7, $0x1;
	s7 =	sadd.s32 s21, s5  }
0xa3: {  	[timem:s9], [sflag:s22] =	dma.local [hbm:s7], s20  }
0xa4: {  	_ =	swait.ge [sflag:s22], s20  }
0xa5: {  	s6 =	ssub.s32 $0x0, s20;
	[sflag:s22] =	ssyncset.done $0x0  }
0xa6: {  	[sflag:s22] =	ssyncadd.s32 s6;
	_ =	sdelay $0x1  }
0xa7: {  	s23 =	simm.s32 $0x1B8B  }
0xa8: {  	_ =	swait.ge [sflag:s23], $0x1  }
0xa9: {  	[sflag:s23] =	ssyncset.done $0x0  }
0xaa: {  	s25 =	simm.s32 $0x1B8E;
	s24 =	sld [smem:$0x3FFE];
	[sflag:s23] =	ssyncadd.s32 $0xFFFFFFFF  }
0xab: {  	s26 =	simm.s32 $execute0_lowered;
	[smem:$0x3FD2] =	sst s25  }
0xac: {  	s7 =	sshll.u32 s26, $0x1;
	_ =	strace $0x80000046;
	[dreg:$0x1] =	wrdreg $0xFFFFFFFF  }
0xad: {  	s28 =	simm.s32 $_size_execute0_lowered;
	s5 =	sadd.s32 s5, s7;
	[dreg:$0x0] =	wrdreg $0x0  }
0xae: {  	s7 =	sshll.u32 s28, $0x1;
	[dreg:$0x2] =	wrdreg s5  }
0xaf: {  	[dreg:$0x3] =	wrdreg s7  }
0xb0: {  	[dreg:$0x4] =	wrdreg $0xC0  }
0xb1: {  	_ =	task [dreg:s9], $0x5FFFF  }
0xb2: {  	[dreg:$0x1] =	wrdreg $0xFFFFFFFF  }
0xb3: {  	[dreg:$0x0] =	wrdreg $0x60  }
0xb4: {  	[dreg:$0x2] =	wrdreg s24  }
0xb5: {  	[dreg:$0x3] =	wrdreg s18  }
0xb6: {  	[dreg:$0x4] =	wrdreg s17  }
0xb7: {  	[dreg:$0x5] =	wrdreg s16  }
0xb8: {  	[dreg:$0x6] =	wrdreg $0x9  }
0xb9: {  	_ =	task.clear_ibuf [dreg:s9], $0x7FFFF;
	_ =	strace $0x90000046  }
0xba: {  	s29 =	simm.s32 $0x9;
	_ =	strace $0x80000048  }
0xbb: {  	_ =	swait.ge [sflag:s29], $0x1  }
0xbc: {  	[sflag:s29] =	ssyncadd.s32 $0xFFFFFFFF  }
0xbd: {  	_ =	strace $0x90000048  }
0xbe: {  	_ =	sfence  }
0xbf: {  	s30 =	sld [smem:$0x0];
	_ =	sdelay $0x2  }
0xc0: {  	s31 =	sshll.u32 s1, $0xD;
	s1 =	sshrl.u32 s1, $0x2  }
0xc1: {  	s3 =	sand.u32 $0x4000, s31;
	s1 =	sadd.s32 s1, s30  }
0xc2: {  	s0 =	sor.u32 s3, s0;
	s1 =	sshll.u32 s1, $0x11  }
0xc3: {  	s0 =	sor.u32 s1, s0  }
0xc4: {  	s0 =	sadd.s32 $0x8F2B, s0  }
0xc5: {  	[sflag:s0] =	ssyncadd.remote.s32 $0x1  }
0xc6: {  	_ =	sfence.sel $0xFFFF  }
0xc7: {  	[dreg:$0x0] =	wrdreg $0xFFFFFFFF;
	(pc) =	sbr.abs _section_cstart, $3  }
0xc8: {  	[dreg:$0x1] =	wrdreg $0xFFFFFFFF  }
0xc9: {  	_ =	task.clear_ibuf [dreg:s9], $0x2FFFF;
	_ =	strace $0x9FFFFFFF  }
0xca: {  	(tm) =	ssettm $0x7FFFFFFF  }
0xcb: {  	_ =	shalt  }
tec
execute0_lowered:
.L_overlay_start_1:
0x0: {  	(tag) =	ssettag $0x1  }
0x1: {  	s5 =	rddreg [dreg:$0x0]  }
0x2: {  	s6 =	rddreg [dreg:$0x1]  }
0x3: {  	s7 =	rddreg [dreg:$0x2]  }
0x4: {  	s8 =	rddreg [dreg:$0x3]  }
0x5: {  	s0 =	rddreg [dreg:$0x4];
	s2 =	simm.s32 $0x0  }
0x6: {  	s3 =	srdreg.scid;
	s1 =	stileid.u32;
	s14 =	simm.s32 $0x410  }
0x7: {  	s15 =	simm.s32 $0x810;
	s16 =	simm.s32 $0x850;
	s17 =	simm.s32 $0x890  }
0x8: {  	s18 =	simm.s32 $0x8A0;
	s19 =	simm.s32 $0x8B0;
	s20 =	simm.s32 $0x0  }
0x9: {  	[smem:$0x7FF] =	sst s2;
	s4 =	sand.u32 $0x1, s3;
	s9 =	sshll.u32 s1, $0x1  }
0xa: {  	s3 =	sadd.s32 $0x8C00, s5;
	s9 =	sor.u32 s4, s9;
	s10 =	ssub.s32 $0x2, s4  }
0xb: {  	_ =	strace $0x80000047;
	s11 =	sshll.u32 s9, $0x1;
	s12 =	sshrl.u32 s10, $0x1  }
0xc: {  	s4 =	sadd.s32 $0xC00, s5;
	s13 =	sadd.s32 s11, s5;
	s12 =	ssub.s32 s10, s12  }
0xd: {  	v0 =	vlaneseq.u32;
	v1 =	vimm.f32 $-Inf;
	s5 =	sadd.s32 s6, s11;
	s6 =	sadd.s32 s7, s11;
	s7 =	sshll.u32 s9, $0xA  }
0xe: {  	v2 =	vimm.f32 $0.0e+00;
	v3 =	vimm.s32 $0x0;
	v4 =	vor.u32 $0x10, v0;
	s8 =	sadd.s32 s8, s11;
	s9 =	sadd.s32 $0x10C00, s13;
	s10 =	sadd.s32 $0x10E00, s13  }
0xf: {  	v5 =	vor.u32 $0x20, v0;
	v6 =	vor.u32 $0x30, v0;
	v7 =	vor.u32 $0x80000030, v0;
	s11 =	smax.u32 s12, $0x1;
	s12 =	simm.s32 $0x1;
	s13 =	simm.s32 $0x10  }
.LBB2_1:
0x10: {  	[tilespmem:s2], [sflag:$0x1] =	stream.linear.gather [hbm4b:s5+s2], $0x10, $0x38;
	[tilespmem:$0x8C0] =	vst v63  }
0x11: {  	_ =	swait.ge [sflag:s12], $0x10  }
0x12: {  	[sflag:s12] =	ssyncset.done $0x0  }
0x13: {  	[sflag:s12] =	ssyncadd.s32 $0xFFFFFFF0  }
0x14: {  	v8 =	vld [tilespmem:$0x0];
	[tilespmem:s2], [sflag:$0x1] =	stream.linear.gather [hbm4b:s6+s2], $0x10, $0x38  }
0x15: {  	_ =	swait.ge [sflag:s12], $0x10  }
0x16: {  	[sflag:s12] =	ssyncset.done $0x0  }
0x17: {  	[sflag:s12] =	ssyncadd.s32 $0xFFFFFFF0  }
0x18: {  	s21 =	simm.s32 $0x0;
	v9 =	vld [tilespmem:$0x0]  }
.LBB2_2:
0x19: {  	_ = 	snop  }
0x1a: {  	v10 =	vmov s21  }
0x1b: {  	vm0 =	veq.s32 v10, v0  }
0x1c: {  	v10 =	vnsel vm0, $0xFF800000, v8  }
0x1d: {  	(xrf0) =	vmax.scan.msk.f32 $0xffff, v10;
	v10 =	vnsel vm0, $0xFF800000, v9  }
0x1e: {  	(xrf0) =	vmax.scan.msk.f32 $0xffff, v10;
	_ =	sdelay $0x4  }
0x1f: {  	v10, _, _ =	vpop (xrf0)  }
0x20: {  	(v2sf) =	vpush v10, $0xF;
	v10, _, _ =	vpop (xrf0)  }
0x21: {  	(v2sf) =	vpush v10, $0xF;
	_ =	sdelay $0x9  }
0x22: {  	s23 =	sshll.u32 s21, $0x7  }
0x23: {  	s25 =	sadd.s32 s7, s23  }
0x24: {  	s24 =	simm.s32 $0x0;
	s26 =	sadd.s32 s3, s25  }
0x25: {  	[tilespmem:s13], [sflag:$0x1] =	stream.linear.gather [hbm4b:s26+s24], $0x400, $0x38;
	[tilespmem:$0x8C0] =	vst v63  }
0x26: {  	s22 =	spop (v2sf)  }
0x27: {  	s23 =	spop (v2sf)  }
0x28: {  	_ =	swait.ge [sflag:s12], $0x400  }
0x29: {  	[sflag:s12] =	ssyncset.done $0x0  }
0x2a: {  	s25 =	sadd.s32 s4, s25;
	[sflag:s12] =	ssyncadd.s32 $0xFFFFFC00  }
0x2b: {  	[tilespmem:s14], [sflag:$0x1] =	stream.linear.gather [hbm4b:s25+s24], $0x400, $0x38;
	[tilespmem:$0x8C0] =	vst v63  }
0x2c: {  	_ =	swait.ge [sflag:s12], $0x400  }
0x2d: {  	[sflag:s12] =	ssyncset.done $0x0  }
0x2e: {  	s25 =	sshll.u32 s21, $0x3;
	[sflag:s12] =	ssyncadd.s32 $0xFFFFFC00  }
.LBB2_3:
0x2f: {  	s26 =	simm.s32 $0x10  }
0x30: {  	s28 =	simm.s32 $0x410;
	v14 =	vld [tilespmem:s26+$0x0]  }
0x31: {  	v13 =	vld [tilespmem:s28+$0x0];
	_ =	sdelay $0x3  }
0x32: {  	v12 =	vimm.f32 $-Inf;
	v11 =	vimm.s32 $0x40000000;
	s29 =	simm.s32 $0x10;
	s30 =	simm.s32 $0x20;
	v10 =	vimm.s32 $0x40000000;
	s26 =	simm.s32 $0x0  }
.LBB2_4:
0x33: {  	v15 =	vld [tilespmem:s30+$0x0];
	vm0 =	veq.f32 v14, v12;
	vm1 =	vlt.s32 v13, v11;
	s28 =	sadd.s32 $0x10, s28;
	v16 =	vmov v13;
	s31 =	smov.u32 s29;
	p0 =	sne.s32 s29, $0x3F0  }
.Ltmp0:
0x34: {  	s29 =	sadd.s32 $0x10, s29;
	vm2 =	vgt.f32 v14, v12;
	v13 =	vld [tilespmem:s28+$0x0];
	vm0 =	vmand vm0, vm1;
	(pc) =	sbr.rel @p0 .LBB2_4-.Ltmp0, $3  }
0x35: {  	v17 =	vor.u32 s26, v0;
	s26 =	smov.u32 s31;
	vm0 =	vmor vm2, vm0  }
0x36: {  	v12 =	vsel vm0, v14, v12;
	v11 =	vsel vm0, v16, v11;
	v10 =	vsel vm0, v17, v10;
	_ =	sdelay $0x1  }
0x37: {  	s30 =	sadd.s32 $0x10, s30;
	v14 =	vmov v15  }
0x38: {  	vm0 =	veq.f32 v14, v12;
	vm1 =	vlt.s32 v13, v11  }
0x39: {  	vm2 =	vgt.f32 v14, v12;
	vm0 =	vmand vm0, vm1  }
0x3a: {  	vm0 =	vmor vm2, vm0  }
0x3b: {  	v59 =	vsel vm0, v14, v12  }
0x3c: {  	(xrf0) =	vmax.scan.msk.f32 $0xffff, v59;
	_ =	sdelay $0x5  }
0x3d: {  	v60, _, _ =	vpop (xrf0)  }
0x3e: {  	v15 =	vbroadcast v60, $0xF  }
0x3f: {  	v11 =	vsel vm0, v13, v11  }
0x40: {  	v61 =	vxor.u32 $0x80000000, v11;
	vm14 =	veq.f32 v59, v15  }
0x41: {  	v12 =	vnsel vm14, $0xC0000000, v61  }
0x42: {  	(xrf0) =	vmin.scan.msk.u32 $0xffff, v12;
	_ =	sdelay $0x5  }
0x43: {  	(v2sf) =	vpush v60, $0xF;
	v12, _, _ =	vpop (xrf0)  }
0x44: {  	(v2sf) =	vpush v12, $0xF;
	_ =	sdelay $0xd  }
0x45: {  	s28 =	spop (v2sf)  }
0x46: {  	s29 =	spop (v2sf)  }
0x47: {  	v62 =	vor.u32 s26, v0;
	s26 =	sxor.u32 $0x80000000, s29  }
0x48: {  	v10 =	vsel vm0, v62, v10;
	vm15 =	veq.s32 v11, s26  }
0x49: {  	v10 =	vxor.u32 $0x80000000, v10;
	vm0 =	vmand vm14, vm15  }
0x4a: {  	v10 =	vnsel vm0, $0xC0000000, v10  }
0x4b: {  	(xrf0) =	vmin.scan.msk.u32 $0xffff, v10;
	_ =	sdelay $0x5  }
0x4c: {  	v10, _, _ =	vpop (xrf0)  }
0x4d: {  	(v2sf) =	vpush v10, $0xF;
	_ =	sdelay $0xe  }
0x4e: {  	s30 =	spop (v2sf)  }
0x4f: {  	s29 =	sxor.u32 $0x80000000, s30  }
0x50: {  	s31 =	sadd.s32 s25, s24;
	v10 =	vmov s29  }
0x51: {  	s24 =	sadd.s32 $0x1, s24;
	s28 =	sadd.f32 s28, s23;
	v11 =	vmov s31  }
0x52: {  	p0 =	sne.s32 s24, $0x8  }
.Ltmp1:
0x53: {  	s28 =	ssub.f32 s28, s22;
	(pc) =	sbr.rel @p0 .LBB2_3-.Ltmp1, $4  }
0x54: {  	_ = 	snop  }
0x55: {  	[tilespmem:v10+s13+$0x0] =	vst.idx.msk $0x1, v1;
	v10 =	vmov s28  }
0x56: {  	v63 =	vmov s26;
	[tilespmem:v11+s15+$0x0] =	vst.idx.msk $0x1, v10  }
0x57: {  	[tilespmem:v11+s16+$0x0] =	vst.idx.msk $0x1, v63  }
0x58: {  	s21 =	sadd.s32 $0x1, s21  }
0x59: {  	p0 =	sne.s32 s21, $0x8  }
.Ltmp2:
0x5a: {  	_ = 	snop;
	(pc) =	sbr.rel @p0 .LBB2_2-.Ltmp2, $1  }
0x5b: {  	_ =	sdelay $0x3  }
0x5c: {  	v8 =	vld [tilespmem:$0x810];
	_ =	sdelay $0x1  }
0x5d: {  	v9 =	vld [tilespmem:$0x820];
	_ =	sdelay $0x2  }
0x5e: {  	vm0 =	vne.f32 v8, v8  }
0x5f: {  	v10 =	vld [tilespmem:$0x830];
	v8 =	vsel vm0, $0xFF800000, v8  }
0x60: {  	vm1 =	veq.f32 v9, v8  }
0x61: {  	vm2 =	vgt.f32 v9, v8;
	vm1 =	vmand vm0, vm1  }
0x62: {  	vm1 =	vmor vm2, vm1  }
0x63: {  	v8 =	vsel vm1, v9, v8;
	vm2 =	vmneg vm1;
	v9 =	vld [tilespmem:$0x840]  }
0x64: {  	vm3 =	veq.f32 v10, v8;
	vm2 =	vmand vm2, vm0  }
0x65: {  	v11 =	vsel vm0, $0x40000000, v0;
	vm11 =	vgt.f32 v10, v8;
	vm2 =	vmand vm2, vm3  }
0x66: {  	v11 =	vsel vm1, v4, v11;
	vm0 =	vmor vm11, vm2  }
0x67: {  	v8 =	vsel vm0, v10, v8;
	v10 =	vsel vm0, v5, v11  }
0x68: {  	vm12 =	veq.f32 v9, v8;
	vm13 =	vgt.u32 v10, v6  }
0x69: {  	vm14 =	vgt.f32 v9, v8;
	vm0 =	vmand vm13, vm12  }
0x6a: {  	vm0 =	vmor vm14, vm0  }
0x6b: {  	v8 =	vsel vm0, v9, v8  }
0x6c: {  	(xrf0) =	vmax.scan.msk.f32 $0xffff, v8;
	_ =	sdelay $0x5  }
0x6d: {  	v9, _, _ =	vpop (xrf0)  }
0x6e: {  	v9 =	vbroadcast v9, $0xF  }
0x6f: {  	v10 =	vor.u32 $0x80000000, v10  }
0x70: {  	vm15 =	veq.f32 v8, v9;
	v8 =	vsel vm0, v7, v10  }
0x71: {  	v8 =	vnsel vm15, $0xC0000000, v8  }
0x72: {  	(xrf0) =	vmin.scan.msk.u32 $0xffff, v8;
	_ =	sdelay $0x5  }
0x73: {  	v8, _, _ =	vpop (xrf0)  }
0x74: {  	(v2sf) =	vpush v8, $0xF;
	_ =	sdelay $0xe  }
0x75: {  	s21 =	spop (v2sf)  }
0x76: {  	s22 =	sxor.u32 $0x80000000, s21  }
0x77: {  	v10 =	vmov s22;
	_ =	sdelay $0x1  }
0x78: {  	[tilespmem:$0x890] =	vst v2  }
0x79: {  	[tilespmem:$0x8A0] =	vst v3  }
0x7a: {  	[tilespmem:$0x8B0] =	vst v3  }
0x7b: {  	v8 =	vld.idx.msk [tilespmem:v10+s16+$0x0], $0xffff;
	_ =	sdelay $0x4  }
0x7c: {  	v8 =	vxor.u32 $0x80000000, v8  }
0x7d: {  	(xrf0) =	vmax.scan.msk.u32 $0xffff, v8;
	_ =	sdelay $0x5  }
0x7e: {  	v8, _, _ =	vpop (xrf0)  }
0x7f: {  	(v2sf) =	vpush v8, $0xF;
	_ =	sdelay $0x8  }
0x80: {  	s23 =	simm.s32 $0x0  }
0x81: {  	s24 =	sand.u32 $0x7, s21;
	p1 =	sgt.s32 s21, $0xFFFFFFFF;
	p0 =	slt.s32 s22, $0x1  }
0x82: {  	s30 =	sshra.s32 s22, $0x1F;
	p6 =	sne.s32 s24, $0x0;
	p0 =	por p1, p0;
	v8 =	vmov s23  }
0x83: {  	s21 =	sshrl.u32 s30, $0x1D;
	p0 =	por !p6, !p0  }
0x84: {  	s21 =	sadd.s32 s21, s22;
	s22 =	simm.s32 $0x1;
	p0 =	por !p0, !p0  }
0x85: {  	s21 =	sshra.s32 s21, $0x3;
	s22 =	simm.s32 @!p0 $0x0  }
0x86: {  	s21 =	ssub.s32 s21, s22;
	[tilespmem:v10+s15+$0x0] =	vst.idx.msk $0x1, v1;
	s31 =	spop (v2sf)  }
0x87: {  	[tilespmem:v8+s17+$0x0] =	vst.idx.msk $0x1, v9;
	v9 =	vmov s21;
	s22 =	sxor.u32 $0x80000000, s31  }
0x88: {  	s21 =	simm.s32 $0x1;
	[tilespmem:v8+s18+$0x0] =	vst.idx.msk $0x1, v9;
	v9 =	vmov s22  }
.LBB2_8:
0x89: {  	p0 =	sne.s32 s21, $0x7;
	[tilespmem:v8+s19+$0x0] =	vst.idx.msk $0x1, v9;
	s22 =	smov.u32 s21;
	s21 =	sadd.s32 $0x1, s21  }
0x8a: {  	v8 =	vld [tilespmem:$0x810];
	_ =	sdelay $0x1  }
0x8b: {  	v9 =	vld [tilespmem:$0x820];
	_ =	sdelay $0x2  }
0x8c: {  	vm0 =	vne.f32 v8, v8  }
0x8d: {  	v8 =	vsel vm0, $0xFF800000, v8;
	v10 =	vld [tilespmem:$0x830]  }
0x8e: {  	vm1 =	veq.f32 v9, v8  }
0x8f: {  	vm2 =	vgt.f32 v9, v8;
	vm1 =	vmand vm0, vm1  }
0x90: {  	vm1 =	vmor vm2, vm1  }
0x91: {  	v8 =	vsel vm1, v9, v8;
	vm2 =	vmneg vm1;
	v9 =	vld [tilespmem:$0x840]  }
0x92: {  	vm3 =	veq.f32 v10, v8;
	vm2 =	vmand vm2, vm0  }
0x93: {  	v11 =	vsel vm0, $0x40000000, v0;
	vm0 =	vgt.f32 v10, v8;
	vm2 =	vmand vm2, vm3  }
0x94: {  	v11 =	vsel vm1, v4, v11;
	vm0 =	vmor vm0, vm2  }
0x95: {  	v8 =	vsel vm0, v10, v8;
	v10 =	vsel vm0, v5, v11  }
0x96: {  	vm0 =	veq.f32 v9, v8;
	vm1 =	vgt.u32 v10, v6  }
0x97: {  	vm2 =	vgt.f32 v9, v8;
	vm0 =	vmand vm1, vm0  }
0x98: {  	vm0 =	vmor vm2, vm0  }
0x99: {  	v8 =	vsel vm0, v9, v8  }
0x9a: {  	(xrf0) =	vmax.scan.msk.f32 $0xffff, v8;
	_ =	sdelay $0x5  }
0x9b: {  	v9, _, _ =	vpop (xrf0)  }
0x9c: {  	v9 =	vbroadcast v9, $0xF  }
0x9d: {  	v10 =	vor.u32 $0x80000000, v10  }
0x9e: {  	vm1 =	veq.f32 v8, v9;
	v8 =	vsel vm0, v7, v10  }
0x9f: {  	v8 =	vnsel vm1, $0xC0000000, v8  }
0xa0: {  	(xrf0) =	vmin.scan.msk.u32 $0xffff, v8;
	_ =	sdelay $0x5  }
0xa1: {  	v8, _, _ =	vpop (xrf0)  }
0xa2: {  	(v2sf) =	vpush v8, $0xF;
	_ =	sdelay $0xe  }
0xa3: {  	s23 =	spop (v2sf)  }
0xa4: {  	s24 =	sxor.u32 $0x80000000, s23;
	s25 =	sand.u32 $0x7, s23  }
0xa5: {  	p2 =	sgt.s32 s23, $0xFFFFFFFF;
	v10 =	vmov s24;
	s26 =	sshra.s32 s24, $0x1F;
	p1 =	slt.s32 s24, $0x1  }
0xa6: {  	s23 =	sshrl.u32 s26, $0x1D;
	p1 =	por p2, p1;
	p2 =	sne.s32 s25, $0x0  }
0xa7: {  	v8 =	vmov s22;
	s22 =	sadd.s32 s23, s24;
	p1 =	por !p2, !p1  }
0xa8: {  	s23 =	simm.s32 $0x1;
	p1 =	por !p1, !p1  }
0xa9: {  	s22 =	sshra.s32 s22, $0x3;
	s23 =	simm.s32 @!p1 $0x0  }
0xaa: {  	v11 =	vld.idx.msk [tilespmem:v10+s16+$0x0], $0xffff;
	s22 =	ssub.s32 s22, s23  }
0xab: {  	[tilespmem:v10+s15+$0x0] =	vst.idx.msk $0x1, v1  }
0xac: {  	[tilespmem:v8+s17+$0x0] =	vst.idx.msk $0x1, v9;
	v9 =	vmov s22  }
0xad: {  	[tilespmem:v8+s18+$0x0] =	vst.idx.msk $0x1, v9;
	_ =	sdelay $0x2  }
0xae: {  	v9 =	vxor.u32 $0x80000000, v11  }
0xaf: {  	(xrf0) =	vmax.scan.msk.u32 $0xffff, v9;
	_ =	sdelay $0x5  }
0xb0: {  	v9, _, _ =	vpop (xrf0)  }
0xb1: {  	(v2sf) =	vpush v9, $0xF;
	_ =	sdelay $0xc  }
.Ltmp3:
0xb2: {  	(pc) =	sbr.rel @p0 .LBB2_8-.Ltmp3, $4  }
0xb3: {  	_ = 	snop  }
0xb4: {  	s22 =	spop (v2sf)  }
0xb5: {  	s22 =	sxor.u32 $0x80000000, s22  }
0xb6: {  	v9 =	vmov s22  }
0xb7: {  	_ =	sdelay $0x3  }
0xb8: {  	[tilespmem:v8+s19+$0x0] =	vst.idx.msk $0x1, v9  }
0xb9: {  	[hbm4b:s8+s2] =	stream.linear.scatter [tilespmem:s17], [sflag:$0x1], $0x10, $0x38;
	[tilespmem:$0x8C0] =	vst v63  }
0xba: {  	_ =	swait.ge [sflag:s12], $0x10  }
0xbb: {  	[sflag:s12] =	ssyncset.done $0x0  }
0xbc: {  	[sflag:s12] =	ssyncadd.s32 $0xFFFFFFF0  }
0xbd: {  	[hbm4b:s9+s2] =	stream.linear.scatter [tilespmem:s18], [sflag:$0x1], $0x10, $0x38;
	[tilespmem:$0x8C0] =	vst v63  }
0xbe: {  	s20 =	sadd.s32 $0x1, s20;
	_ =	swait.ge [sflag:s12], $0x10  }
0xbf: {  	p0 =	sne.s32 s20, s11;
	[sflag:s12] =	ssyncset.done $0x0  }
.Ltmp4:
0xc0: {  	[sflag:s12] =	ssyncadd.s32 $0xFFFFFFF0;
	(pc) =	sbr.rel @p0 .LBB2_1-.Ltmp4, $4  }
0xc1: {  	[hbm4b:s10+s2] =	stream.linear.scatter [tilespmem:s19], [sflag:$0x1], $0x10, $0x38;
	[tilespmem:$0x8C0] =	vst v63  }
0xc2: {  	_ =	swait.ge [sflag:s12], $0x10  }
0xc3: {  	[sflag:s12] =	ssyncset.done $0x0  }
0xc4: {  	[sflag:s12] =	ssyncadd.s32 $0xFFFFFFF0  }
0xc5: {  	_ =	sfence.sel $0x180000  }
0xc6: {  	[bflag:$0x0] =	sbarrier.arrive $0xFFFF  }
0xc7: {  	p0 =	sne.s32 s1, $0x0;
	_ =	strace $0x90000047  }
0xc8: {  	s0 =	sadd.s32 @!p0 $0x100000, s0;
	[bflag:$0x2] =	sbarrier.arrive $0xFFFF  }
0xc9: {  	[sflag:s0] =	ssyncadd.tile.s32 @!p0 $0x1;
	_ =	shalt  }
.Lfunc_end2:
_tile_overlayer_lowered:
.L_overlay_start_2:
0xca: {  	(tag) =	ssettag $0x2  }
0xcb: {  	s0 =	rddreg [dreg:$0x0];
	s2 =	stileid.u32  }
0xcc: {  	s1 =	rddreg [dreg:$0x1];
	p0 =	sne.s32 s2, $0x0  }
0xcd: {  	s3 =	rddreg [dreg:$0x2];
	[bflag:$0x3] =	sbarrier.arrive $0xFFFF;
	s2 =	simm.s32 @!p0 $0x1C01  }
0xce: {  	[timem:s3], [sflag:s2] =	dma.local @!p0 [hbm:s0], s1  }
0xcf: {  	s0 =	simm.s32 @!p0 $0x1  }
0xd0: {  	_ =	swait.ge @!p0 [sflag:s0], s1  }
0xd1: {  	s1 =	ssub.s32 @!p0 $0x0, s1;
	[sflag:s0] =	ssyncset.done @!p0 $0x0  }
0xd2: {  	[sflag:s0] =	ssyncadd.s32 @!p0 s1  }
0xd3: {  	[bflag:$0x3] =	sbarrier.arrive $0xFFFF  }
0xd4: {  	_ =	shalt  }

</sc_bundles>
